<compile_context>
chip_gen: v7x
topology: tpu7x:2x2x1
jax: 0.10.2.dev20260603
libtpu: 0.0.44.dev20260713+nightly
codegen_flags: <defaults>
</compile_context>

<pallas_src>
import functools

import jax
import jax.numpy as jnp
from jax import lax
from jax.experimental import pallas as pl
from jax.experimental.pallas import tpu as pltpu
from jax.experimental.pallas import tpu_sc as plsc

N = 10000
E = 320000
D = 128
A = 64

NCORES = 2
NSUB = 16
NTILES = NCORES * NSUB
EPT = E // NTILES
CH = 80
NCHUNK = EPT // CH
NPAD = 10240
RPT = NPAD // NSUB
ZR = 64

_MESH = plsc.VectorSubcoreMesh(core_axis_name="c", subcore_axis_name="s")


def _zv():
    return jnp.zeros((16,), jnp.float32)


def _node_body(x_ref, wqk_ref, wy_ref, by_ref, qk_ref, vy_ref):
    x = x_ref[...]
    qk_ref[...] = jnp.dot(x, wqk_ref[...], preferred_element_type=jnp.float32)
    vy_ref[...] = (
        jnp.dot(x, wy_ref[...], preferred_element_type=jnp.float32) + by_ref[...]
    )


def _node_stage(X, Wqk, Wy, by):
    return pl.pallas_call(
        _node_body,
        out_shape=[
            jax.ShapeDtypeStruct((N, D), jnp.float32),
            jax.ShapeDtypeStruct((N, D), jnp.float32),
        ],
    )(X, Wqk, Wy, by.reshape(1, D))


def _gather_body(qk_hbm, src_hbm, dst_hbm, g_hbm,
                 sidx, didx, qks, qkd, gb,
                 sem_si, sem_di, sem_gq, sem_gk, sem_wb):
    c = lax.axis_index("c")
    s = lax.axis_index("s")
    tile_base = (c * NSUB + s) * EPT

    def start_idx(i, b):
        base = tile_base + i * CH
        pltpu.async_copy(src_hbm.at[pl.ds(base, CH)], sidx.at[b], sem_si)
        pltpu.async_copy(dst_hbm.at[pl.ds(base, CH)], didx.at[b], sem_di)

    def wait_idx(b):
        pltpu.make_async_copy(src_hbm.at[pl.ds(0, CH)], sidx.at[b], sem_si).wait()
        pltpu.make_async_copy(dst_hbm.at[pl.ds(0, CH)], didx.at[b], sem_di).wait()

    def start_gathers(b):
        pltpu.async_copy(qk_hbm.at[sidx.at[b]], qks.at[b], sem_gq)
        pltpu.async_copy(qk_hbm.at[didx.at[b]], qkd.at[b], sem_gk)

    start_idx(0, 0)
    wait_idx(0)
    start_gathers(0)
    start_idx(1, 1)

    def chunk(i, carry):
        b = lax.rem(i, 2)
        nb = 1 - b

        @pl.when(i + 1 < NCHUNK)
        def _():
            wait_idx(nb)
            start_gathers(nb)

        pltpu.make_async_copy(qk_hbm.at[sidx.at[b]], qks.at[b], sem_gq).wait()
        pltpu.make_async_copy(qk_hbm.at[didx.at[b]], qkd.at[b], sem_gk).wait()

        @pl.when(i + 2 < NCHUNK)
        def _():
            start_idx(i + 2, b)

        @pl.when(i >= 1)
        def _():
            pltpu.make_async_copy(
                gb.at[nb], g_hbm.at[pl.ds(0, CH)], sem_wb
            ).wait()

        @plsc.parallel_loop(0, CH, unroll=8)
        def addrow(r):
            for l in range(A // 16):
                gb[b, r, pl.ds(l * 16, 16)] = (
                    qks[b, r, pl.ds(l * 16, 16)]
                    + qkd[b, r, pl.ds(A + l * 16, 16)]
                )
        base = tile_base + i * CH
        pltpu.async_copy(gb.at[b], g_hbm.at[pl.ds(base, CH)], sem_wb)
        return carry

    lax.fori_loop(0, NCHUNK, chunk, 0)
    pltpu.make_async_copy(gb.at[0], g_hbm.at[pl.ds(0, CH)], sem_wb).wait()


def _gather_stage(qk, src, dst):
    f = functools.partial(
        pl.kernel,
        out_type=jax.ShapeDtypeStruct((E, A), jnp.float32),
        mesh=_MESH,
        scratch_types=[
            pltpu.VMEM((2, CH), jnp.int32),
            pltpu.VMEM((2, CH), jnp.int32),
            pltpu.VMEM((2, CH, D), jnp.float32),
            pltpu.VMEM((2, CH, D), jnp.float32),
            pltpu.VMEM((2, CH, A), jnp.float32),
            pltpu.SemaphoreType.DMA,
            pltpu.SemaphoreType.DMA,
            pltpu.SemaphoreType.DMA,
            pltpu.SemaphoreType.DMA,
            pltpu.SemaphoreType.DMA,
        ],
    )(_gather_body)
    return f(qk, src, dst)


BE = 2560


def _edge_body(g_ref, wphi_ref, we_ref, be_ref, wve_ref, wb_ref):
    e = jnp.tanh(g_ref[...])
    sc = jnp.sum(e * wphi_ref[...], axis=1, keepdims=True)
    w = jnp.exp(sc)
    ve = jnp.dot(
        e.astype(jnp.bfloat16),
        we_ref[...].astype(jnp.bfloat16),
        preferred_element_type=jnp.float32,
    ) + be_ref[...]
    wve_ref[...] = w * ve
    wb_ref[...] = jnp.broadcast_to(w, (BE, 16))


def _edge_stage(g, Wphi, We, be):
    return pl.pallas_call(
        _edge_body,
        grid=(E // BE,),
        in_specs=[
            pl.BlockSpec((BE, A), lambda i: (i, 0)),
            pl.BlockSpec((1, A), lambda i: (0, 0)),
            pl.BlockSpec((A, D), lambda i: (0, 0)),
            pl.BlockSpec((1, D), lambda i: (0, 0)),
        ],
        out_specs=[
            pl.BlockSpec((BE, D), lambda i: (i, 0)),
            pl.BlockSpec((BE, 16), lambda i: (i, 0)),
        ],
        out_shape=[
            jax.ShapeDtypeStruct((E, D), jnp.float32),
            jax.ShapeDtypeStruct((E, 16), jnp.float32),
        ],
    )(g, Wphi.reshape(1, A), We, be.reshape(1, D))


def _scatter_body(wve_hbm, wbb_hbm, vy_hbm, src_hbm, dst_hbm, z_hbm,
                  p0_hbm, p1_hbm, pd0_hbm, pd1_hbm,
                  sidx, didx, mb, vyb, wbb,
                  sem_si, sem_di, sem_m, sem_w, sem_v, sem_sc, acc_sh):
    c = lax.axis_index("c")
    s = lax.axis_index("s")
    tile = c * NSUB + s
    tile_base = tile * EPT

    def zcopy(j, carry):
        pltpu.sync_copy(z_hbm, acc_sh.at[pl.ds(s * RPT + j * ZR, ZR)])
        return carry

    lax.fori_loop(0, RPT // ZR, zcopy, 0)
    plsc.subcore_barrier()

    def start_loads(i, b):
        base = tile_base + i * CH
        pltpu.async_copy(src_hbm.at[pl.ds(base, CH)], sidx.at[b], sem_si)
        pltpu.async_copy(dst_hbm.at[pl.ds(base, CH)], didx.at[b], sem_di)
        pltpu.async_copy(wve_hbm.at[pl.ds(base, CH)], mb.at[b], sem_m)
        pltpu.async_copy(wbb_hbm.at[pl.ds(base * 16, CH * 16)], wbb.at[b], sem_w)

    def wait_sc():
        pltpu.make_async_copy(mb.at[0], acc_sh.at[sidx.at[0]], sem_sc).wait()

    def wait_idx(b):
        pltpu.make_async_copy(src_hbm.at[pl.ds(0, CH)], sidx.at[b], sem_si).wait()
        pltpu.make_async_copy(dst_hbm.at[pl.ds(0, CH)], didx.at[b], sem_di).wait()

    start_loads(0, 0)
    wait_idx(0)
    pltpu.async_copy(vy_hbm.at[didx.at[0]], vyb.at[0], sem_v)

    def chunk(i, carry):
        b = lax.rem(i, 2)
        nb = 1 - b

        @pl.when(i >= 1)
        def _():
            wait_sc()

        @pl.when(i + 1 < NCHUNK)
        def _():
            start_loads(i + 1, nb)
            wait_idx(nb)
            pltpu.async_copy(vy_hbm.at[didx.at[nb]], vyb.at[nb], sem_v)

        pltpu.make_async_copy(wve_hbm.at[pl.ds(0, CH)], mb.at[b], sem_m).wait()
        pltpu.make_async_copy(wbb_hbm.at[pl.ds(0, CH * 16)], wbb.at[b], sem_w).wait()
        pltpu.make_async_copy(vy_hbm.at[didx.at[b]], vyb.at[b], sem_v).wait()

        @plsc.parallel_loop(0, CH, unroll=8)
        def frow(r):
            wv = wbb[b, pl.ds(r * 16, 16)]
            for l in range(D // 16):
                sl = pl.ds(l * 16, 16)
                mb[b, r, sl] = mb[b, r, sl] + wv * vyb[b, r, sl]
        pltpu.async_copy(mb.at[b], acc_sh.at[sidx.at[b]], sem_sc, add=True)
        return carry

    lax.fori_loop(0, NCHUNK, chunk, 0)
    wait_sc()
    plsc.subcore_barrier()

    row0 = s * RPT

    @pl.when(c == 0)
    def _():
        pltpu.sync_copy(acc_sh.at[pl.ds(row0, RPT)], p0_hbm.at[pl.ds(row0, RPT)])

    @pl.when(c == 1)
    def _():
        pltpu.sync_copy(acc_sh.at[pl.ds(row0, RPT)], p1_hbm.at[pl.ds(row0, RPT)])

    plsc.subcore_barrier()
    lax.fori_loop(0, RPT // ZR, zcopy, 0)
    plsc.subcore_barrier()

    def start_dloads(i, b):
        base = tile_base + i * CH
        pltpu.async_copy(src_hbm.at[pl.ds(base, CH)], sidx.at[b], sem_si)
        pltpu.async_copy(wbb_hbm.at[pl.ds(base * 16, CH * 16)], wbb.at[b], sem_w)

    start_dloads(0, 0)

    def dchunk(i, carry):
        b = lax.rem(i, 2)
        nb = 1 - b
        pltpu.make_async_copy(src_hbm.at[pl.ds(0, CH)], sidx.at[b], sem_si).wait()

        @pl.when(i >= 1)
        def _():
            wait_sc()

        @pl.when(i + 1 < NCHUNK)
        def _():
            start_dloads(i + 1, nb)

        pltpu.make_async_copy(wbb_hbm.at[pl.ds(0, CH * 16)], wbb.at[b], sem_w).wait()

        @plsc.parallel_loop(0, CH, unroll=8)
        def wrow(r):
            wv = wbb[b, pl.ds(r * 16, 16)]
            mb[b, r, pl.ds(0, 16)] = wv
        pltpu.async_copy(mb.at[b], acc_sh.at[sidx.at[b]], sem_sc, add=True)
        return carry

    lax.fori_loop(0, NCHUNK, dchunk, 0)
    wait_sc()
    plsc.subcore_barrier()

    @pl.when(c == 0)
    def _():
        pltpu.sync_copy(acc_sh.at[pl.ds(row0, RPT)], pd0_hbm.at[pl.ds(row0, RPT)])

    @pl.when(c == 1)
    def _():
        pltpu.sync_copy(acc_sh.at[pl.ds(row0, RPT)], pd1_hbm.at[pl.ds(row0, RPT)])


def _scatter_stage(wve, wbb, vy, src, dst):
    f = functools.partial(
        pl.kernel,
        out_type=[
            jax.ShapeDtypeStruct((NPAD, D), jnp.float32),
            jax.ShapeDtypeStruct((NPAD, D), jnp.float32),
            jax.ShapeDtypeStruct((NPAD, D), jnp.float32),
            jax.ShapeDtypeStruct((NPAD, D), jnp.float32),
        ],
        mesh=_MESH,
        scratch_types=[
            pltpu.VMEM((2, CH), jnp.int32),
            pltpu.VMEM((2, CH), jnp.int32),
            pltpu.VMEM((2, CH, D), jnp.float32),
            pltpu.VMEM((2, CH, D), jnp.float32),
            pltpu.VMEM((2, CH * 16), jnp.float32),
            pltpu.SemaphoreType.DMA,
            pltpu.SemaphoreType.DMA,
            pltpu.SemaphoreType.DMA,
            pltpu.SemaphoreType.DMA,
            pltpu.SemaphoreType.DMA,
            pltpu.SemaphoreType.DMA,
            pltpu.VMEM_SHARED((NPAD, D), jnp.float32),
        ],
    )(_scatter_body)
    return f(wve, wbb.reshape(E * 16), vy, src, dst, jnp.zeros((ZR, D), jnp.float32))


RB = 2000


def _final_body(p0_ref, p1_ref, pd0_ref, pd1_ref, o_ref):
    psum = p0_ref[...] + p1_ref[...]
    den = pd0_ref[...][:, 0:1] + pd1_ref[...][:, 0:1]
    o_ref[...] = psum / (den + 1e-9)


def _final_stage(p0, p1, pd0, pd1):
    return pl.pallas_call(
        _final_body,
        grid=(N // RB,),
        in_specs=[
            pl.BlockSpec((RB, D), lambda i: (i, 0)),
            pl.BlockSpec((RB, D), lambda i: (i, 0)),
            pl.BlockSpec((RB, D), lambda i: (i, 0)),
            pl.BlockSpec((RB, D), lambda i: (i, 0)),
        ],
        out_specs=pl.BlockSpec((RB, D), lambda i: (i, 0)),
        out_shape=jax.ShapeDtypeStruct((N, D), jnp.float32),
    )(p0, p1, pd0, pd1)


def kernel(X, edge_index, Wq, Wk, Wphi, Wy, by, We, be):
    src = edge_index[0]
    dst = edge_index[1]
    Wqk = jnp.concatenate([Wq, Wk], axis=1)
    qk, vy = _node_stage(X, Wqk, Wy, by)
    g = _gather_stage(qk, src, dst)
    wve, wbb = _edge_stage(g, Wphi, We, be)
    p0, p1, pd0, pd1 = _scatter_stage(wve, wbb, vy, src, dst)
    return _final_stage(p0, p1, pd0, pd1)

# --- scband reference (transcript-rebuilt; emitter-appended) ---
"""Pipeline reference for scband-edge-flexible-attention-88493506166791 (READ-ONLY COPY).

The authoritative reference and input builder live on the scoring server;
editing this copy changes nothing except your own understanding.
"""

import jax, jax.numpy as jnp
import numpy as np

N = 10000
E = 320000
D = 128
A = 64


def setup_inputs(seed: int = 0) -> dict:
    key = jax.random.key(seed)
    ks = jax.random.split(key, 9)
    X = jax.random.normal(ks[0], (N, D), dtype=jnp.float32)
    edge_index = jax.random.randint(ks[1], (2, E), 0, N, dtype=jnp.int32)
    Wq = jax.random.normal(ks[2], (D, A), dtype=jnp.float32) * 0.05
    Wk = jax.random.normal(ks[3], (D, A), dtype=jnp.float32) * 0.05
    Wphi = jax.random.normal(ks[4], (A, 1), dtype=jnp.float32) * 0.05
    Wy = jax.random.normal(ks[5], (D, D), dtype=jnp.float32) * 0.05
    by = jax.random.normal(ks[6], (D,), dtype=jnp.float32) * 0.05
    We = jax.random.normal(ks[7], (A, D), dtype=jnp.float32) * 0.05
    be = jax.random.normal(ks[8], (D,), dtype=jnp.float32) * 0.05
    return {"X": X, "edge_index": edge_index, "Wq": Wq, "Wk": Wk, "Wphi": Wphi, "Wy": Wy, "by": by, "We": We, "be": be}


def reference(X, edge_index, Wq, Wk, Wphi, Wy, by, We, be):
    src = edge_index[0]
    dst = edge_index[1]
    q = (X @ Wq)[src]
    k = (X @ Wk)[dst]
    e = jnp.tanh(q + k)
    scores = (e @ Wphi)[:, 0]
    scores = scores - jnp.max(scores)
    exp_scores = jnp.exp(scores)
    denom = jax.ops.segment_sum(exp_scores, src, num_segments=N)
    alpha = exp_scores / (denom[src] + 1e-09)
    vy = (X @ Wy + by)[dst]
    ve = e @ We + be
    msg = alpha[:, None] * (vy + ve)
    out = jax.ops.segment_sum(msg, src, num_segments=N)
    return out

if __name__ == "__main__":
    import jax
    _d = setup_inputs()
    print(jax.jit(kernel)(*tuple(_d.values())))

</pallas_src>

<mosaic_0001>
#map = affine_map<(d0, d1) -> (0, 0)>
#map1 = affine_map<(d0, d1) -> (0)>
module attributes {stable_mosaic.version = 14 : i64} {
  func.func @_gather_body(%arg0: i32, %arg1: i32, %arg2: memref<10000x128xf32, #tpu.memory_space<hbm>>, %arg3: memref<320000xi32, #tpu.memory_space<hbm>>, %arg4: memref<320000xi32, #tpu.memory_space<hbm>>, %arg5: memref<320000x64xf32, #tpu.memory_space<hbm>>, %arg6: memref<2x80xi32, #tpu.memory_space<vmem>>, %arg7: memref<2x80xi32, #tpu.memory_space<vmem>>, %arg8: memref<2x80x128xf32, #tpu.memory_space<vmem>>, %arg9: memref<2x80x128xf32, #tpu.memory_space<vmem>>, %arg10: memref<2x80x64xf32, #tpu.memory_space<vmem>>, %arg11: memref<!tpu.dma_semaphore, #tpu.memory_space<semaphore_mem>>, %arg12: memref<!tpu.dma_semaphore, #tpu.memory_space<semaphore_mem>>, %arg13: memref<!tpu.dma_semaphore, #tpu.memory_space<semaphore_mem>>, %arg14: memref<!tpu.dma_semaphore, #tpu.memory_space<semaphore_mem>>, %arg15: memref<!tpu.dma_semaphore, #tpu.memory_space<semaphore_mem>>) attributes {dimension_semantics = [#tpu.dimension_semantics<core_parallel>, #tpu.dimension_semantics<subcore_parallel>], iteration_bounds = array<i64: 2, 16>, scalar_prefetch = 0 : i64, scratch_operands = 10 : i64, tpu.core_type = #tpu.core_type<sc_vector_subcore>, window_params = [{transform_indices = #map}, {transform_indices = #map1}, {transform_indices = #map1}, {transform_indices = #map}]} {
    %mul3A = arith.constant 16 : i32
    %mul3A_0 = arith.muli %arg0, %mul3A : i32
    %add3A = arith.addi %mul3A_0, %arg1 : i32
    %mul3A_1 = arith.constant 10000 : i32
    %mul3A_2 = arith.muli %add3A, %mul3A_1 : i32
    %add3A_3 = arith.constant 0 : i32
    %add3A_4 = arith.addi %mul3A_2, %add3A_3 : i32
    %dma_start3A = arith.constant 0 : i32
    %dma_start3A_5 = arith.constant 0 : i32
    %dma_start3A_6 = tpu.memref_slice %arg6[%dma_start3A, %dma_start3A_5] : memref<2x80xi32, #tpu.memory_space<vmem>> -> memref<1x80xi32, #tpu.memory_space<vmem>>
    %dma_start3A_7 = tpu.memref_squeeze %dma_start3A_6 : memref<1x80xi32, #tpu.memory_space<vmem>> -> memref<80xi32, #tpu.memory_space<vmem>>
    %dma_start3A_8 = tpu.memref_slice %arg3[%add3A_4] : memref<320000xi32, #tpu.memory_space<hbm>> -> memref<80xi32, #tpu.memory_space<hbm>>
    %dma_start3A_9 = arith.constant 0 : i32
    %dma_start3A_10 = tpu.memref_slice %arg6[%dma_start3A, %dma_start3A_9] : memref<2x80xi32, #tpu.memory_space<vmem>> -> memref<1x80xi32, #tpu.memory_space<vmem>>
    %dma_start3A_11 = tpu.memref_squeeze %dma_start3A_10 : memref<1x80xi32, #tpu.memory_space<vmem>> -> memref<80xi32, #tpu.memory_space<vmem>>
    %dma_start3A_12 = tpu.memref_slice %arg3[%add3A_4] : memref<320000xi32, #tpu.memory_space<hbm>> -> memref<80xi32, #tpu.memory_space<hbm>>
    tpu.enqueue_dma source(%dma_start3A_12 : memref<80xi32, #tpu.memory_space<hbm>>) target(%dma_start3A_11 : memref<80xi32, #tpu.memory_space<vmem>>) target_semaphore(%arg11 : memref<!tpu.dma_semaphore, #tpu.memory_space<semaphore_mem>>)
    %dma_start3A_13 = arith.constant 0 : i32
    %dma_start3A_14 = arith.constant 0 : i32
    %dma_start3A_15 = tpu.memref_slice %arg7[%dma_start3A_13, %dma_start3A_14] : memref<2x80xi32, #tpu.memory_space<vmem>> -> memref<1x80xi32, #tpu.memory_space<vmem>>
    %dma_start3A_16 = tpu.memref_squeeze %dma_start3A_15 : memref<1x80xi32, #tpu.memory_space<vmem>> -> memref<80xi32, #tpu.memory_space<vmem>>
    %dma_start3A_17 = tpu.memref_slice %arg4[%add3A_4] : memref<320000xi32, #tpu.memory_space<hbm>> -> memref<80xi32, #tpu.memory_space<hbm>>
    %dma_start3A_18 = arith.constant 0 : i32
    %dma_start3A_19 = tpu.memref_slice %arg7[%dma_start3A_13, %dma_start3A_18] : memref<2x80xi32, #tpu.memory_space<vmem>> -> memref<1x80xi32, #tpu.memory_space<vmem>>
    %dma_start3A_20 = tpu.memref_squeeze %dma_start3A_19 : memref<1x80xi32, #tpu.memory_space<vmem>> -> memref<80xi32, #tpu.memory_space<vmem>>
    %dma_start3A_21 = tpu.memref_slice %arg4[%add3A_4] : memref<320000xi32, #tpu.memory_space<hbm>> -> memref<80xi32, #tpu.memory_space<hbm>>
    tpu.enqueue_dma source(%dma_start3A_21 : memref<80xi32, #tpu.memory_space<hbm>>) target(%dma_start3A_20 : memref<80xi32, #tpu.memory_space<vmem>>) target_semaphore(%arg12 : memref<!tpu.dma_semaphore, #tpu.memory_space<semaphore_mem>>)
    %dma_wait3A = arith.constant 0 : i32
    %dma_wait3A_22 = arith.constant 0 : i32
    %dma_wait3A_23 = tpu.memref_slice %arg6[%dma_wait3A, %dma_wait3A_22] : memref<2x80xi32, #tpu.memory_space<vmem>> -> memref<1x80xi32, #tpu.memory_space<vmem>>
    %dma_wait3A_24 = tpu.memref_squeeze %dma_wait3A_23 : memref<1x80xi32, #tpu.memory_space<vmem>> -> memref<80xi32, #tpu.memory_space<vmem>>
    %dma_wait3A_25 = arith.constant 0 : i32
    %dma_wait3A_26 = tpu.memref_slice %arg3[%dma_wait3A_25] : memref<320000xi32, #tpu.memory_space<hbm>> -> memref<80xi32, #tpu.memory_space<hbm>>
    %dma_wait3A_27 = arith.constant 0 : i32
    %dma_wait3A_28 = tpu.memref_slice %arg6[%dma_wait3A, %dma_wait3A_27] : memref<2x80xi32, #tpu.memory_space<vmem>> -> memref<1x80xi32, #tpu.memory_space<vmem>>
    %dma_wait3A_29 = tpu.memref_squeeze %dma_wait3A_28 : memref<1x80xi32, #tpu.memory_space<vmem>> -> memref<80xi32, #tpu.memory_space<vmem>>
    %dma_wait3A_30 = arith.constant 0 : i32
    %dma_wait3A_31 = tpu.memref_slice %arg3[%dma_wait3A_30] : memref<320000xi32, #tpu.memory_space<hbm>> -> memref<80xi32, #tpu.memory_space<hbm>>
    tpu.wait_dma2 semaphore(%arg11 : memref<!tpu.dma_semaphore, #tpu.memory_space<semaphore_mem>>) src(%dma_wait3A_31 : memref<80xi32, #tpu.memory_space<hbm>>) dst(%dma_wait3A_29 : memref<80xi32, #tpu.memory_space<vmem>>)
    %dma_wait3A_32 = arith.constant 0 : i32
    %dma_wait3A_33 = arith.constant 0 : i32
    %dma_wait3A_34 = tpu.memref_slice %arg7[%dma_wait3A_32, %dma_wait3A_33] : memref<2x80xi32, #tpu.memory_space<vmem>> -> memref<1x80xi32, #tpu.memory_space<vmem>>
    %dma_wait3A_35 = tpu.memref_squeeze %dma_wait3A_34 : memref<1x80xi32, #tpu.memory_space<vmem>> -> memref<80xi32, #tpu.memory_space<vmem>>
    %dma_wait3A_36 = arith.constant 0 : i32
    %dma_wait3A_37 = tpu.memref_slice %arg4[%dma_wait3A_36] : memref<320000xi32, #tpu.memory_space<hbm>> -> memref<80xi32, #tpu.memory_space<hbm>>
    %dma_wait3A_38 = arith.constant 0 : i32
    %dma_wait3A_39 = tpu.memref_slice %arg7[%dma_wait3A_32, %dma_wait3A_38] : memref<2x80xi32, #tpu.memory_space<vmem>> -> memref<1x80xi32, #tpu.memory_space<vmem>>
    %dma_wait3A_40 = tpu.memref_squeeze %dma_wait3A_39 : memref<1x80xi32, #tpu.memory_space<vmem>> -> memref<80xi32, #tpu.memory_space<vmem>>
    %dma_wait3A_41 = arith.constant 0 : i32
    %dma_wait3A_42 = tpu.memref_slice %arg4[%dma_wait3A_41] : memref<320000xi32, #tpu.memory_space<hbm>> -> memref<80xi32, #tpu.memory_space<hbm>>
    tpu.wait_dma2 semaphore(%arg12 : memref<!tpu.dma_semaphore, #tpu.memory_space<semaphore_mem>>) src(%dma_wait3A_42 : memref<80xi32, #tpu.memory_space<hbm>>) dst(%dma_wait3A_40 : memref<80xi32, #tpu.memory_space<vmem>>)
    %dma_start3A_43 = arith.constant 0 : i32
    %dma_start3A_44 = arith.constant 0 : i32
    %dma_start3A_45 = arith.constant 0 : i32
    %dma_start3A_46 = arith.constant 0 : i32
    %dma_start3A_47 = tpu.memref_slice %arg8[%dma_start3A_44, %dma_start3A_45, %dma_start3A_46] : memref<2x80x128xf32, #tpu.memory_space<vmem>> -> memref<1x80x128xf32, #tpu.memory_space<vmem>>
    %dma_start3A_48 = tpu.memref_squeeze %dma_start3A_47 : memref<1x80x128xf32, #tpu.memory_space<vmem>> -> memref<80x128xf32, #tpu.memory_space<vmem>>
    %dma_start3A_49 = arith.constant 0 : i32
    %dma_start3A_50 = tpu.memref_slice %arg6[%dma_start3A_43, %dma_start3A_49] : memref<2x80xi32, #tpu.memory_space<vmem>> -> memref<1x80xi32, #tpu.memory_space<vmem>>
    %dma_start3A_51 = tpu.memref_squeeze %dma_start3A_50 : memref<1x80xi32, #tpu.memory_space<vmem>> -> memref<80xi32, #tpu.memory_space<vmem>>
    %dma_start3A_52 = arith.constant 0 : i32
    %dma_start3A_53 = arith.constant 0 : i32
    %dma_start3A_54 = tpu.memref_slice %arg2[%dma_start3A_52, %dma_start3A_53] : memref<10000x128xf32, #tpu.memory_space<hbm>> -> memref<10000x128xf32, #tpu.memory_space<hbm>>
    tpu.enqueue_indirect_dma source(%dma_start3A_54 : memref<10000x128xf32, #tpu.memory_space<hbm>>) target(%dma_start3A_48 : memref<80x128xf32, #tpu.memory_space<vmem>>) offsets(%dma_start3A_51 : memref<80xi32, #tpu.memory_space<vmem>>) semaphore(%arg13 : memref<!tpu.dma_semaphore, #tpu.memory_space<semaphore_mem>>)
    %dma_start3A_55 = arith.constant 0 : i32
    %dma_start3A_56 = arith.constant 0 : i32
    %dma_start3A_57 = arith.constant 0 : i32
    %dma_start3A_58 = arith.constant 0 : i32
    %dma_start3A_59 = tpu.memref_slice %arg9[%dma_start3A_56, %dma_start3A_57, %dma_start3A_58] : memref<2x80x128xf32, #tpu.memory_space<vmem>> -> memref<1x80x128xf32, #tpu.memory_space<vmem>>
    %dma_start3A_60 = tpu.memref_squeeze %dma_start3A_59 : memref<1x80x128xf32, #tpu.memory_space<vmem>> -> memref<80x128xf32, #tpu.memory_space<vmem>>
    %dma_start3A_61 = arith.constant 0 : i32
    %dma_start3A_62 = tpu.memref_slice %arg7[%dma_start3A_55, %dma_start3A_61] : memref<2x80xi32, #tpu.memory_space<vmem>> -> memref<1x80xi32, #tpu.memory_space<vmem>>
    %dma_start3A_63 = tpu.memref_squeeze %dma_start3A_62 : memref<1x80xi32, #tpu.memory_space<vmem>> -> memref<80xi32, #tpu.memory_space<vmem>>
    %dma_start3A_64 = arith.constant 0 : i32
    %dma_start3A_65 = arith.constant 0 : i32
    %dma_start3A_66 = tpu.memref_slice %arg2[%dma_start3A_64, %dma_start3A_65] : memref<10000x128xf32, #tpu.memory_space<hbm>> -> memref<10000x128xf32, #tpu.memory_space<hbm>>
    tpu.enqueue_indirect_dma source(%dma_start3A_66 : memref<10000x128xf32, #tpu.memory_space<hbm>>) target(%dma_start3A_60 : memref<80x128xf32, #tpu.memory_space<vmem>>) offsets(%dma_start3A_63 : memref<80xi32, #tpu.memory_space<vmem>>) semaphore(%arg14 : memref<!tpu.dma_semaphore, #tpu.memory_space<semaphore_mem>>)
    %add3A_67 = arith.constant 80 : i32
    %add3A_68 = arith.addi %mul3A_2, %add3A_67 : i32
    %dma_start3A_69 = arith.constant 1 : i32
    %dma_start3A_70 = arith.constant 0 : i32
    %dma_start3A_71 = tpu.memref_slice %arg6[%dma_start3A_69, %dma_start3A_70] : memref<2x80xi32, #tpu.memory_space<vmem>> -> memref<1x80xi32, #tpu.memory_space<vmem>>
    %dma_start3A_72 = tpu.memref_squeeze %dma_start3A_71 : memref<1x80xi32, #tpu.memory_space<vmem>> -> memref<80xi32, #tpu.memory_space<vmem>>
    %dma_start3A_73 = tpu.memref_slice %arg3[%add3A_68] : memref<320000xi32, #tpu.memory_space<hbm>> -> memref<80xi32, #tpu.memory_space<hbm>>
    %dma_start3A_74 = arith.constant 0 : i32
    %dma_start3A_75 = tpu.memref_slice %arg6[%dma_start3A_69, %dma_start3A_74] : memref<2x80xi32, #tpu.memory_space<vmem>> -> memref<1x80xi32, #tpu.memory_space<vmem>>
    %dma_start3A_76 = tpu.memref_squeeze %dma_start3A_75 : memref<1x80xi32, #tpu.memory_space<vmem>> -> memref<80xi32, #tpu.memory_space<vmem>>
    %dma_start3A_77 = tpu.memref_slice %arg3[%add3A_68] : memref<320000xi32, #tpu.memory_space<hbm>> -> memref<80xi32, #tpu.memory_space<hbm>>
    tpu.enqueue_dma source(%dma_start3A_77 : memref<80xi32, #tpu.memory_space<hbm>>) target(%dma_start3A_76 : memref<80xi32, #tpu.memory_space<vmem>>) target_semaphore(%arg11 : memref<!tpu.dma_semaphore, #tpu.memory_space<semaphore_mem>>)
    %dma_start3A_78 = arith.constant 1 : i32
    %dma_start3A_79 = arith.constant 0 : i32
    %dma_start3A_80 = tpu.memref_slice %arg7[%dma_start3A_78, %dma_start3A_79] : memref<2x80xi32, #tpu.memory_space<vmem>> -> memref<1x80xi32, #tpu.memory_space<vmem>>
    %dma_start3A_81 = tpu.memref_squeeze %dma_start3A_80 : memref<1x80xi32, #tpu.memory_space<vmem>> -> memref<80xi32, #tpu.memory_space<vmem>>
    %dma_start3A_82 = tpu.memref_slice %arg4[%add3A_68] : memref<320000xi32, #tpu.memory_space<hbm>> -> memref<80xi32, #tpu.memory_space<hbm>>
    %dma_start3A_83 = arith.constant 0 : i32
    %dma_start3A_84 = tpu.memref_slice %arg7[%dma_start3A_78, %dma_start3A_83] : memref<2x80xi32, #tpu.memory_space<vmem>> -> memref<1x80xi32, #tpu.memory_space<vmem>>
    %dma_start3A_85 = tpu.memref_squeeze %dma_start3A_84 : memref<1x80xi32, #tpu.memory_space<vmem>> -> memref<80xi32, #tpu.memory_space<vmem>>
    %dma_start3A_86 = tpu.memref_slice %arg4[%add3A_68] : memref<320000xi32, #tpu.memory_space<hbm>> -> memref<80xi32, #tpu.memory_space<hbm>>
    tpu.enqueue_dma source(%dma_start3A_86 : memref<80xi32, #tpu.memory_space<hbm>>) target(%dma_start3A_85 : memref<80xi32, #tpu.memory_space<vmem>>) target_semaphore(%arg12 : memref<!tpu.dma_semaphore, #tpu.memory_space<semaphore_mem>>)
    %scan3A = arith.constant 0 : i32
    %scan3A_87 = arith.constant 0 : i32
    %scan3A_88 = arith.constant 125 : i32
    %scan3A_89 = arith.addi %scan3A_87, %scan3A_88 : i32
    %scan3A_90 = arith.constant 1 : i32
    scf.for %scan3A_107 = %scan3A_87 to %scan3A_89 step %scan3A_90  : i32 {
      %rem3A = arith.constant 2 : i32
      %rem3A_108 = arith.remsi %scan3A_107, %rem3A : i32
      %sub3A = arith.constant 1 : i32
      %sub3A_109 = arith.subi %sub3A, %rem3A_108 : i32
      %add3A_110 = arith.constant 1 : i32
      %add3A_111 = arith.addi %scan3A_107, %add3A_110 : i32
      %lt3A = arith.constant 125 : i32
      %lt3A_112 = arith.cmpi slt, %add3A_111, %lt3A : i32
      %convert_element_type3A = arith.extui %lt3A_112 : i1 to i32
      %cond3A = arith.constant 0 : i32
      %cond3A_113 = arith.cmpi ne, %convert_element_type3A, %cond3A : i32
      scf.if %cond3A_113 {
        %dma_wait3A_162 = arith.constant 0 : i32
        %dma_wait3A_163 = tpu.memref_slice %arg6[%sub3A_109, %dma_wait3A_162] : memref<2x80xi32, #tpu.memory_space<vmem>> -> memref<1x80xi32, #tpu.memory_space<vmem>>
        %dma_wait3A_164 = tpu.memref_squeeze %dma_wait3A_163 : memref<1x80xi32, #tpu.memory_space<vmem>> -> memref<80xi32, #tpu.memory_space<vmem>>
        %dma_wait3A_165 = arith.constant 0 : i32
        %dma_wait3A_166 = tpu.memref_slice %arg3[%dma_wait3A_165] : memref<320000xi32, #tpu.memory_space<hbm>> -> memref<80xi32, #tpu.memory_space<hbm>>
        %dma_wait3A_167 = arith.constant 0 : i32
        %dma_wait3A_168 = tpu.memref_slice %arg6[%sub3A_109, %dma_wait3A_167] : memref<2x80xi32, #tpu.memory_space<vmem>> -> memref<1x80xi32, #tpu.memory_space<vmem>>
        %dma_wait3A_169 = tpu.memref_squeeze %dma_wait3A_168 : memref<1x80xi32, #tpu.memory_space<vmem>> -> memref<80xi32, #tpu.memory_space<vmem>>
        %dma_wait3A_170 = arith.constant 0 : i32
        %dma_wait3A_171 = tpu.memref_slice %arg3[%dma_wait3A_170] : memref<320000xi32, #tpu.memory_space<hbm>> -> memref<80xi32, #tpu.memory_space<hbm>>
        tpu.wait_dma2 semaphore(%arg11 : memref<!tpu.dma_semaphore, #tpu.memory_space<semaphore_mem>>) src(%dma_wait3A_171 : memref<80xi32, #tpu.memory_space<hbm>>) dst(%dma_wait3A_169 : memref<80xi32, #tpu.memory_space<vmem>>)
        %dma_wait3A_172 = arith.constant 0 : i32
        %dma_wait3A_173 = tpu.memref_slice %arg7[%sub3A_109, %dma_wait3A_172] : memref<2x80xi32, #tpu.memory_space<vmem>> -> memref<1x80xi32, #tpu.memory_space<vmem>>
        %dma_wait3A_174 = tpu.memref_squeeze %dma_wait3A_173 : memref<1x80xi32, #tpu.memory_space<vmem>> -> memref<80xi32, #tpu.memory_space<vmem>>
        %dma_wait3A_175 = arith.constant 0 : i32
        %dma_wait3A_176 = tpu.memref_slice %arg4[%dma_wait3A_175] : memref<320000xi32, #tpu.memory_space<hbm>> -> memref<80xi32, #tpu.memory_space<hbm>>
        %dma_wait3A_177 = arith.constant 0 : i32
        %dma_wait3A_178 = tpu.memref_slice %arg7[%sub3A_109, %dma_wait3A_177] : memref<2x80xi32, #tpu.memory_space<vmem>> -> memref<1x80xi32, #tpu.memory_space<vmem>>
        %dma_wait3A_179 = tpu.memref_squeeze %dma_wait3A_178 : memref<1x80xi32, #tpu.memory_space<vmem>> -> memref<80xi32, #tpu.memory_space<vmem>>
        %dma_wait3A_180 = arith.constant 0 : i32
        %dma_wait3A_181 = tpu.memref_slice %arg4[%dma_wait3A_180] : memref<320000xi32, #tpu.memory_space<hbm>> -> memref<80xi32, #tpu.memory_space<hbm>>
        tpu.wait_dma2 semaphore(%arg12 : memref<!tpu.dma_semaphore, #tpu.memory_space<semaphore_mem>>) src(%dma_wait3A_181 : memref<80xi32, #tpu.memory_space<hbm>>) dst(%dma_wait3A_179 : memref<80xi32, #tpu.memory_space<vmem>>)
        %dma_start3A_182 = arith.constant 0 : i32
        %dma_start3A_183 = arith.constant 0 : i32
        %dma_start3A_184 = tpu.memref_slice %arg8[%sub3A_109, %dma_start3A_182, %dma_start3A_183] : memref<2x80x128xf32, #tpu.memory_space<vmem>> -> memref<1x80x128xf32, #tpu.memory_space<vmem>>
        %dma_start3A_185 = tpu.memref_squeeze %dma_start3A_184 : memref<1x80x128xf32, #tpu.memory_space<vmem>> -> memref<80x128xf32, #tpu.memory_space<vmem>>
        %dma_start3A_186 = arith.constant 0 : i32
        %dma_start3A_187 = tpu.memref_slice %arg6[%sub3A_109, %dma_start3A_186] : memref<2x80xi32, #tpu.memory_space<vmem>> -> memref<1x80xi32, #tpu.memory_space<vmem>>
        %dma_start3A_188 = tpu.memref_squeeze %dma_start3A_187 : memref<1x80xi32, #tpu.memory_space<vmem>> -> memref<80xi32, #tpu.memory_space<vmem>>
        %dma_start3A_189 = arith.constant 0 : i32
        %dma_start3A_190 = arith.constant 0 : i32
        %dma_start3A_191 = tpu.memref_slice %arg2[%dma_start3A_189, %dma_start3A_190] : memref<10000x128xf32, #tpu.memory_space<hbm>> -> memref<10000x128xf32, #tpu.memory_space<hbm>>
        tpu.enqueue_indirect_dma source(%dma_start3A_191 : memref<10000x128xf32, #tpu.memory_space<hbm>>) target(%dma_start3A_185 : memref<80x128xf32, #tpu.memory_space<vmem>>) offsets(%dma_start3A_188 : memref<80xi32, #tpu.memory_space<vmem>>) semaphore(%arg13 : memref<!tpu.dma_semaphore, #tpu.memory_space<semaphore_mem>>)
        %dma_start3A_192 = arith.constant 0 : i32
        %dma_start3A_193 = arith.constant 0 : i32
        %dma_start3A_194 = tpu.memref_slice %arg9[%sub3A_109, %dma_start3A_192, %dma_start3A_193] : memref<2x80x128xf32, #tpu.memory_space<vmem>> -> memref<1x80x128xf32, #tpu.memory_space<vmem>>
        %dma_start3A_195 = tpu.memref_squeeze %dma_start3A_194 : memref<1x80x128xf32, #tpu.memory_space<vmem>> -> memref<80x128xf32, #tpu.memory_space<vmem>>
        %dma_start3A_196 = arith.constant 0 : i32
        %dma_start3A_197 = tpu.memref_slice %arg7[%sub3A_109, %dma_start3A_196] : memref<2x80xi32, #tpu.memory_space<vmem>> -> memref<1x80xi32, #tpu.memory_space<vmem>>
        %dma_start3A_198 = tpu.memref_squeeze %dma_start3A_197 : memref<1x80xi32, #tpu.memory_space<vmem>> -> memref<80xi32, #tpu.memory_space<vmem>>
        %dma_start3A_199 = arith.constant 0 : i32
        %dma_start3A_200 = arith.constant 0 : i32
        %dma_start3A_201 = tpu.memref_slice %arg2[%dma_start3A_199, %dma_start3A_200] : memref<10000x128xf32, #tpu.memory_space<hbm>> -> memref<10000x128xf32, #tpu.memory_space<hbm>>
        tpu.enqueue_indirect_dma source(%dma_start3A_201 : memref<10000x128xf32, #tpu.memory_space<hbm>>) target(%dma_start3A_195 : memref<80x128xf32, #tpu.memory_space<vmem>>) offsets(%dma_start3A_198 : memref<80xi32, #tpu.memory_space<vmem>>) semaphore(%arg14 : memref<!tpu.dma_semaphore, #tpu.memory_space<semaphore_mem>>)
      } else {
      }
      %dma_wait3A_114 = arith.constant 0 : i32
      %dma_wait3A_115 = arith.constant 0 : i32
      %dma_wait3A_116 = tpu.memref_slice %arg8[%rem3A_108, %dma_wait3A_114, %dma_wait3A_115] : memref<2x80x128xf32, #tpu.memory_space<vmem>> -> memref<1x80x128xf32, #tpu.memory_space<vmem>>
      %dma_wait3A_117 = tpu.memref_squeeze %dma_wait3A_116 : memref<1x80x128xf32, #tpu.memory_space<vmem>> -> memref<80x128xf32, #tpu.memory_space<vmem>>
      %dma_wait3A_118 = arith.constant 0 : i32
      %dma_wait3A_119 = tpu.memref_slice %arg6[%rem3A_108, %dma_wait3A_118] : memref<2x80xi32, #tpu.memory_space<vmem>> -> memref<1x80xi32, #tpu.memory_space<vmem>>
      %dma_wait3A_120 = tpu.memref_squeeze %dma_wait3A_119 : memref<1x80xi32, #tpu.memory_space<vmem>> -> memref<80xi32, #tpu.memory_space<vmem>>
      %dma_wait3A_121 = arith.constant 0 : i32
      %dma_wait3A_122 = arith.constant 0 : i32
      %dma_wait3A_123 = tpu.memref_slice %arg2[%dma_wait3A_121, %dma_wait3A_122] : memref<10000x128xf32, #tpu.memory_space<hbm>> -> memref<10000x128xf32, #tpu.memory_space<hbm>>
      tpu.wait_indirect_dma semaphore(%arg13 : memref<!tpu.dma_semaphore, #tpu.memory_space<semaphore_mem>>) src(%dma_wait3A_123 : memref<10000x128xf32, #tpu.memory_space<hbm>>) dst(%dma_wait3A_117 : memref<80x128xf32, #tpu.memory_space<vmem>>)
      %dma_wait3A_124 = arith.constant 0 : i32
      %dma_wait3A_125 = arith.constant 0 : i32
      %dma_wait3A_126 = tpu.memref_slice %arg9[%rem3A_108, %dma_wait3A_124, %dma_wait3A_125] : memref<2x80x128xf32, #tpu.memory_space<vmem>> -> memref<1x80x128xf32, #tpu.memory_space<vmem>>
      %dma_wait3A_127 = tpu.memref_squeeze %dma_wait3A_126 : memref<1x80x128xf32, #tpu.memory_space<vmem>> -> memref<80x128xf32, #tpu.memory_space<vmem>>
      %dma_wait3A_128 = arith.constant 0 : i32
      %dma_wait3A_129 = tpu.memref_slice %arg7[%rem3A_108, %dma_wait3A_128] : memref<2x80xi32, #tpu.memory_space<vmem>> -> memref<1x80xi32, #tpu.memory_space<vmem>>
      %dma_wait3A_130 = tpu.memref_squeeze %dma_wait3A_129 : memref<1x80xi32, #tpu.memory_space<vmem>> -> memref<80xi32, #tpu.memory_space<vmem>>
      %dma_wait3A_131 = arith.constant 0 : i32
      %dma_wait3A_132 = arith.constant 0 : i32
      %dma_wait3A_133 = tpu.memref_slice %arg2[%dma_wait3A_131, %dma_wait3A_132] : memref<10000x128xf32, #tpu.memory_space<hbm>> -> memref<10000x128xf32, #tpu.memory_space<hbm>>
      tpu.wait_indirect_dma semaphore(%arg14 : memref<!tpu.dma_semaphore, #tpu.memory_space<semaphore_mem>>) src(%dma_wait3A_133 : memref<10000x128xf32, #tpu.memory_space<hbm>>) dst(%dma_wait3A_127 : memref<80x128xf32, #tpu.memory_space<vmem>>)
      %add3A_134 = arith.constant 2 : i32
      %add3A_135 = arith.addi %scan3A_107, %add3A_134 : i32
      %lt3A_136 = arith.constant 125 : i32
      %lt3A_137 = arith.cmpi slt, %add3A_135, %lt3A_136 : i32
      %convert_element_type3A_138 = arith.extui %lt3A_137 : i1 to i32
      %cond3A_139 = arith.constant 0 : i32
      %cond3A_140 = arith.cmpi ne, %convert_element_type3A_138, %cond3A_139 : i32
      scf.if %cond3A_140 {
        %add3A_162 = arith.constant 2 : i32
        %add3A_163 = arith.addi %scan3A_107, %add3A_162 : i32
        %mul3A_164 = arith.constant 80 : i32
        %mul3A_165 = arith.muli %add3A_163, %mul3A_164 : i32
        %add3A_166 = arith.addi %mul3A_2, %mul3A_165 : i32
        %dma_start3A_167 = arith.constant 0 : i32
        %dma_start3A_168 = tpu.memref_slice %arg6[%rem3A_108, %dma_start3A_167] : memref<2x80xi32, #tpu.memory_space<vmem>> -> memref<1x80xi32, #tpu.memory_space<vmem>>
        %dma_start3A_169 = tpu.memref_squeeze %dma_start3A_168 : memref<1x80xi32, #tpu.memory_space<vmem>> -> memref<80xi32, #tpu.memory_space<vmem>>
        %dma_start3A_170 = tpu.memref_slice %arg3[%add3A_166] : memref<320000xi32, #tpu.memory_space<hbm>> -> memref<80xi32, #tpu.memory_space<hbm>>
        %dma_start3A_171 = arith.constant 0 : i32
        %dma_start3A_172 = tpu.memref_slice %arg6[%rem3A_108, %dma_start3A_171] : memref<2x80xi32, #tpu.memory_space<vmem>> -> memref<1x80xi32, #tpu.memory_space<vmem>>
        %dma_start3A_173 = tpu.memref_squeeze %dma_start3A_172 : memref<1x80xi32, #tpu.memory_space<vmem>> -> memref<80xi32, #tpu.memory_space<vmem>>
        %dma_start3A_174 = tpu.memref_slice %arg3[%add3A_166] : memref<320000xi32, #tpu.memory_space<hbm>> -> memref<80xi32, #tpu.memory_space<hbm>>
        tpu.enqueue_dma source(%dma_start3A_174 : memref<80xi32, #tpu.memory_space<hbm>>) target(%dma_start3A_173 : memref<80xi32, #tpu.memory_space<vmem>>) target_semaphore(%arg11 : memref<!tpu.dma_semaphore, #tpu.memory_space<semaphore_mem>>)
        %dma_start3A_175 = arith.constant 0 : i32
        %dma_start3A_176 = tpu.memref_slice %arg7[%rem3A_108, %dma_start3A_175] : memref<2x80xi32, #tpu.memory_space<vmem>> -> memref<1x80xi32, #tpu.memory_space<vmem>>
        %dma_start3A_177 = tpu.memref_squeeze %dma_start3A_176 : memref<1x80xi32, #tpu.memory_space<vmem>> -> memref<80xi32, #tpu.memory_space<vmem>>
        %dma_start3A_178 = tpu.memref_slice %arg4[%add3A_166] : memref<320000xi32, #tpu.memory_space<hbm>> -> memref<80xi32, #tpu.memory_space<hbm>>
        %dma_start3A_179 = arith.constant 0 : i32
        %dma_start3A_180 = tpu.memref_slice %arg7[%rem3A_108, %dma_start3A_179] : memref<2x80xi32, #tpu.memory_space<vmem>> -> memref<1x80xi32, #tpu.memory_space<vmem>>
        %dma_start3A_181 = tpu.memref_squeeze %dma_start3A_180 : memref<1x80xi32, #tpu.memory_space<vmem>> -> memref<80xi32, #tpu.memory_space<vmem>>
        %dma_start3A_182 = tpu.memref_slice %arg4[%add3A_166] : memref<320000xi32, #tpu.memory_space<hbm>> -> memref<80xi32, #tpu.memory_space<hbm>>
        tpu.enqueue_dma source(%dma_start3A_182 : memref<80xi32, #tpu.memory_space<hbm>>) target(%dma_start3A_181 : memref<80xi32, #tpu.memory_space<vmem>>) target_semaphore(%arg12 : memref<!tpu.dma_semaphore, #tpu.memory_space<semaphore_mem>>)
      } else {
      }
      %ge3A = arith.constant 1 : i32
      %ge3A_141 = arith.cmpi sge, %scan3A_107, %ge3A : i32
      %convert_element_type3A_142 = arith.extui %ge3A_141 : i1 to i32
      %cond3A_143 = arith.constant 0 : i32
      %cond3A_144 = arith.cmpi ne, %convert_element_type3A_142, %cond3A_143 : i32
      scf.if %cond3A_144 {
        %dma_wait3A_162 = arith.constant 0 : i32
        %dma_wait3A_163 = arith.constant 0 : i32
        %dma_wait3A_164 = tpu.memref_slice %arg10[%sub3A_109, %dma_wait3A_162, %dma_wait3A_163] : memref<2x80x64xf32, #tpu.memory_space<vmem>> -> memref<1x80x64xf32, #tpu.memory_space<vmem>>
        %dma_wait3A_165 = tpu.memref_squeeze %dma_wait3A_164 : memref<1x80x64xf32, #tpu.memory_space<vmem>> -> memref<80x64xf32, #tpu.memory_space<vmem>>
        %dma_wait3A_166 = arith.constant 0 : i32
        %dma_wait3A_167 = arith.constant 0 : i32
        %dma_wait3A_168 = tpu.memref_slice %arg5[%dma_wait3A_166, %dma_wait3A_167] : memref<320000x64xf32, #tpu.memory_space<hbm>> -> memref<80x64xf32, #tpu.memory_space<hbm>>
        %dma_wait3A_169 = arith.constant 0 : i32
        %dma_wait3A_170 = arith.constant 0 : i32
        %dma_wait3A_171 = tpu.memref_slice %arg5[%dma_wait3A_169, %dma_wait3A_170] : memref<320000x64xf32, #tpu.memory_space<hbm>> -> memref<80x64xf32, #tpu.memory_space<hbm>>
        %dma_wait3A_172 = arith.constant 0 : i32
        %dma_wait3A_173 = arith.constant 0 : i32
        %dma_wait3A_174 = tpu.memref_slice %arg10[%sub3A_109, %dma_wait3A_172, %dma_wait3A_173] : memref<2x80x64xf32, #tpu.memory_space<vmem>> -> memref<1x80x64xf32, #tpu.memory_space<vmem>>
        %dma_wait3A_175 = tpu.memref_squeeze %dma_wait3A_174 : memref<1x80x64xf32, #tpu.memory_space<vmem>> -> memref<80x64xf32, #tpu.memory_space<vmem>>
        tpu.wait_dma2 semaphore(%arg15 : memref<!tpu.dma_semaphore, #tpu.memory_space<semaphore_mem>>) src(%dma_wait3A_175 : memref<80x64xf32, #tpu.memory_space<vmem>>) dst(%dma_wait3A_171 : memref<80x64xf32, #tpu.memory_space<hbm>>)
      } else {
      }
      %parallel_loop3A = arith.constant 0 : i32
      %parallel_loop3A_145 = arith.constant 80 : i32
      %parallel_loop3A_146 = arith.constant 1 : i32
      scf.for %parallel_loop3A_162 = %parallel_loop3A to %parallel_loop3A_145 step %parallel_loop3A_146  : i32 {
        %parallel_loop3A_163 = arith.index_cast %rem3A_108 : i32 to index
        %parallel_loop3A_164 = arith.index_cast %parallel_loop3A_162 : i32 to index
        %parallel_loop3A_165 = arith.constant 0 : index
        %parallel_loop3A_166 = tpu.vector_load %arg8[%parallel_loop3A_163, %parallel_loop3A_164, %parallel_loop3A_165] {strides = array<i32>} : memref<2x80x128xf32, #tpu.memory_space<vmem>>, vector<1x1x16xf32>,
        %parallel_loop3A_167 = vector.shape_cast %parallel_loop3A_166 : vector<1x1x16xf32> to vector<16xf32>
        %parallel_loop3A_168 = arith.index_cast %rem3A_108 : i32 to index
        %parallel_loop3A_169 = arith.index_cast %parallel_loop3A_162 : i32 to index
        %parallel_loop3A_170 = arith.constant 64 : index
        %parallel_loop3A_171 = tpu.vector_load %arg9[%parallel_loop3A_168, %parallel_loop3A_169, %parallel_loop3A_170] {strides = array<i32>} : memref<2x80x128xf32, #tpu.memory_space<vmem>>, vector<1x1x16xf32>,
        %parallel_loop3A_172 = vector.shape_cast %parallel_loop3A_171 : vector<1x1x16xf32> to vector<16xf32>
        %parallel_loop3A_173 = arith.addf %parallel_loop3A_167, %parallel_loop3A_172 : vector<16xf32>
        %parallel_loop3A_174 = arith.index_cast %rem3A_108 : i32 to index
        %parallel_loop3A_175 = arith.index_cast %parallel_loop3A_162 : i32 to index
        %parallel_loop3A_176 = arith.constant 0 : index
        %parallel_loop3A_177 = tpu.vector_load %arg10[%parallel_loop3A_174, %parallel_loop3A_175, %parallel_loop3A_176] {strides = array<i32>} : memref<2x80x64xf32, #tpu.memory_space<vmem>>, vector<1x1x16xf32>,
        %parallel_loop3A_178 = vector.shape_cast %parallel_loop3A_177 : vector<1x1x16xf32> to vector<16xf32>
        %parallel_loop3A_179 = vector.shape_cast %parallel_loop3A_173 : vector<16xf32> to vector<1x1x16xf32>
        tpu.vector_store %arg10[%parallel_loop3A_174, %parallel_loop3A_175, %parallel_loop3A_176], %parallel_loop3A_179 {strides = array<i32>} : memref<2x80x64xf32, #tpu.memory_space<vmem>>, vector<1x1x16xf32>,
        %parallel_loop3A_180 = arith.index_cast %rem3A_108 : i32 to index
        %parallel_loop3A_181 = arith.index_cast %parallel_loop3A_162 : i32 to index
        %parallel_loop3A_182 = arith.constant 16 : index
        %parallel_loop3A_183 = tpu.vector_load %arg8[%parallel_loop3A_180, %parallel_loop3A_181, %parallel_loop3A_182] {strides = array<i32>} : memref<2x80x128xf32, #tpu.memory_space<vmem>>, vector<1x1x16xf32>,
        %parallel_loop3A_184 = vector.shape_cast %parallel_loop3A_183 : vector<1x1x16xf32> to vector<16xf32>
        %parallel_loop3A_185 = arith.index_cast %rem3A_108 : i32 to index
        %parallel_loop3A_186 = arith.index_cast %parallel_loop3A_162 : i32 to index
        %parallel_loop3A_187 = arith.constant 80 : index
        %parallel_loop3A_188 = tpu.vector_load %arg9[%parallel_loop3A_185, %parallel_loop3A_186, %parallel_loop3A_187] {strides = array<i32>} : memref<2x80x128xf32, #tpu.memory_space<vmem>>, vector<1x1x16xf32>,
        %parallel_loop3A_189 = vector.shape_cast %parallel_loop3A_188 : vector<1x1x16xf32> to vector<16xf32>
        %parallel_loop3A_190 = arith.addf %parallel_loop3A_184, %parallel_loop3A_189 : vector<16xf32>
        %parallel_loop3A_191 = arith.index_cast %rem3A_108 : i32 to index
        %parallel_loop3A_192 = arith.index_cast %parallel_loop3A_162 : i32 to index
        %parallel_loop3A_193 = arith.constant 16 : index
        %parallel_loop3A_194 = tpu.vector_load %arg10[%parallel_loop3A_191, %parallel_loop3A_192, %parallel_loop3A_193] {strides = array<i32>} : memref<2x80x64xf32, #tpu.memory_space<vmem>>, vector<1x1x16xf32>,
        %parallel_loop3A_195 = vector.shape_cast %parallel_loop3A_194 : vector<1x1x16xf32> to vector<16xf32>
        %parallel_loop3A_196 = vector.shape_cast %parallel_loop3A_190 : vector<16xf32> to vector<1x1x16xf32>
        tpu.vector_store %arg10[%parallel_loop3A_191, %parallel_loop3A_192, %parallel_loop3A_193], %parallel_loop3A_196 {strides = array<i32>} : memref<2x80x64xf32, #tpu.memory_space<vmem>>, vector<1x1x16xf32>,
        %parallel_loop3A_197 = arith.index_cast %rem3A_108 : i32 to index
        %parallel_loop3A_198 = arith.index_cast %parallel_loop3A_162 : i32 to index
        %parallel_loop3A_199 = arith.constant 32 : index
        %parallel_loop3A_200 = tpu.vector_load %arg8[%parallel_loop3A_197, %parallel_loop3A_198, %parallel_loop3A_199] {strides = array<i32>} : memref<2x80x128xf32, #tpu.memory_space<vmem>>, vector<1x1x16xf32>,
        %parallel_loop3A_201 = vector.shape_cast %parallel_loop3A_200 : vector<1x1x16xf32> to vector<16xf32>
        %parallel_loop3A_202 = arith.index_cast %rem3A_108 : i32 to index
        %parallel_loop3A_203 = arith.index_cast %parallel_loop3A_162 : i32 to index
        %parallel_loop3A_204 = arith.constant 96 : index
        %parallel_loop3A_205 = tpu.vector_load %arg9[%parallel_loop3A_202, %parallel_loop3A_203, %parallel_loop3A_204] {strides = array<i32>} : memref<2x80x128xf32, #tpu.memory_space<vmem>>, vector<1x1x16xf32>,
        %parallel_loop3A_206 = vector.shape_cast %parallel_loop3A_205 : vector<1x1x16xf32> to vector<16xf32>
        %parallel_loop3A_207 = arith.addf %parallel_loop3A_201, %parallel_loop3A_206 : vector<16xf32>
        %parallel_loop3A_208 = arith.index_cast %rem3A_108 : i32 to index
        %parallel_loop3A_209 = arith.index_cast %parallel_loop3A_162 : i32 to index
        %parallel_loop3A_210 = arith.constant 32 : index
        %parallel_loop3A_211 = tpu.vector_load %arg10[%parallel_loop3A_208, %parallel_loop3A_209, %parallel_loop3A_210] {strides = array<i32>} : memref<2x80x64xf32, #tpu.memory_space<vmem>>, vector<1x1x16xf32>,
        %parallel_loop3A_212 = vector.shape_cast %parallel_loop3A_211 : vector<1x1x16xf32> to vector<16xf32>
        %parallel_loop3A_213 = vector.shape_cast %parallel_loop3A_207 : vector<16xf32> to vector<1x1x16xf32>
        tpu.vector_store %arg10[%parallel_loop3A_208, %parallel_loop3A_209, %parallel_loop3A_210], %parallel_loop3A_213 {strides = array<i32>} : memref<2x80x64xf32, #tpu.memory_space<vmem>>, vector<1x1x16xf32>,
        %parallel_loop3A_214 = arith.index_cast %rem3A_108 : i32 to index
        %parallel_loop3A_215 = arith.index_cast %parallel_loop3A_162 : i32 to index
        %parallel_loop3A_216 = arith.constant 48 : index
        %parallel_loop3A_217 = tpu.vector_load %arg8[%parallel_loop3A_214, %parallel_loop3A_215, %parallel_loop3A_216] {strides = array<i32>} : memref<2x80x128xf32, #tpu.memory_space<vmem>>, vector<1x1x16xf32>,
        %parallel_loop3A_218 = vector.shape_cast %parallel_loop3A_217 : vector<1x1x16xf32> to vector<16xf32>
        %parallel_loop3A_219 = arith.index_cast %rem3A_108 : i32 to index
        %parallel_loop3A_220 = arith.index_cast %parallel_loop3A_162 : i32 to index
        %parallel_loop3A_221 = arith.constant 112 : index
        %parallel_loop3A_222 = tpu.vector_load %arg9[%parallel_loop3A_219, %parallel_loop3A_220, %parallel_loop3A_221] {strides = array<i32>} : memref<2x80x128xf32, #tpu.memory_space<vmem>>, vector<1x1x16xf32>,
        %parallel_loop3A_223 = vector.shape_cast %parallel_loop3A_222 : vector<1x1x16xf32> to vector<16xf32>
        %parallel_loop3A_224 = arith.addf %parallel_loop3A_218, %parallel_loop3A_223 : vector<16xf32>
        %parallel_loop3A_225 = arith.index_cast %rem3A_108 : i32 to index
        %parallel_loop3A_226 = arith.index_cast %parallel_loop3A_162 : i32 to index
        %parallel_loop3A_227 = arith.constant 48 : index
        %parallel_loop3A_228 = tpu.vector_load %arg10[%parallel_loop3A_225, %parallel_loop3A_226, %parallel_loop3A_227] {strides = array<i32>} : memref<2x80x64xf32, #tpu.memory_space<vmem>>, vector<1x1x16xf32>,
        %parallel_loop3A_229 = vector.shape_cast %parallel_loop3A_228 : vector<1x1x16xf32> to vector<16xf32>
        %parallel_loop3A_230 = vector.shape_cast %parallel_loop3A_224 : vector<16xf32> to vector<1x1x16xf32>
        tpu.vector_store %arg10[%parallel_loop3A_225, %parallel_loop3A_226, %parallel_loop3A_227], %parallel_loop3A_230 {strides = array<i32>} : memref<2x80x64xf32, #tpu.memory_space<vmem>>, vector<1x1x16xf32>,
      } {sc.loop_unroll_factor = 8 : i64, sc.parallel_access}
      %mul3A_147 = arith.constant 80 : i32
      %mul3A_148 = arith.muli %scan3A_107, %mul3A_147 : i32
      %add3A_149 = arith.addi %mul3A_2, %mul3A_148 : i32
      %dma_start3A_150 = arith.constant 0 : i32
      %dma_start3A_151 = arith.constant 0 : i32
      %dma_start3A_152 = tpu.memref_slice %arg10[%rem3A_108, %dma_start3A_150, %dma_start3A_151] : memref<2x80x64xf32, #tpu.memory_space<vmem>> -> memref<1x80x64xf32, #tpu.memory_space<vmem>>
      %dma_start3A_153 = tpu.memref_squeeze %dma_start3A_152 : memref<1x80x64xf32, #tpu.memory_space<vmem>> -> memref<80x64xf32, #tpu.memory_space<vmem>>
      %dma_start3A_154 = arith.constant 0 : i32
      %dma_start3A_155 = tpu.memref_slice %arg5[%add3A_149, %dma_start3A_154] : memref<320000x64xf32, #tpu.memory_space<hbm>> -> memref<80x64xf32, #tpu.memory_space<hbm>>
      %dma_start3A_156 = arith.constant 0 : i32
      %dma_start3A_157 = tpu.memref_slice %arg5[%add3A_149, %dma_start3A_156] : memref<320000x64xf32, #tpu.memory_space<hbm>> -> memref<80x64xf32, #tpu.memory_space<hbm>>
      %dma_start3A_158 = arith.constant 0 : i32
      %dma_start3A_159 = arith.constant 0 : i32
      %dma_start3A_160 = tpu.memref_slice %arg10[%rem3A_108, %dma_start3A_158, %dma_start3A_159] : memref<2x80x64xf32, #tpu.memory_space<vmem>> -> memref<1x80x64xf32, #tpu.memory_space<vmem>>
      %dma_start3A_161 = tpu.memref_squeeze %dma_start3A_160 : memref<1x80x64xf32, #tpu.memory_space<vmem>> -> memref<80x64xf32, #tpu.memory_space<vmem>>
      tpu.enqueue_dma source(%dma_start3A_161 : memref<80x64xf32, #tpu.memory_space<vmem>>) target(%dma_start3A_157 : memref<80x64xf32, #tpu.memory_space<hbm>>) target_semaphore(%arg15 : memref<!tpu.dma_semaphore, #tpu.memory_space<semaphore_mem>>)
    }
    %scan3A_91 = arith.constant 125 : i32
    %dma_wait3A_92 = arith.constant 0 : i32
    %dma_wait3A_93 = arith.constant 0 : i32
    %dma_wait3A_94 = arith.constant 0 : i32
    %dma_wait3A_95 = tpu.memref_slice %arg10[%dma_wait3A_92, %dma_wait3A_93, %dma_wait3A_94] : memref<2x80x64xf32, #tpu.memory_space<vmem>> -> memref<1x80x64xf32, #tpu.memory_space<vmem>>
    %dma_wait3A_96 = tpu.memref_squeeze %dma_wait3A_95 : memref<1x80x64xf32, #tpu.memory_space<vmem>> -> memref<80x64xf32, #tpu.memory_space<vmem>>
    %dma_wait3A_97 = arith.constant 0 : i32
    %dma_wait3A_98 = arith.constant 0 : i32
    %dma_wait3A_99 = tpu.memref_slice %arg5[%dma_wait3A_97, %dma_wait3A_98] : memref<320000x64xf32, #tpu.memory_space<hbm>> -> memref<80x64xf32, #tpu.memory_space<hbm>>
    %dma_wait3A_100 = arith.constant 0 : i32
    %dma_wait3A_101 = arith.constant 0 : i32
    %dma_wait3A_102 = tpu.memref_slice %arg5[%dma_wait3A_100, %dma_wait3A_101] : memref<320000x64xf32, #tpu.memory_space<hbm>> -> memref<80x64xf32, #tpu.memory_space<hbm>>
    %dma_wait3A_103 = arith.constant 0 : i32
    %dma_wait3A_104 = arith.constant 0 : i32
    %dma_wait3A_105 = tpu.memref_slice %arg10[%dma_wait3A_92, %dma_wait3A_103, %dma_wait3A_104] : memref<2x80x64xf32, #tpu.memory_space<vmem>> -> memref<1x80x64xf32, #tpu.memory_space<vmem>>
    %dma_wait3A_106 = tpu.memref_squeeze %dma_wait3A_105 : memref<1x80x64xf32, #tpu.memory_space<vmem>> -> memref<80x64xf32, #tpu.memory_space<vmem>>
    tpu.wait_dma2 semaphore(%arg15 : memref<!tpu.dma_semaphore, #tpu.memory_space<semaphore_mem>>) src(%dma_wait3A_106 : memref<80x64xf32, #tpu.memory_space<vmem>>) dst(%dma_wait3A_102 : memref<80x64xf32, #tpu.memory_space<hbm>>)
    return
  }
}

#map = affine_map<(d0, d1) -> (0, 0)>
#map1 = affine_map<(d0, d1) -> (0)>
module attributes {stable_mosaic.version = 14 : i64} {
  func.func @_scatter_body(%arg0: i32, %arg1: i32, %arg2: memref<320000x128xf32, #tpu.memory_space<hbm>>, %arg3: memref<5120000xf32, #tpu.memory_space<hbm>>, %arg4: memref<10000x128xf32, #tpu.memory_space<hbm>>, %arg5: memref<320000xi32, #tpu.memory_space<hbm>>, %arg6: memref<320000xi32, #tpu.memory_space<hbm>>, %arg7: memref<64x128xf32, #tpu.memory_space<hbm>>, %arg8: memref<10240x128xf32, #tpu.memory_space<hbm>>, %arg9: memref<10240x128xf32, #tpu.memory_space<hbm>>, %arg10: memref<10240x128xf32, #tpu.memory_space<hbm>>, %arg11: memref<10240x128xf32, #tpu.memory_space<hbm>>, %arg12: memref<2x80xi32, #tpu.memory_space<vmem>>, %arg13: memref<2x80xi32, #tpu.memory_space<vmem>>, %arg14: memref<2x80x128xf32, #tpu.memory_space<vmem>>, %arg15: memref<2x80x128xf32, #tpu.memory_space<vmem>>, %arg16: memref<2x1280xf32, #tpu.memory_space<vmem>>, %arg17: memref<!tpu.dma_semaphore, #tpu.memory_space<semaphore_mem>>, %arg18: memref<!tpu.dma_semaphore, #tpu.memory_space<semaphore_mem>>, %arg19: memref<!tpu.dma_semaphore, #tpu.memory_space<semaphore_mem>>, %arg20: memref<!tpu.dma_semaphore, #tpu.memory_space<semaphore_mem>>, %arg21: memref<!tpu.dma_semaphore, #tpu.memory_space<semaphore_mem>>, %arg22: memref<!tpu.dma_semaphore, #tpu.memory_space<semaphore_mem>>, %arg23: memref<10240x128xf32, #tpu.memory_space<vmem_shared>>) attributes {dimension_semantics = [#tpu.dimension_semantics<core_parallel>, #tpu.dimension_semantics<subcore_parallel>], iteration_bounds = array<i64: 2, 16>, scalar_prefetch = 0 : i64, scratch_operands = 12 : i64, tpu.core_type = #tpu.core_type<sc_vector_subcore>, window_params = [{transform_indices = #map}, {transform_indices = #map1}, {transform_indices = #map}, {transform_indices = #map1}, {transform_indices = #map1}, {transform_indices = #map}, {transform_indices = #map}, {transform_indices = #map}, {transform_indices = #map}, {transform_indices = #map}]} {
    %mul3A = arith.constant 16 : i32
    %mul3A_0 = arith.muli %arg0, %mul3A : i32
    %add3A = arith.addi %mul3A_0, %arg1 : i32
    %mul3A_1 = arith.constant 10000 : i32
    %mul3A_2 = arith.muli %add3A, %mul3A_1 : i32
    %scan3A = arith.constant 0 : i32
    %scan3A_3 = arith.constant 0 : i32
    %scan3A_4 = arith.constant 10 : i32
    %scan3A_5 = arith.addi %scan3A_3, %scan3A_4 : i32
    %scan3A_6 = arith.constant 1 : i32
    scf.for %scan3A_171 = %scan3A_3 to %scan3A_5 step %scan3A_6  : i32 {
      %mul3A_172 = arith.constant 640 : i32
      %mul3A_173 = arith.muli %arg1, %mul3A_172 : i32
      %mul3A_174 = arith.constant 64 : i32
      %mul3A_175 = arith.muli %scan3A_171, %mul3A_174 : i32
      %add3A_176 = arith.addi %mul3A_173, %mul3A_175 : i32
      "tpu.region"() ({
        %run_scoped3A = tpu.sem_alloc : memref<!tpu.dma_semaphore, #tpu.memory_space<semaphore_mem>>
        %dma_start3A_177 = arith.constant 0 : i32
        %dma_start3A_178 = tpu.memref_slice %arg23[%add3A_176, %dma_start3A_177] : memref<10240x128xf32, #tpu.memory_space<vmem_shared>> -> memref<64x128xf32, #tpu.memory_space<vmem_shared>>
        tpu.enqueue_dma source(%arg7 : memref<64x128xf32, #tpu.memory_space<hbm>>) target(%dma_start3A_178 : memref<64x128xf32, #tpu.memory_space<vmem_shared>>) target_semaphore(%run_scoped3A : memref<!tpu.dma_semaphore, #tpu.memory_space<semaphore_mem>>)
        %dma_wait3A_179 = arith.constant 0 : i32
        %dma_wait3A_180 = tpu.memref_slice %arg23[%add3A_176, %dma_wait3A_179] : memref<10240x128xf32, #tpu.memory_space<vmem_shared>> -> memref<64x128xf32, #tpu.memory_space<vmem_shared>>
        tpu.wait_dma2 semaphore(%run_scoped3A : memref<!tpu.dma_semaphore, #tpu.memory_space<semaphore_mem>>) src(%arg7 : memref<64x128xf32, #tpu.memory_space<hbm>>) dst(%dma_wait3A_180 : memref<64x128xf32, #tpu.memory_space<vmem_shared>>)
        tpu.yield
      }) : () -> ()
    }
    %scan3A_7 = arith.constant 10 : i32
    %barrier3A = arith.constant 0 : index
    tpu.barrier barrier_id(%barrier3A)
    %add3A_8 = arith.constant 0 : i32
    %add3A_9 = arith.addi %mul3A_2, %add3A_8 : i32
    %dma_start3A = arith.constant 0 : i32
    %dma_start3A_10 = arith.constant 0 : i32
    %dma_start3A_11 = tpu.memref_slice %arg12[%dma_start3A, %dma_start3A_10] : memref<2x80xi32, #tpu.memory_space<vmem>> -> memref<1x80xi32, #tpu.memory_space<vmem>>
    %dma_start3A_12 = tpu.memref_squeeze %dma_start3A_11 : memref<1x80xi32, #tpu.memory_space<vmem>> -> memref<80xi32, #tpu.memory_space<vmem>>
    %dma_start3A_13 = tpu.memref_slice %arg5[%add3A_9] : memref<320000xi32, #tpu.memory_space<hbm>> -> memref<80xi32, #tpu.memory_space<hbm>>
    %dma_start3A_14 = arith.constant 0 : i32
    %dma_start3A_15 = tpu.memref_slice %arg12[%dma_start3A, %dma_start3A_14] : memref<2x80xi32, #tpu.memory_space<vmem>> -> memref<1x80xi32, #tpu.memory_space<vmem>>
    %dma_start3A_16 = tpu.memref_squeeze %dma_start3A_15 : memref<1x80xi32, #tpu.memory_space<vmem>> -> memref<80xi32, #tpu.memory_space<vmem>>
    %dma_start3A_17 = tpu.memref_slice %arg5[%add3A_9] : memref<320000xi32, #tpu.memory_space<hbm>> -> memref<80xi32, #tpu.memory_space<hbm>>
    tpu.enqueue_dma source(%dma_start3A_17 : memref<80xi32, #tpu.memory_space<hbm>>) target(%dma_start3A_16 : memref<80xi32, #tpu.memory_space<vmem>>) target_semaphore(%arg17 : memref<!tpu.dma_semaphore, #tpu.memory_space<semaphore_mem>>)
    %dma_start3A_18 = arith.constant 0 : i32
    %dma_start3A_19 = arith.constant 0 : i32
    %dma_start3A_20 = tpu.memref_slice %arg13[%dma_start3A_18, %dma_start3A_19] : memref<2x80xi32, #tpu.memory_space<vmem>> -> memref<1x80xi32, #tpu.memory_space<vmem>>
    %dma_start3A_21 = tpu.memref_squeeze %dma_start3A_20 : memref<1x80xi32, #tpu.memory_space<vmem>> -> memref<80xi32, #tpu.memory_space<vmem>>
    %dma_start3A_22 = tpu.memref_slice %arg6[%add3A_9] : memref<320000xi32, #tpu.memory_space<hbm>> -> memref<80xi32, #tpu.memory_space<hbm>>
    %dma_start3A_23 = arith.constant 0 : i32
    %dma_start3A_24 = tpu.memref_slice %arg13[%dma_start3A_18, %dma_start3A_23] : memref<2x80xi32, #tpu.memory_space<vmem>> -> memref<1x80xi32, #tpu.memory_space<vmem>>
    %dma_start3A_25 = tpu.memref_squeeze %dma_start3A_24 : memref<1x80xi32, #tpu.memory_space<vmem>> -> memref<80xi32, #tpu.memory_space<vmem>>
    %dma_start3A_26 = tpu.memref_slice %arg6[%add3A_9] : memref<320000xi32, #tpu.memory_space<hbm>> -> memref<80xi32, #tpu.memory_space<hbm>>
    tpu.enqueue_dma source(%dma_start3A_26 : memref<80xi32, #tpu.memory_space<hbm>>) target(%dma_start3A_25 : memref<80xi32, #tpu.memory_space<vmem>>) target_semaphore(%arg18 : memref<!tpu.dma_semaphore, #tpu.memory_space<semaphore_mem>>)
    %dma_start3A_27 = arith.constant 0 : i32
    %dma_start3A_28 = arith.constant 0 : i32
    %dma_start3A_29 = arith.constant 0 : i32
    %dma_start3A_30 = tpu.memref_slice %arg14[%dma_start3A_27, %dma_start3A_28, %dma_start3A_29] : memref<2x80x128xf32, #tpu.memory_space<vmem>> -> memref<1x80x128xf32, #tpu.memory_space<vmem>>
    %dma_start3A_31 = tpu.memref_squeeze %dma_start3A_30 : memref<1x80x128xf32, #tpu.memory_space<vmem>> -> memref<80x128xf32, #tpu.memory_space<vmem>>
    %dma_start3A_32 = arith.constant 0 : i32
    %dma_start3A_33 = tpu.memref_slice %arg2[%add3A_9, %dma_start3A_32] : memref<320000x128xf32, #tpu.memory_space<hbm>> -> memref<80x128xf32, #tpu.memory_space<hbm>>
    %dma_start3A_34 = arith.constant 0 : i32
    %dma_start3A_35 = arith.constant 0 : i32
    %dma_start3A_36 = tpu.memref_slice %arg14[%dma_start3A_27, %dma_start3A_34, %dma_start3A_35] : memref<2x80x128xf32, #tpu.memory_space<vmem>> -> memref<1x80x128xf32, #tpu.memory_space<vmem>>
    %dma_start3A_37 = tpu.memref_squeeze %dma_start3A_36 : memref<1x80x128xf32, #tpu.memory_space<vmem>> -> memref<80x128xf32, #tpu.memory_space<vmem>>
    %dma_start3A_38 = arith.constant 0 : i32
    %dma_start3A_39 = tpu.memref_slice %arg2[%add3A_9, %dma_start3A_38] : memref<320000x128xf32, #tpu.memory_space<hbm>> -> memref<80x128xf32, #tpu.memory_space<hbm>>
    tpu.enqueue_dma source(%dma_start3A_39 : memref<80x128xf32, #tpu.memory_space<hbm>>) target(%dma_start3A_37 : memref<80x128xf32, #tpu.memory_space<vmem>>) target_semaphore(%arg19 : memref<!tpu.dma_semaphore, #tpu.memory_space<semaphore_mem>>)
    %mul3A_40 = arith.constant 16 : i32
    %mul3A_41 = arith.muli %add3A_9, %mul3A_40 : i32
    %dma_start3A_42 = arith.constant 0 : i32
    %dma_start3A_43 = arith.constant 0 : i32
    %dma_start3A_44 = tpu.memref_slice %arg16[%dma_start3A_42, %dma_start3A_43] : memref<2x1280xf32, #tpu.memory_space<vmem>> -> memref<1x1280xf32, #tpu.memory_space<vmem>>
    %dma_start3A_45 = tpu.memref_squeeze %dma_start3A_44 : memref<1x1280xf32, #tpu.memory_space<vmem>> -> memref<1280xf32, #tpu.memory_space<vmem>>
    %dma_start3A_46 = tpu.memref_slice %arg3[%mul3A_41] : memref<5120000xf32, #tpu.memory_space<hbm>> -> memref<1280xf32, #tpu.memory_space<hbm>>
    %dma_start3A_47 = arith.constant 0 : i32
    %dma_start3A_48 = tpu.memref_slice %arg16[%dma_start3A_42, %dma_start3A_47] : memref<2x1280xf32, #tpu.memory_space<vmem>> -> memref<1x1280xf32, #tpu.memory_space<vmem>>
    %dma_start3A_49 = tpu.memref_squeeze %dma_start3A_48 : memref<1x1280xf32, #tpu.memory_space<vmem>> -> memref<1280xf32, #tpu.memory_space<vmem>>
    %dma_start3A_50 = tpu.memref_slice %arg3[%mul3A_41] : memref<5120000xf32, #tpu.memory_space<hbm>> -> memref<1280xf32, #tpu.memory_space<hbm>>
    tpu.enqueue_dma source(%dma_start3A_50 : memref<1280xf32, #tpu.memory_space<hbm>>) target(%dma_start3A_49 : memref<1280xf32, #tpu.memory_space<vmem>>) target_semaphore(%arg20 : memref<!tpu.dma_semaphore, #tpu.memory_space<semaphore_mem>>)
    %dma_wait3A = arith.constant 0 : i32
    %dma_wait3A_51 = arith.constant 0 : i32
    %dma_wait3A_52 = tpu.memref_slice %arg12[%dma_wait3A, %dma_wait3A_51] : memref<2x80xi32, #tpu.memory_space<vmem>> -> memref<1x80xi32, #tpu.memory_space<vmem>>
    %dma_wait3A_53 = tpu.memref_squeeze %dma_wait3A_52 : memref<1x80xi32, #tpu.memory_space<vmem>> -> memref<80xi32, #tpu.memory_space<vmem>>
    %dma_wait3A_54 = arith.constant 0 : i32
    %dma_wait3A_55 = tpu.memref_slice %arg5[%dma_wait3A_54] : memref<320000xi32, #tpu.memory_space<hbm>> -> memref<80xi32, #tpu.memory_space<hbm>>
    %dma_wait3A_56 = arith.constant 0 : i32
    %dma_wait3A_57 = tpu.memref_slice %arg12[%dma_wait3A, %dma_wait3A_56] : memref<2x80xi32, #tpu.memory_space<vmem>> -> memref<1x80xi32, #tpu.memory_space<vmem>>
    %dma_wait3A_58 = tpu.memref_squeeze %dma_wait3A_57 : memref<1x80xi32, #tpu.memory_space<vmem>> -> memref<80xi32, #tpu.memory_space<vmem>>
    %dma_wait3A_59 = arith.constant 0 : i32
    %dma_wait3A_60 = tpu.memref_slice %arg5[%dma_wait3A_59] : memref<320000xi32, #tpu.memory_space<hbm>> -> memref<80xi32, #tpu.memory_space<hbm>>
    tpu.wait_dma2 semaphore(%arg17 : memref<!tpu.dma_semaphore, #tpu.memory_space<semaphore_mem>>) src(%dma_wait3A_60 : memref<80xi32, #tpu.memory_space<hbm>>) dst(%dma_wait3A_58 : memref<80xi32, #tpu.memory_space<vmem>>)
    %dma_wait3A_61 = arith.constant 0 : i32
    %dma_wait3A_62 = arith.constant 0 : i32
    %dma_wait3A_63 = tpu.memref_slice %arg13[%dma_wait3A_61, %dma_wait3A_62] : memref<2x80xi32, #tpu.memory_space<vmem>> -> memref<1x80xi32, #tpu.memory_space<vmem>>
    %dma_wait3A_64 = tpu.memref_squeeze %dma_wait3A_63 : memref<1x80xi32, #tpu.memory_space<vmem>> -> memref<80xi32, #tpu.memory_space<vmem>>
    %dma_wait3A_65 = arith.constant 0 : i32
    %dma_wait3A_66 = tpu.memref_slice %arg6[%dma_wait3A_65] : memref<320000xi32, #tpu.memory_space<hbm>> -> memref<80xi32, #tpu.memory_space<hbm>>
    %dma_wait3A_67 = arith.constant 0 : i32
    %dma_wait3A_68 = tpu.memref_slice %arg13[%dma_wait3A_61, %dma_wait3A_67] : memref<2x80xi32, #tpu.memory_space<vmem>> -> memref<1x80xi32, #tpu.memory_space<vmem>>
    %dma_wait3A_69 = tpu.memref_squeeze %dma_wait3A_68 : memref<1x80xi32, #tpu.memory_space<vmem>> -> memref<80xi32, #tpu.memory_space<vmem>>
    %dma_wait3A_70 = arith.constant 0 : i32
    %dma_wait3A_71 = tpu.memref_slice %arg6[%dma_wait3A_70] : memref<320000xi32, #tpu.memory_space<hbm>> -> memref<80xi32, #tpu.memory_space<hbm>>
    tpu.wait_dma2 semaphore(%arg18 : memref<!tpu.dma_semaphore, #tpu.memory_space<semaphore_mem>>) src(%dma_wait3A_71 : memref<80xi32, #tpu.memory_space<hbm>>) dst(%dma_wait3A_69 : memref<80xi32, #tpu.memory_space<vmem>>)
    %dma_start3A_72 = arith.constant 0 : i32
    %dma_start3A_73 = arith.constant 0 : i32
    %dma_start3A_74 = arith.constant 0 : i32
    %dma_start3A_75 = arith.constant 0 : i32
    %dma_start3A_76 = tpu.memref_slice %arg15[%dma_start3A_73, %dma_start3A_74, %dma_start3A_75] : memref<2x80x128xf32, #tpu.memory_space<vmem>> -> memref<1x80x128xf32, #tpu.memory_space<vmem>>
    %dma_start3A_77 = tpu.memref_squeeze %dma_start3A_76 : memref<1x80x128xf32, #tpu.memory_space<vmem>> -> memref<80x128xf32, #tpu.memory_space<vmem>>
    %dma_start3A_78 = arith.constant 0 : i32
    %dma_start3A_79 = tpu.memref_slice %arg13[%dma_start3A_72, %dma_start3A_78] : memref<2x80xi32, #tpu.memory_space<vmem>> -> memref<1x80xi32, #tpu.memory_space<vmem>>
    %dma_start3A_80 = tpu.memref_squeeze %dma_start3A_79 : memref<1x80xi32, #tpu.memory_space<vmem>> -> memref<80xi32, #tpu.memory_space<vmem>>
    %dma_start3A_81 = arith.constant 0 : i32
    %dma_start3A_82 = arith.constant 0 : i32
    %dma_start3A_83 = tpu.memref_slice %arg4[%dma_start3A_81, %dma_start3A_82] : memref<10000x128xf32, #tpu.memory_space<hbm>> -> memref<10000x128xf32, #tpu.memory_space<hbm>>
    tpu.enqueue_indirect_dma source(%dma_start3A_83 : memref<10000x128xf32, #tpu.memory_space<hbm>>) target(%dma_start3A_77 : memref<80x128xf32, #tpu.memory_space<vmem>>) offsets(%dma_start3A_80 : memref<80xi32, #tpu.memory_space<vmem>>) semaphore(%arg21 : memref<!tpu.dma_semaphore, #tpu.memory_space<semaphore_mem>>)
    %scan3A_84 = arith.constant 0 : i32
    %scan3A_85 = arith.constant 0 : i32
    %scan3A_86 = arith.constant 125 : i32
    %scan3A_87 = arith.addi %scan3A_85, %scan3A_86 : i32
    %scan3A_88 = arith.constant 1 : i32
    scf.for %scan3A_171 = %scan3A_85 to %scan3A_87 step %scan3A_88  : i32 {
      %rem3A = arith.constant 2 : i32
      %rem3A_172 = arith.remsi %scan3A_171, %rem3A : i32
      %sub3A = arith.constant 1 : i32
      %sub3A_173 = arith.subi %sub3A, %rem3A_172 : i32
      %ge3A = arith.constant 1 : i32
      %ge3A_174 = arith.cmpi sge, %scan3A_171, %ge3A : i32
      %convert_element_type3A_175 = arith.extui %ge3A_174 : i1 to i32
      %cond3A_176 = arith.constant 0 : i32
      %cond3A_177 = arith.cmpi ne, %convert_element_type3A_175, %cond3A_176 : i32
      scf.if %cond3A_177 {
        %dma_wait3A_230 = arith.constant 0 : i32
        %dma_wait3A_231 = arith.constant 0 : i32
        %dma_wait3A_232 = arith.constant 0 : i32
        %dma_wait3A_233 = arith.constant 0 : i32
        %dma_wait3A_234 = tpu.memref_slice %arg14[%dma_wait3A_230, %dma_wait3A_232, %dma_wait3A_233] : memref<2x80x128xf32, #tpu.memory_space<vmem>> -> memref<1x80x128xf32, #tpu.memory_space<vmem>>
        %dma_wait3A_235 = tpu.memref_squeeze %dma_wait3A_234 : memref<1x80x128xf32, #tpu.memory_space<vmem>> -> memref<80x128xf32, #tpu.memory_space<vmem>>
        %dma_wait3A_236 = arith.constant 0 : i32
        %dma_wait3A_237 = tpu.memref_slice %arg12[%dma_wait3A_231, %dma_wait3A_236] : memref<2x80xi32, #tpu.memory_space<vmem>> -> memref<1x80xi32, #tpu.memory_space<vmem>>
        %dma_wait3A_238 = tpu.memref_squeeze %dma_wait3A_237 : memref<1x80xi32, #tpu.memory_space<vmem>> -> memref<80xi32, #tpu.memory_space<vmem>>
        %dma_wait3A_239 = arith.constant 0 : i32
        %dma_wait3A_240 = arith.constant 0 : i32
        %dma_wait3A_241 = tpu.memref_slice %arg23[%dma_wait3A_239, %dma_wait3A_240] : memref<10240x128xf32, #tpu.memory_space<vmem_shared>> -> memref<10240x128xf32, #tpu.memory_space<vmem_shared>>
        tpu.wait_indirect_dma semaphore(%arg22 : memref<!tpu.dma_semaphore, #tpu.memory_space<semaphore_mem>>) src(%dma_wait3A_235 : memref<80x128xf32, #tpu.memory_space<vmem>>) dst(%dma_wait3A_241 : memref<10240x128xf32, #tpu.memory_space<vmem_shared>>)
      } else {
      }
      %add3A_178 = arith.constant 1 : i32
      %add3A_179 = arith.addi %scan3A_171, %add3A_178 : i32
      %lt3A = arith.constant 125 : i32
      %lt3A_180 = arith.cmpi slt, %add3A_179, %lt3A : i32
      %convert_element_type3A_181 = arith.extui %lt3A_180 : i1 to i32
      %cond3A_182 = arith.constant 0 : i32
      %cond3A_183 = arith.cmpi ne, %convert_element_type3A_181, %cond3A_182 : i32
      scf.if %cond3A_183 {
        %add3A_230 = arith.constant 1 : i32
        %add3A_231 = arith.addi %scan3A_171, %add3A_230 : i32
        %mul3A_232 = arith.constant 80 : i32
        %mul3A_233 = arith.muli %add3A_231, %mul3A_232 : i32
        %add3A_234 = arith.addi %mul3A_2, %mul3A_233 : i32
        %dma_start3A_235 = arith.constant 0 : i32
        %dma_start3A_236 = tpu.memref_slice %arg12[%sub3A_173, %dma_start3A_235] : memref<2x80xi32, #tpu.memory_space<vmem>> -> memref<1x80xi32, #tpu.memory_space<vmem>>
        %dma_start3A_237 = tpu.memref_squeeze %dma_start3A_236 : memref<1x80xi32, #tpu.memory_space<vmem>> -> memref<80xi32, #tpu.memory_space<vmem>>
        %dma_start3A_238 = tpu.memref_slice %arg5[%add3A_234] : memref<320000xi32, #tpu.memory_space<hbm>> -> memref<80xi32, #tpu.memory_space<hbm>>
        %dma_start3A_239 = arith.constant 0 : i32
        %dma_start3A_240 = tpu.memref_slice %arg12[%sub3A_173, %dma_start3A_239] : memref<2x80xi32, #tpu.memory_space<vmem>> -> memref<1x80xi32, #tpu.memory_space<vmem>>
        %dma_start3A_241 = tpu.memref_squeeze %dma_start3A_240 : memref<1x80xi32, #tpu.memory_space<vmem>> -> memref<80xi32, #tpu.memory_space<vmem>>
        %dma_start3A_242 = tpu.memref_slice %arg5[%add3A_234] : memref<320000xi32, #tpu.memory_space<hbm>> -> memref<80xi32, #tpu.memory_space<hbm>>
        tpu.enqueue_dma source(%dma_start3A_242 : memref<80xi32, #tpu.memory_space<hbm>>) target(%dma_start3A_241 : memref<80xi32, #tpu.memory_space<vmem>>) target_semaphore(%arg17 : memref<!tpu.dma_semaphore, #tpu.memory_space<semaphore_mem>>)
        %dma_start3A_243 = arith.constant 0 : i32
        %dma_start3A_244 = tpu.memref_slice %arg13[%sub3A_173, %dma_start3A_243] : memref<2x80xi32, #tpu.memory_space<vmem>> -> memref<1x80xi32, #tpu.memory_space<vmem>>
        %dma_start3A_245 = tpu.memref_squeeze %dma_start3A_244 : memref<1x80xi32, #tpu.memory_space<vmem>> -> memref<80xi32, #tpu.memory_space<vmem>>
        %dma_start3A_246 = tpu.memref_slice %arg6[%add3A_234] : memref<320000xi32, #tpu.memory_space<hbm>> -> memref<80xi32, #tpu.memory_space<hbm>>
        %dma_start3A_247 = arith.constant 0 : i32
        %dma_start3A_248 = tpu.memref_slice %arg13[%sub3A_173, %dma_start3A_247] : memref<2x80xi32, #tpu.memory_space<vmem>> -> memref<1x80xi32, #tpu.memory_space<vmem>>
        %dma_start3A_249 = tpu.memref_squeeze %dma_start3A_248 : memref<1x80xi32, #tpu.memory_space<vmem>> -> memref<80xi32, #tpu.memory_space<vmem>>
        %dma_start3A_250 = tpu.memref_slice %arg6[%add3A_234] : memref<320000xi32, #tpu.memory_space<hbm>> -> memref<80xi32, #tpu.memory_space<hbm>>
        tpu.enqueue_dma source(%dma_start3A_250 : memref<80xi32, #tpu.memory_space<hbm>>) target(%dma_start3A_249 : memref<80xi32, #tpu.memory_space<vmem>>) target_semaphore(%arg18 : memref<!tpu.dma_semaphore, #tpu.memory_space<semaphore_mem>>)
        %dma_start3A_251 = arith.constant 0 : i32
        %dma_start3A_252 = arith.constant 0 : i32
        %dma_start3A_253 = tpu.memref_slice %arg14[%sub3A_173, %dma_start3A_251, %dma_start3A_252] : memref<2x80x128xf32, #tpu.memory_space<vmem>> -> memref<1x80x128xf32, #tpu.memory_space<vmem>>
        %dma_start3A_254 = tpu.memref_squeeze %dma_start3A_253 : memref<1x80x128xf32, #tpu.memory_space<vmem>> -> memref<80x128xf32, #tpu.memory_space<vmem>>
        %dma_start3A_255 = arith.constant 0 : i32
        %dma_start3A_256 = tpu.memref_slice %arg2[%add3A_234, %dma_start3A_255] : memref<320000x128xf32, #tpu.memory_space<hbm>> -> memref<80x128xf32, #tpu.memory_space<hbm>>
        %dma_start3A_257 = arith.constant 0 : i32
        %dma_start3A_258 = arith.constant 0 : i32
        %dma_start3A_259 = tpu.memref_slice %arg14[%sub3A_173, %dma_start3A_257, %dma_start3A_258] : memref<2x80x128xf32, #tpu.memory_space<vmem>> -> memref<1x80x128xf32, #tpu.memory_space<vmem>>
        %dma_start3A_260 = tpu.memref_squeeze %dma_start3A_259 : memref<1x80x128xf32, #tpu.memory_space<vmem>> -> memref<80x128xf32, #tpu.memory_space<vmem>>
        %dma_start3A_261 = arith.constant 0 : i32
        %dma_start3A_262 = tpu.memref_slice %arg2[%add3A_234, %dma_start3A_261] : memref<320000x128xf32, #tpu.memory_space<hbm>> -> memref<80x128xf32, #tpu.memory_space<hbm>>
        tpu.enqueue_dma source(%dma_start3A_262 : memref<80x128xf32, #tpu.memory_space<hbm>>) target(%dma_start3A_260 : memref<80x128xf32, #tpu.memory_space<vmem>>) target_semaphore(%arg19 : memref<!tpu.dma_semaphore, #tpu.memory_space<semaphore_mem>>)
        %mul3A_263 = arith.constant 16 : i32
        %mul3A_264 = arith.muli %add3A_234, %mul3A_263 : i32
        %dma_start3A_265 = arith.constant 0 : i32
        %dma_start3A_266 = tpu.memref_slice %arg16[%sub3A_173, %dma_start3A_265] : memref<2x1280xf32, #tpu.memory_space<vmem>> -> memref<1x1280xf32, #tpu.memory_space<vmem>>
        %dma_start3A_267 = tpu.memref_squeeze %dma_start3A_266 : memref<1x1280xf32, #tpu.memory_space<vmem>> -> memref<1280xf32, #tpu.memory_space<vmem>>
        %dma_start3A_268 = tpu.memref_slice %arg3[%mul3A_264] : memref<5120000xf32, #tpu.memory_space<hbm>> -> memref<1280xf32, #tpu.memory_space<hbm>>
        %dma_start3A_269 = arith.constant 0 : i32
        %dma_start3A_270 = tpu.memref_slice %arg16[%sub3A_173, %dma_start3A_269] : memref<2x1280xf32, #tpu.memory_space<vmem>> -> memref<1x1280xf32, #tpu.memory_space<vmem>>
        %dma_start3A_271 = tpu.memref_squeeze %dma_start3A_270 : memref<1x1280xf32, #tpu.memory_space<vmem>> -> memref<1280xf32, #tpu.memory_space<vmem>>
        %dma_start3A_272 = tpu.memref_slice %arg3[%mul3A_264] : memref<5120000xf32, #tpu.memory_space<hbm>> -> memref<1280xf32, #tpu.memory_space<hbm>>
        tpu.enqueue_dma source(%dma_start3A_272 : memref<1280xf32, #tpu.memory_space<hbm>>) target(%dma_start3A_271 : memref<1280xf32, #tpu.memory_space<vmem>>) target_semaphore(%arg20 : memref<!tpu.dma_semaphore, #tpu.memory_space<semaphore_mem>>)
        %dma_wait3A_273 = arith.constant 0 : i32
        %dma_wait3A_274 = tpu.memref_slice %arg12[%sub3A_173, %dma_wait3A_273] : memref<2x80xi32, #tpu.memory_space<vmem>> -> memref<1x80xi32, #tpu.memory_space<vmem>>
        %dma_wait3A_275 = tpu.memref_squeeze %dma_wait3A_274 : memref<1x80xi32, #tpu.memory_space<vmem>> -> memref<80xi32, #tpu.memory_space<vmem>>
        %dma_wait3A_276 = arith.constant 0 : i32
        %dma_wait3A_277 = tpu.memref_slice %arg5[%dma_wait3A_276] : memref<320000xi32, #tpu.memory_space<hbm>> -> memref<80xi32, #tpu.memory_space<hbm>>
        %dma_wait3A_278 = arith.constant 0 : i32
        %dma_wait3A_279 = tpu.memref_slice %arg12[%sub3A_173, %dma_wait3A_278] : memref<2x80xi32, #tpu.memory_space<vmem>> -> memref<1x80xi32, #tpu.memory_space<vmem>>
        %dma_wait3A_280 = tpu.memref_squeeze %dma_wait3A_279 : memref<1x80xi32, #tpu.memory_space<vmem>> -> memref<80xi32, #tpu.memory_space<vmem>>
        %dma_wait3A_281 = arith.constant 0 : i32
        %dma_wait3A_282 = tpu.memref_slice %arg5[%dma_wait3A_281] : memref<320000xi32, #tpu.memory_space<hbm>> -> memref<80xi32, #tpu.memory_space<hbm>>
        tpu.wait_dma2 semaphore(%arg17 : memref<!tpu.dma_semaphore, #tpu.memory_space<semaphore_mem>>) src(%dma_wait3A_282 : memref<80xi32, #tpu.memory_space<hbm>>) dst(%dma_wait3A_280 : memref<80xi32, #tpu.memory_space<vmem>>)
        %dma_wait3A_283 = arith.constant 0 : i32
        %dma_wait3A_284 = tpu.memref_slice %arg13[%sub3A_173, %dma_wait3A_283] : memref<2x80xi32, #tpu.memory_space<vmem>> -> memref<1x80xi32, #tpu.memory_space<vmem>>
        %dma_wait3A_285 = tpu.memref_squeeze %dma_wait3A_284 : memref<1x80xi32, #tpu.memory_space<vmem>> -> memref<80xi32, #tpu.memory_space<vmem>>
        %dma_wait3A_286 = arith.constant 0 : i32
        %dma_wait3A_287 = tpu.memref_slice %arg6[%dma_wait3A_286] : memref<320000xi32, #tpu.memory_space<hbm>> -> memref<80xi32, #tpu.memory_space<hbm>>
        %dma_wait3A_288 = arith.constant 0 : i32
        %dma_wait3A_289 = tpu.memref_slice %arg13[%sub3A_173, %dma_wait3A_288] : memref<2x80xi32, #tpu.memory_space<vmem>> -> memref<1x80xi32, #tpu.memory_space<vmem>>
        %dma_wait3A_290 = tpu.memref_squeeze %dma_wait3A_289 : memref<1x80xi32, #tpu.memory_space<vmem>> -> memref<80xi32, #tpu.memory_space<vmem>>
        %dma_wait3A_291 = arith.constant 0 : i32
        %dma_wait3A_292 = tpu.memref_slice %arg6[%dma_wait3A_291] : memref<320000xi32, #tpu.memory_space<hbm>> -> memref<80xi32, #tpu.memory_space<hbm>>
        tpu.wait_dma2 semaphore(%arg18 : memref<!tpu.dma_semaphore, #tpu.memory_space<semaphore_mem>>) src(%dma_wait3A_292 : memref<80xi32, #tpu.memory_space<hbm>>) dst(%dma_wait3A_290 : memref<80xi32, #tpu.memory_space<vmem>>)
        %dma_start3A_293 = arith.constant 0 : i32
        %dma_start3A_294 = arith.constant 0 : i32
        %dma_start3A_295 = tpu.memref_slice %arg15[%sub3A_173, %dma_start3A_293, %dma_start3A_294] : memref<2x80x128xf32, #tpu.memory_space<vmem>> -> memref<1x80x128xf32, #tpu.memory_space<vmem>>
        %dma_start3A_296 = tpu.memref_squeeze %dma_start3A_295 : memref<1x80x128xf32, #tpu.memory_space<vmem>> -> memref<80x128xf32, #tpu.memory_space<vmem>>
        %dma_start3A_297 = arith.constant 0 : i32
        %dma_start3A_298 = tpu.memref_slice %arg13[%sub3A_173, %dma_start3A_297] : memref<2x80xi32, #tpu.memory_space<vmem>> -> memref<1x80xi32, #tpu.memory_space<vmem>>
        %dma_start3A_299 = tpu.memref_squeeze %dma_start3A_298 : memref<1x80xi32, #tpu.memory_space<vmem>> -> memref<80xi32, #tpu.memory_space<vmem>>
        %dma_start3A_300 = arith.constant 0 : i32
        %dma_start3A_301 = arith.constant 0 : i32
        %dma_start3A_302 = tpu.memref_slice %arg4[%dma_start3A_300, %dma_start3A_301] : memref<10000x128xf32, #tpu.memory_space<hbm>> -> memref<10000x128xf32, #tpu.memory_space<hbm>>
        tpu.enqueue_indirect_dma source(%dma_start3A_302 : memref<10000x128xf32, #tpu.memory_space<hbm>>) target(%dma_start3A_296 : memref<80x128xf32, #tpu.memory_space<vmem>>) offsets(%dma_start3A_299 : memref<80xi32, #tpu.memory_space<vmem>>) semaphore(%arg21 : memref<!tpu.dma_semaphore, #tpu.memory_space<semaphore_mem>>)
      } else {
      }
      %dma_wait3A_184 = arith.constant 0 : i32
      %dma_wait3A_185 = arith.constant 0 : i32
      %dma_wait3A_186 = tpu.memref_slice %arg14[%rem3A_172, %dma_wait3A_184, %dma_wait3A_185] : memref<2x80x128xf32, #tpu.memory_space<vmem>> -> memref<1x80x128xf32, #tpu.memory_space<vmem>>
      %dma_wait3A_187 = tpu.memref_squeeze %dma_wait3A_186 : memref<1x80x128xf32, #tpu.memory_space<vmem>> -> memref<80x128xf32, #tpu.memory_space<vmem>>
      %dma_wait3A_188 = arith.constant 0 : i32
      %dma_wait3A_189 = arith.constant 0 : i32
      %dma_wait3A_190 = tpu.memref_slice %arg2[%dma_wait3A_188, %dma_wait3A_189] : memref<320000x128xf32, #tpu.memory_space<hbm>> -> memref<80x128xf32, #tpu.memory_space<hbm>>
      %dma_wait3A_191 = arith.constant 0 : i32
      %dma_wait3A_192 = arith.constant 0 : i32
      %dma_wait3A_193 = tpu.memref_slice %arg14[%rem3A_172, %dma_wait3A_191, %dma_wait3A_192] : memref<2x80x128xf32, #tpu.memory_space<vmem>> -> memref<1x80x128xf32, #tpu.memory_space<vmem>>
      %dma_wait3A_194 = tpu.memref_squeeze %dma_wait3A_193 : memref<1x80x128xf32, #tpu.memory_space<vmem>> -> memref<80x128xf32, #tpu.memory_space<vmem>>
      %dma_wait3A_195 = arith.constant 0 : i32
      %dma_wait3A_196 = arith.constant 0 : i32
      %dma_wait3A_197 = tpu.memref_slice %arg2[%dma_wait3A_195, %dma_wait3A_196] : memref<320000x128xf32, #tpu.memory_space<hbm>> -> memref<80x128xf32, #tpu.memory_space<hbm>>
      tpu.wait_dma2 semaphore(%arg19 : memref<!tpu.dma_semaphore, #tpu.memory_space<semaphore_mem>>) src(%dma_wait3A_197 : memref<80x128xf32, #tpu.memory_space<hbm>>) dst(%dma_wait3A_194 : memref<80x128xf32, #tpu.memory_space<vmem>>)
      %dma_wait3A_198 = arith.constant 0 : i32
      %dma_wait3A_199 = tpu.memref_slice %arg16[%rem3A_172, %dma_wait3A_198] : memref<2x1280xf32, #tpu.memory_space<vmem>> -> memref<1x1280xf32, #tpu.memory_space<vmem>>
      %dma_wait3A_200 = tpu.memref_squeeze %dma_wait3A_199 : memref<1x1280xf32, #tpu.memory_space<vmem>> -> memref<1280xf32, #tpu.memory_space<vmem>>
      %dma_wait3A_201 = arith.constant 0 : i32
      %dma_wait3A_202 = tpu.memref_slice %arg3[%dma_wait3A_201] : memref<5120000xf32, #tpu.memory_space<hbm>> -> memref<1280xf32, #tpu.memory_space<hbm>>
      %dma_wait3A_203 = arith.constant 0 : i32
      %dma_wait3A_204 = tpu.memref_slice %arg16[%rem3A_172, %dma_wait3A_203] : memref<2x1280xf32, #tpu.memory_space<vmem>> -> memref<1x1280xf32, #tpu.memory_space<vmem>>
      %dma_wait3A_205 = tpu.memref_squeeze %dma_wait3A_204 : memref<1x1280xf32, #tpu.memory_space<vmem>> -> memref<1280xf32, #tpu.memory_space<vmem>>
      %dma_wait3A_206 = arith.constant 0 : i32
      %dma_wait3A_207 = tpu.memref_slice %arg3[%dma_wait3A_206] : memref<5120000xf32, #tpu.memory_space<hbm>> -> memref<1280xf32, #tpu.memory_space<hbm>>
      tpu.wait_dma2 semaphore(%arg20 : memref<!tpu.dma_semaphore, #tpu.memory_space<semaphore_mem>>) src(%dma_wait3A_207 : memref<1280xf32, #tpu.memory_space<hbm>>) dst(%dma_wait3A_205 : memref<1280xf32, #tpu.memory_space<vmem>>)
      %dma_wait3A_208 = arith.constant 0 : i32
      %dma_wait3A_209 = arith.constant 0 : i32
      %dma_wait3A_210 = tpu.memref_slice %arg15[%rem3A_172, %dma_wait3A_208, %dma_wait3A_209] : memref<2x80x128xf32, #tpu.memory_space<vmem>> -> memref<1x80x128xf32, #tpu.memory_space<vmem>>
      %dma_wait3A_211 = tpu.memref_squeeze %dma_wait3A_210 : memref<1x80x128xf32, #tpu.memory_space<vmem>> -> memref<80x128xf32, #tpu.memory_space<vmem>>
      %dma_wait3A_212 = arith.constant 0 : i32
      %dma_wait3A_213 = tpu.memref_slice %arg13[%rem3A_172, %dma_wait3A_212] : memref<2x80xi32, #tpu.memory_space<vmem>> -> memref<1x80xi32, #tpu.memory_space<vmem>>
      %dma_wait3A_214 = tpu.memref_squeeze %dma_wait3A_213 : memref<1x80xi32, #tpu.memory_space<vmem>> -> memref<80xi32, #tpu.memory_space<vmem>>
      %dma_wait3A_215 = arith.constant 0 : i32
      %dma_wait3A_216 = arith.constant 0 : i32
      %dma_wait3A_217 = tpu.memref_slice %arg4[%dma_wait3A_215, %dma_wait3A_216] : memref<10000x128xf32, #tpu.memory_space<hbm>> -> memref<10000x128xf32, #tpu.memory_space<hbm>>
      tpu.wait_indirect_dma semaphore(%arg21 : memref<!tpu.dma_semaphore, #tpu.memory_space<semaphore_mem>>) src(%dma_wait3A_217 : memref<10000x128xf32, #tpu.memory_space<hbm>>) dst(%dma_wait3A_211 : memref<80x128xf32, #tpu.memory_space<vmem>>)
      %parallel_loop3A = arith.constant 0 : i32
      %parallel_loop3A_218 = arith.constant 80 : i32
      %parallel_loop3A_219 = arith.constant 1 : i32
      scf.for %parallel_loop3A_230 = %parallel_loop3A to %parallel_loop3A_218 step %parallel_loop3A_219  : i32 {
        %parallel_loop3A_231 = arith.constant 16 : i32
        %parallel_loop3A_232 = arith.muli %parallel_loop3A_230, %parallel_loop3A_231 : i32
        %parallel_loop3A_233 = arith.index_cast %rem3A_172 : i32 to index
        %parallel_loop3A_234 = arith.index_cast %parallel_loop3A_232 : i32 to index
        %parallel_loop3A_235 = tpu.vector_load %arg16[%parallel_loop3A_233, %parallel_loop3A_234] {strides = array<i32>} : memref<2x1280xf32, #tpu.memory_space<vmem>>, vector<1x16xf32>,
        %parallel_loop3A_236 = vector.shape_cast %parallel_loop3A_235 : vector<1x16xf32> to vector<16xf32>
        %parallel_loop3A_237 = arith.index_cast %rem3A_172 : i32 to index
        %parallel_loop3A_238 = arith.index_cast %parallel_loop3A_230 : i32 to index
        %parallel_loop3A_239 = arith.constant 0 : index
        %parallel_loop3A_240 = tpu.vector_load %arg14[%parallel_loop3A_237, %parallel_loop3A_238, %parallel_loop3A_239] {strides = array<i32>} : memref<2x80x128xf32, #tpu.memory_space<vmem>>, vector<1x1x16xf32>,
        %parallel_loop3A_241 = vector.shape_cast %parallel_loop3A_240 : vector<1x1x16xf32> to vector<16xf32>
        %parallel_loop3A_242 = arith.index_cast %rem3A_172 : i32 to index
        %parallel_loop3A_243 = arith.index_cast %parallel_loop3A_230 : i32 to index
        %parallel_loop3A_244 = arith.constant 0 : index
        %parallel_loop3A_245 = tpu.vector_load %arg15[%parallel_loop3A_242, %parallel_loop3A_243, %parallel_loop3A_244] {strides = array<i32>} : memref<2x80x128xf32, #tpu.memory_space<vmem>>, vector<1x1x16xf32>,
        %parallel_loop3A_246 = vector.shape_cast %parallel_loop3A_245 : vector<1x1x16xf32> to vector<16xf32>
        %parallel_loop3A_247 = arith.mulf %parallel_loop3A_236, %parallel_loop3A_246 : vector<16xf32>
        %parallel_loop3A_248 = arith.addf %parallel_loop3A_241, %parallel_loop3A_247 : vector<16xf32>
        %parallel_loop3A_249 = arith.index_cast %rem3A_172 : i32 to index
        %parallel_loop3A_250 = arith.index_cast %parallel_loop3A_230 : i32 to index
        %parallel_loop3A_251 = arith.constant 0 : index
        %parallel_loop3A_252 = tpu.vector_load %arg14[%parallel_loop3A_249, %parallel_loop3A_250, %parallel_loop3A_251] {strides = array<i32>} : memref<2x80x128xf32, #tpu.memory_space<vmem>>, vector<1x1x16xf32>,
        %parallel_loop3A_253 = vector.shape_cast %parallel_loop3A_252 : vector<1x1x16xf32> to vector<16xf32>
        %parallel_loop3A_254 = vector.shape_cast %parallel_loop3A_248 : vector<16xf32> to vector<1x1x16xf32>
        tpu.vector_store %arg14[%parallel_loop3A_249, %parallel_loop3A_250, %parallel_loop3A_251], %parallel_loop3A_254 {strides = array<i32>} : memref<2x80x128xf32, #tpu.memory_space<vmem>>, vector<1x1x16xf32>,
        %parallel_loop3A_255 = arith.index_cast %rem3A_172 : i32 to index
        %parallel_loop3A_256 = arith.index_cast %parallel_loop3A_230 : i32 to index
        %parallel_loop3A_257 = arith.constant 16 : index
        %parallel_loop3A_258 = tpu.vector_load %arg14[%parallel_loop3A_255, %parallel_loop3A_256, %parallel_loop3A_257] {strides = array<i32>} : memref<2x80x128xf32, #tpu.memory_space<vmem>>, vector<1x1x16xf32>,
        %parallel_loop3A_259 = vector.shape_cast %parallel_loop3A_258 : vector<1x1x16xf32> to vector<16xf32>
        %parallel_loop3A_260 = arith.index_cast %rem3A_172 : i32 to index
        %parallel_loop3A_261 = arith.index_cast %parallel_loop3A_230 : i32 to index
        %parallel_loop3A_262 = arith.constant 16 : index
        %parallel_loop3A_263 = tpu.vector_load %arg15[%parallel_loop3A_260, %parallel_loop3A_261, %parallel_loop3A_262] {strides = array<i32>} : memref<2x80x128xf32, #tpu.memory_space<vmem>>, vector<1x1x16xf32>,
        %parallel_loop3A_264 = vector.shape_cast %parallel_loop3A_263 : vector<1x1x16xf32> to vector<16xf32>
        %parallel_loop3A_265 = arith.mulf %parallel_loop3A_236, %parallel_loop3A_264 : vector<16xf32>
        %parallel_loop3A_266 = arith.addf %parallel_loop3A_259, %parallel_loop3A_265 : vector<16xf32>
        %parallel_loop3A_267 = arith.index_cast %rem3A_172 : i32 to index
        %parallel_loop3A_268 = arith.index_cast %parallel_loop3A_230 : i32 to index
        %parallel_loop3A_269 = arith.constant 16 : index
        %parallel_loop3A_270 = tpu.vector_load %arg14[%parallel_loop3A_267, %parallel_loop3A_268, %parallel_loop3A_269] {strides = array<i32>} : memref<2x80x128xf32, #tpu.memory_space<vmem>>, vector<1x1x16xf32>,
        %parallel_loop3A_271 = vector.shape_cast %parallel_loop3A_270 : vector<1x1x16xf32> to vector<16xf32>
        %parallel_loop3A_272 = vector.shape_cast %parallel_loop3A_266 : vector<16xf32> to vector<1x1x16xf32>
        tpu.vector_store %arg14[%parallel_loop3A_267, %parallel_loop3A_268, %parallel_loop3A_269], %parallel_loop3A_272 {strides = array<i32>} : memref<2x80x128xf32, #tpu.memory_space<vmem>>, vector<1x1x16xf32>,
        %parallel_loop3A_273 = arith.index_cast %rem3A_172 : i32 to index
        %parallel_loop3A_274 = arith.index_cast %parallel_loop3A_230 : i32 to index
        %parallel_loop3A_275 = arith.constant 32 : index
        %parallel_loop3A_276 = tpu.vector_load %arg14[%parallel_loop3A_273, %parallel_loop3A_274, %parallel_loop3A_275] {strides = array<i32>} : memref<2x80x128xf32, #tpu.memory_space<vmem>>, vector<1x1x16xf32>,
        %parallel_loop3A_277 = vector.shape_cast %parallel_loop3A_276 : vector<1x1x16xf32> to vector<16xf32>
        %parallel_loop3A_278 = arith.index_cast %rem3A_172 : i32 to index
        %parallel_loop3A_279 = arith.index_cast %parallel_loop3A_230 : i32 to index
        %parallel_loop3A_280 = arith.constant 32 : index
        %parallel_loop3A_281 = tpu.vector_load %arg15[%parallel_loop3A_278, %parallel_loop3A_279, %parallel_loop3A_280] {strides = array<i32>} : memref<2x80x128xf32, #tpu.memory_space<vmem>>, vector<1x1x16xf32>,
        %parallel_loop3A_282 = vector.shape_cast %parallel_loop3A_281 : vector<1x1x16xf32> to vector<16xf32>
        %parallel_loop3A_283 = arith.mulf %parallel_loop3A_236, %parallel_loop3A_282 : vector<16xf32>
        %parallel_loop3A_284 = arith.addf %parallel_loop3A_277, %parallel_loop3A_283 : vector<16xf32>
        %parallel_loop3A_285 = arith.index_cast %rem3A_172 : i32 to index
        %parallel_loop3A_286 = arith.index_cast %parallel_loop3A_230 : i32 to index
        %parallel_loop3A_287 = arith.constant 32 : index
        %parallel_loop3A_288 = tpu.vector_load %arg14[%parallel_loop3A_285, %parallel_loop3A_286, %parallel_loop3A_287] {strides = array<i32>} : memref<2x80x128xf32, #tpu.memory_space<vmem>>, vector<1x1x16xf32>,
        %parallel_loop3A_289 = vector.shape_cast %parallel_loop3A_288 : vector<1x1x16xf32> to vector<16xf32>
        %parallel_loop3A_290 = vector.shape_cast %parallel_loop3A_284 : vector<16xf32> to vector<1x1x16xf32>
        tpu.vector_store %arg14[%parallel_loop3A_285, %parallel_loop3A_286, %parallel_loop3A_287], %parallel_loop3A_290 {strides = array<i32>} : memref<2x80x128xf32, #tpu.memory_space<vmem>>, vector<1x1x16xf32>,
        %parallel_loop3A_291 = arith.index_cast %rem3A_172 : i32 to index
        %parallel_loop3A_292 = arith.index_cast %parallel_loop3A_230 : i32 to index
        %parallel_loop3A_293 = arith.constant 48 : index
        %parallel_loop3A_294 = tpu.vector_load %arg14[%parallel_loop3A_291, %parallel_loop3A_292, %parallel_loop3A_293] {strides = array<i32>} : memref<2x80x128xf32, #tpu.memory_space<vmem>>, vector<1x1x16xf32>,
        %parallel_loop3A_295 = vector.shape_cast %parallel_loop3A_294 : vector<1x1x16xf32> to vector<16xf32>
        %parallel_loop3A_296 = arith.index_cast %rem3A_172 : i32 to index
        %parallel_loop3A_297 = arith.index_cast %parallel_loop3A_230 : i32 to index
        %parallel_loop3A_298 = arith.constant 48 : index
        %parallel_loop3A_299 = tpu.vector_load %arg15[%parallel_loop3A_296, %parallel_loop3A_297, %parallel_loop3A_298] {strides = array<i32>} : memref<2x80x128xf32, #tpu.memory_space<vmem>>, vector<1x1x16xf32>,
        %parallel_loop3A_300 = vector.shape_cast %parallel_loop3A_299 : vector<1x1x16xf32> to vector<16xf32>
        %parallel_loop3A_301 = arith.mulf %parallel_loop3A_236, %parallel_loop3A_300 : vector<16xf32>
        %parallel_loop3A_302 = arith.addf %parallel_loop3A_295, %parallel_loop3A_301 : vector<16xf32>
        %parallel_loop3A_303 = arith.index_cast %rem3A_172 : i32 to index
        %parallel_loop3A_304 = arith.index_cast %parallel_loop3A_230 : i32 to index
        %parallel_loop3A_305 = arith.constant 48 : index
        %parallel_loop3A_306 = tpu.vector_load %arg14[%parallel_loop3A_303, %parallel_loop3A_304, %parallel_loop3A_305] {strides = array<i32>} : memref<2x80x128xf32, #tpu.memory_space<vmem>>, vector<1x1x16xf32>,
        %parallel_loop3A_307 = vector.shape_cast %parallel_loop3A_306 : vector<1x1x16xf32> to vector<16xf32>
        %parallel_loop3A_308 = vector.shape_cast %parallel_loop3A_302 : vector<16xf32> to vector<1x1x16xf32>
        tpu.vector_store %arg14[%parallel_loop3A_303, %parallel_loop3A_304, %parallel_loop3A_305], %parallel_loop3A_308 {strides = array<i32>} : memref<2x80x128xf32, #tpu.memory_space<vmem>>, vector<1x1x16xf32>,
        %parallel_loop3A_309 = arith.index_cast %rem3A_172 : i32 to index
        %parallel_loop3A_310 = arith.index_cast %parallel_loop3A_230 : i32 to index
        %parallel_loop3A_311 = arith.constant 64 : index
        %parallel_loop3A_312 = tpu.vector_load %arg14[%parallel_loop3A_309, %parallel_loop3A_310, %parallel_loop3A_311] {strides = array<i32>} : memref<2x80x128xf32, #tpu.memory_space<vmem>>, vector<1x1x16xf32>,
        %parallel_loop3A_313 = vector.shape_cast %parallel_loop3A_312 : vector<1x1x16xf32> to vector<16xf32>
        %parallel_loop3A_314 = arith.index_cast %rem3A_172 : i32 to index
        %parallel_loop3A_315 = arith.index_cast %parallel_loop3A_230 : i32 to index
        %parallel_loop3A_316 = arith.constant 64 : index
        %parallel_loop3A_317 = tpu.vector_load %arg15[%parallel_loop3A_314, %parallel_loop3A_315, %parallel_loop3A_316] {strides = array<i32>} : memref<2x80x128xf32, #tpu.memory_space<vmem>>, vector<1x1x16xf32>,
        %parallel_loop3A_318 = vector.shape_cast %parallel_loop3A_317 : vector<1x1x16xf32> to vector<16xf32>
        %parallel_loop3A_319 = arith.mulf %parallel_loop3A_236, %parallel_loop3A_318 : vector<16xf32>
        %parallel_loop3A_320 = arith.addf %parallel_loop3A_313, %parallel_loop3A_319 : vector<16xf32>
        %parallel_loop3A_321 = arith.index_cast %rem3A_172 : i32 to index
        %parallel_loop3A_322 = arith.index_cast %parallel_loop3A_230 : i32 to index
        %parallel_loop3A_323 = arith.constant 64 : index
        %parallel_loop3A_324 = tpu.vector_load %arg14[%parallel_loop3A_321, %parallel_loop3A_322, %parallel_loop3A_323] {strides = array<i32>} : memref<2x80x128xf32, #tpu.memory_space<vmem>>, vector<1x1x16xf32>,
        %parallel_loop3A_325 = vector.shape_cast %parallel_loop3A_324 : vector<1x1x16xf32> to vector<16xf32>
        %parallel_loop3A_326 = vector.shape_cast %parallel_loop3A_320 : vector<16xf32> to vector<1x1x16xf32>
        tpu.vector_store %arg14[%parallel_loop3A_321, %parallel_loop3A_322, %parallel_loop3A_323], %parallel_loop3A_326 {strides = array<i32>} : memref<2x80x128xf32, #tpu.memory_space<vmem>>, vector<1x1x16xf32>,
        %parallel_loop3A_327 = arith.index_cast %rem3A_172 : i32 to index
        %parallel_loop3A_328 = arith.index_cast %parallel_loop3A_230 : i32 to index
        %parallel_loop3A_329 = arith.constant 80 : index
        %parallel_loop3A_330 = tpu.vector_load %arg14[%parallel_loop3A_327, %parallel_loop3A_328, %parallel_loop3A_329] {strides = array<i32>} : memref<2x80x128xf32, #tpu.memory_space<vmem>>, vector<1x1x16xf32>,
        %parallel_loop3A_331 = vector.shape_cast %parallel_loop3A_330 : vector<1x1x16xf32> to vector<16xf32>
        %parallel_loop3A_332 = arith.index_cast %rem3A_172 : i32 to index
        %parallel_loop3A_333 = arith.index_cast %parallel_loop3A_230 : i32 to index
        %parallel_loop3A_334 = arith.constant 80 : index
        %parallel_loop3A_335 = tpu.vector_load %arg15[%parallel_loop3A_332, %parallel_loop3A_333, %parallel_loop3A_334] {strides = array<i32>} : memref<2x80x128xf32, #tpu.memory_space<vmem>>, vector<1x1x16xf32>,
        %parallel_loop3A_336 = vector.shape_cast %parallel_loop3A_335 : vector<1x1x16xf32> to vector<16xf32>
        %parallel_loop3A_337 = arith.mulf %parallel_loop3A_236, %parallel_loop3A_336 : vector<16xf32>
        %parallel_loop3A_338 = arith.addf %parallel_loop3A_331, %parallel_loop3A_337 : vector<16xf32>
        %parallel_loop3A_339 = arith.index_cast %rem3A_172 : i32 to index
        %parallel_loop3A_340 = arith.index_cast %parallel_loop3A_230 : i32 to index
        %parallel_loop3A_341 = arith.constant 80 : index
        %parallel_loop3A_342 = tpu.vector_load %arg14[%parallel_loop3A_339, %parallel_loop3A_340, %parallel_loop3A_341] {strides = array<i32>} : memref<2x80x128xf32, #tpu.memory_space<vmem>>, vector<1x1x16xf32>,
        %parallel_loop3A_343 = vector.shape_cast %parallel_loop3A_342 : vector<1x1x16xf32> to vector<16xf32>
        %parallel_loop3A_344 = vector.shape_cast %parallel_loop3A_338 : vector<16xf32> to vector<1x1x16xf32>
        tpu.vector_store %arg14[%parallel_loop3A_339, %parallel_loop3A_340, %parallel_loop3A_341], %parallel_loop3A_344 {strides = array<i32>} : memref<2x80x128xf32, #tpu.memory_space<vmem>>, vector<1x1x16xf32>,
        %parallel_loop3A_345 = arith.index_cast %rem3A_172 : i32 to index
        %parallel_loop3A_346 = arith.index_cast %parallel_loop3A_230 : i32 to index
        %parallel_loop3A_347 = arith.constant 96 : index
        %parallel_loop3A_348 = tpu.vector_load %arg14[%parallel_loop3A_345, %parallel_loop3A_346, %parallel_loop3A_347] {strides = array<i32>} : memref<2x80x128xf32, #tpu.memory_space<vmem>>, vector<1x1x16xf32>,
        %parallel_loop3A_349 = vector.shape_cast %parallel_loop3A_348 : vector<1x1x16xf32> to vector<16xf32>
        %parallel_loop3A_350 = arith.index_cast %rem3A_172 : i32 to index
        %parallel_loop3A_351 = arith.index_cast %parallel_loop3A_230 : i32 to index
        %parallel_loop3A_352 = arith.constant 96 : index
        %parallel_loop3A_353 = tpu.vector_load %arg15[%parallel_loop3A_350, %parallel_loop3A_351, %parallel_loop3A_352] {strides = array<i32>} : memref<2x80x128xf32, #tpu.memory_space<vmem>>, vector<1x1x16xf32>,
        %parallel_loop3A_354 = vector.shape_cast %parallel_loop3A_353 : vector<1x1x16xf32> to vector<16xf32>
        %parallel_loop3A_355 = arith.mulf %parallel_loop3A_236, %parallel_loop3A_354 : vector<16xf32>
        %parallel_loop3A_356 = arith.addf %parallel_loop3A_349, %parallel_loop3A_355 : vector<16xf32>
        %parallel_loop3A_357 = arith.index_cast %rem3A_172 : i32 to index
        %parallel_loop3A_358 = arith.index_cast %parallel_loop3A_230 : i32 to index
        %parallel_loop3A_359 = arith.constant 96 : index
        %parallel_loop3A_360 = tpu.vector_load %arg14[%parallel_loop3A_357, %parallel_loop3A_358, %parallel_loop3A_359] {strides = array<i32>} : memref<2x80x128xf32, #tpu.memory_space<vmem>>, vector<1x1x16xf32>,
        %parallel_loop3A_361 = vector.shape_cast %parallel_loop3A_360 : vector<1x1x16xf32> to vector<16xf32>
        %parallel_loop3A_362 = vector.shape_cast %parallel_loop3A_356 : vector<16xf32> to vector<1x1x16xf32>
        tpu.vector_store %arg14[%parallel_loop3A_357, %parallel_loop3A_358, %parallel_loop3A_359], %parallel_loop3A_362 {strides = array<i32>} : memref<2x80x128xf32, #tpu.memory_space<vmem>>, vector<1x1x16xf32>,
        %parallel_loop3A_363 = arith.index_cast %rem3A_172 : i32 to index
        %parallel_loop3A_364 = arith.index_cast %parallel_loop3A_230 : i32 to index
        %parallel_loop3A_365 = arith.constant 112 : index
        %parallel_loop3A_366 = tpu.vector_load %arg14[%parallel_loop3A_363, %parallel_loop3A_364, %parallel_loop3A_365] {strides = array<i32>} : memref<2x80x128xf32, #tpu.memory_space<vmem>>, vector<1x1x16xf32>,
        %parallel_loop3A_367 = vector.shape_cast %parallel_loop3A_366 : vector<1x1x16xf32> to vector<16xf32>
        %parallel_loop3A_368 = arith.index_cast %rem3A_172 : i32 to index
        %parallel_loop3A_369 = arith.index_cast %parallel_loop3A_230 : i32 to index
        %parallel_loop3A_370 = arith.constant 112 : index
        %parallel_loop3A_371 = tpu.vector_load %arg15[%parallel_loop3A_368, %parallel_loop3A_369, %parallel_loop3A_370] {strides = array<i32>} : memref<2x80x128xf32, #tpu.memory_space<vmem>>, vector<1x1x16xf32>,
        %parallel_loop3A_372 = vector.shape_cast %parallel_loop3A_371 : vector<1x1x16xf32> to vector<16xf32>
        %parallel_loop3A_373 = arith.mulf %parallel_loop3A_236, %parallel_loop3A_372 : vector<16xf32>
        %parallel_loop3A_374 = arith.addf %parallel_loop3A_367, %parallel_loop3A_373 : vector<16xf32>
        %parallel_loop3A_375 = arith.index_cast %rem3A_172 : i32 to index
        %parallel_loop3A_376 = arith.index_cast %parallel_loop3A_230 : i32 to index
        %parallel_loop3A_377 = arith.constant 112 : index
        %parallel_loop3A_378 = tpu.vector_load %arg14[%parallel_loop3A_375, %parallel_loop3A_376, %parallel_loop3A_377] {strides = array<i32>} : memref<2x80x128xf32, #tpu.memory_space<vmem>>, vector<1x1x16xf32>,
        %parallel_loop3A_379 = vector.shape_cast %parallel_loop3A_378 : vector<1x1x16xf32> to vector<16xf32>
        %parallel_loop3A_380 = vector.shape_cast %parallel_loop3A_374 : vector<16xf32> to vector<1x1x16xf32>
        tpu.vector_store %arg14[%parallel_loop3A_375, %parallel_loop3A_376, %parallel_loop3A_377], %parallel_loop3A_380 {strides = array<i32>} : memref<2x80x128xf32, #tpu.memory_space<vmem>>, vector<1x1x16xf32>,
      } {sc.loop_unroll_factor = 8 : i64, sc.parallel_access}
      %dma_start3A_220 = arith.constant 0 : i32
      %dma_start3A_221 = arith.constant 0 : i32
      %dma_start3A_222 = tpu.memref_slice %arg14[%rem3A_172, %dma_start3A_220, %dma_start3A_221] : memref<2x80x128xf32, #tpu.memory_space<vmem>> -> memref<1x80x128xf32, #tpu.memory_space<vmem>>
      %dma_start3A_223 = tpu.memref_squeeze %dma_start3A_222 : memref<1x80x128xf32, #tpu.memory_space<vmem>> -> memref<80x128xf32, #tpu.memory_space<vmem>>
      %dma_start3A_224 = arith.constant 0 : i32
      %dma_start3A_225 = tpu.memref_slice %arg12[%rem3A_172, %dma_start3A_224] : memref<2x80xi32, #tpu.memory_space<vmem>> -> memref<1x80xi32, #tpu.memory_space<vmem>>
      %dma_start3A_226 = tpu.memref_squeeze %dma_start3A_225 : memref<1x80xi32, #tpu.memory_space<vmem>> -> memref<80xi32, #tpu.memory_space<vmem>>
      %dma_start3A_227 = arith.constant 0 : i32
      %dma_start3A_228 = arith.constant 0 : i32
      %dma_start3A_229 = tpu.memref_slice %arg23[%dma_start3A_227, %dma_start3A_228] : memref<10240x128xf32, #tpu.memory_space<vmem_shared>> -> memref<10240x128xf32, #tpu.memory_space<vmem_shared>>
      tpu.enqueue_indirect_dma source(%dma_start3A_223 : memref<80x128xf32, #tpu.memory_space<vmem>>) target(%dma_start3A_229 : memref<10240x128xf32, #tpu.memory_space<vmem_shared>>) offsets(%dma_start3A_226 : memref<80xi32, #tpu.memory_space<vmem>>) semaphore(%arg22 : memref<!tpu.dma_semaphore, #tpu.memory_space<semaphore_mem>>) {add = true}
    }
    %scan3A_89 = arith.constant 125 : i32
    %dma_wait3A_90 = arith.constant 0 : i32
    %dma_wait3A_91 = arith.constant 0 : i32
    %dma_wait3A_92 = arith.constant 0 : i32
    %dma_wait3A_93 = arith.constant 0 : i32
    %dma_wait3A_94 = tpu.memref_slice %arg14[%dma_wait3A_90, %dma_wait3A_92, %dma_wait3A_93] : memref<2x80x128xf32, #tpu.memory_space<vmem>> -> memref<1x80x128xf32, #tpu.memory_space<vmem>>
    %dma_wait3A_95 = tpu.memref_squeeze %dma_wait3A_94 : memref<1x80x128xf32, #tpu.memory_space<vmem>> -> memref<80x128xf32, #tpu.memory_space<vmem>>
    %dma_wait3A_96 = arith.constant 0 : i32
    %dma_wait3A_97 = tpu.memref_slice %arg12[%dma_wait3A_91, %dma_wait3A_96] : memref<2x80xi32, #tpu.memory_space<vmem>> -> memref<1x80xi32, #tpu.memory_space<vmem>>
    %dma_wait3A_98 = tpu.memref_squeeze %dma_wait3A_97 : memref<1x80xi32, #tpu.memory_space<vmem>> -> memref<80xi32, #tpu.memory_space<vmem>>
    %dma_wait3A_99 = arith.constant 0 : i32
    %dma_wait3A_100 = arith.constant 0 : i32
    %dma_wait3A_101 = tpu.memref_slice %arg23[%dma_wait3A_99, %dma_wait3A_100] : memref<10240x128xf32, #tpu.memory_space<vmem_shared>> -> memref<10240x128xf32, #tpu.memory_space<vmem_shared>>
    tpu.wait_indirect_dma semaphore(%arg22 : memref<!tpu.dma_semaphore, #tpu.memory_space<semaphore_mem>>) src(%dma_wait3A_95 : memref<80x128xf32, #tpu.memory_space<vmem>>) dst(%dma_wait3A_101 : memref<10240x128xf32, #tpu.memory_space<vmem_shared>>)
    %barrier3A_102 = arith.constant 0 : index
    tpu.barrier barrier_id(%barrier3A_102)
    %mul3A_103 = arith.constant 640 : i32
    %mul3A_104 = arith.muli %arg1, %mul3A_103 : i32
    %eq3A = arith.constant 0 : i32
    %eq3A_105 = arith.cmpi eq, %arg0, %eq3A : i32
    %convert_element_type3A = arith.extui %eq3A_105 : i1 to i32
    %cond3A = arith.constant 0 : i32
    %cond3A_106 = arith.cmpi ne, %convert_element_type3A, %cond3A : i32
    scf.if %cond3A_106 {
      "tpu.region"() ({
        %run_scoped3A = tpu.sem_alloc : memref<!tpu.dma_semaphore, #tpu.memory_space<semaphore_mem>>
        %dma_start3A_171 = arith.constant 0 : i32
        %dma_start3A_172 = tpu.memref_slice %arg8[%mul3A_104, %dma_start3A_171] : memref<10240x128xf32, #tpu.memory_space<hbm>> -> memref<640x128xf32, #tpu.memory_space<hbm>>
        %dma_start3A_173 = arith.constant 0 : i32
        %dma_start3A_174 = tpu.memref_slice %arg23[%mul3A_104, %dma_start3A_173] : memref<10240x128xf32, #tpu.memory_space<vmem_shared>> -> memref<640x128xf32, #tpu.memory_space<vmem_shared>>
        tpu.enqueue_dma source(%dma_start3A_174 : memref<640x128xf32, #tpu.memory_space<vmem_shared>>) target(%dma_start3A_172 : memref<640x128xf32, #tpu.memory_space<hbm>>) target_semaphore(%run_scoped3A : memref<!tpu.dma_semaphore, #tpu.memory_space<semaphore_mem>>)
        %dma_wait3A_175 = arith.constant 0 : i32
        %dma_wait3A_176 = tpu.memref_slice %arg8[%mul3A_104, %dma_wait3A_175] : memref<10240x128xf32, #tpu.memory_space<hbm>> -> memref<640x128xf32, #tpu.memory_space<hbm>>
        %dma_wait3A_177 = arith.constant 0 : i32
        %dma_wait3A_178 = tpu.memref_slice %arg23[%mul3A_104, %dma_wait3A_177] : memref<10240x128xf32, #tpu.memory_space<vmem_shared>> -> memref<640x128xf32, #tpu.memory_space<vmem_shared>>
        tpu.wait_dma2 semaphore(%run_scoped3A : memref<!tpu.dma_semaphore, #tpu.memory_space<semaphore_mem>>) src(%dma_wait3A_178 : memref<640x128xf32, #tpu.memory_space<vmem_shared>>) dst(%dma_wait3A_176 : memref<640x128xf32, #tpu.memory_space<hbm>>)
        tpu.yield
      }) : () -> ()
    } else {
    }
    %eq3A_107 = arith.constant 1 : i32
    %eq3A_108 = arith.cmpi eq, %arg0, %eq3A_107 : i32
    %convert_element_type3A_109 = arith.extui %eq3A_108 : i1 to i32
    %cond3A_110 = arith.constant 0 : i32
    %cond3A_111 = arith.cmpi ne, %convert_element_type3A_109, %cond3A_110 : i32
    scf.if %cond3A_111 {
      "tpu.region"() ({
        %run_scoped3A = tpu.sem_alloc : memref<!tpu.dma_semaphore, #tpu.memory_space<semaphore_mem>>
        %dma_start3A_171 = arith.constant 0 : i32
        %dma_start3A_172 = tpu.memref_slice %arg9[%mul3A_104, %dma_start3A_171] : memref<10240x128xf32, #tpu.memory_space<hbm>> -> memref<640x128xf32, #tpu.memory_space<hbm>>
        %dma_start3A_173 = arith.constant 0 : i32
        %dma_start3A_174 = tpu.memref_slice %arg23[%mul3A_104, %dma_start3A_173] : memref<10240x128xf32, #tpu.memory_space<vmem_shared>> -> memref<640x128xf32, #tpu.memory_space<vmem_shared>>
        tpu.enqueue_dma source(%dma_start3A_174 : memref<640x128xf32, #tpu.memory_space<vmem_shared>>) target(%dma_start3A_172 : memref<640x128xf32, #tpu.memory_space<hbm>>) target_semaphore(%run_scoped3A : memref<!tpu.dma_semaphore, #tpu.memory_space<semaphore_mem>>)
        %dma_wait3A_175 = arith.constant 0 : i32
        %dma_wait3A_176 = tpu.memref_slice %arg9[%mul3A_104, %dma_wait3A_175] : memref<10240x128xf32, #tpu.memory_space<hbm>> -> memref<640x128xf32, #tpu.memory_space<hbm>>
        %dma_wait3A_177 = arith.constant 0 : i32
        %dma_wait3A_178 = tpu.memref_slice %arg23[%mul3A_104, %dma_wait3A_177] : memref<10240x128xf32, #tpu.memory_space<vmem_shared>> -> memref<640x128xf32, #tpu.memory_space<vmem_shared>>
        tpu.wait_dma2 semaphore(%run_scoped3A : memref<!tpu.dma_semaphore, #tpu.memory_space<semaphore_mem>>) src(%dma_wait3A_178 : memref<640x128xf32, #tpu.memory_space<vmem_shared>>) dst(%dma_wait3A_176 : memref<640x128xf32, #tpu.memory_space<hbm>>)
        tpu.yield
      }) : () -> ()
    } else {
    }
    %barrier3A_112 = arith.constant 0 : index
    tpu.barrier barrier_id(%barrier3A_112)
    %scan3A_113 = arith.constant 0 : i32
    %scan3A_114 = arith.constant 0 : i32
    %scan3A_115 = arith.constant 10 : i32
    %scan3A_116 = arith.addi %scan3A_114, %scan3A_115 : i32
    %scan3A_117 = arith.constant 1 : i32
    scf.for %scan3A_171 = %scan3A_114 to %scan3A_116 step %scan3A_117  : i32 {
      %mul3A_172 = arith.constant 640 : i32
      %mul3A_173 = arith.muli %arg1, %mul3A_172 : i32
      %mul3A_174 = arith.constant 64 : i32
      %mul3A_175 = arith.muli %scan3A_171, %mul3A_174 : i32
      %add3A_176 = arith.addi %mul3A_173, %mul3A_175 : i32
      "tpu.region"() ({
        %run_scoped3A = tpu.sem_alloc : memref<!tpu.dma_semaphore, #tpu.memory_space<semaphore_mem>>
        %dma_start3A_177 = arith.constant 0 : i32
        %dma_start3A_178 = tpu.memref_slice %arg23[%add3A_176, %dma_start3A_177] : memref<10240x128xf32, #tpu.memory_space<vmem_shared>> -> memref<64x128xf32, #tpu.memory_space<vmem_shared>>
        tpu.enqueue_dma source(%arg7 : memref<64x128xf32, #tpu.memory_space<hbm>>) target(%dma_start3A_178 : memref<64x128xf32, #tpu.memory_space<vmem_shared>>) target_semaphore(%run_scoped3A : memref<!tpu.dma_semaphore, #tpu.memory_space<semaphore_mem>>)
        %dma_wait3A_179 = arith.constant 0 : i32
        %dma_wait3A_180 = tpu.memref_slice %arg23[%add3A_176, %dma_wait3A_179] : memref<10240x128xf32, #tpu.memory_space<vmem_shared>> -> memref<64x128xf32, #tpu.memory_space<vmem_shared>>
        tpu.wait_dma2 semaphore(%run_scoped3A : memref<!tpu.dma_semaphore, #tpu.memory_space<semaphore_mem>>) src(%arg7 : memref<64x128xf32, #tpu.memory_space<hbm>>) dst(%dma_wait3A_180 : memref<64x128xf32, #tpu.memory_space<vmem_shared>>)
        tpu.yield
      }) : () -> ()
    }
    %scan3A_118 = arith.constant 10 : i32
    %barrier3A_119 = arith.constant 0 : index
    tpu.barrier barrier_id(%barrier3A_119)
    %add3A_120 = arith.constant 0 : i32
    %add3A_121 = arith.addi %mul3A_2, %add3A_120 : i32
    %dma_start3A_122 = arith.constant 0 : i32
    %dma_start3A_123 = arith.constant 0 : i32
    %dma_start3A_124 = tpu.memref_slice %arg12[%dma_start3A_122, %dma_start3A_123] : memref<2x80xi32, #tpu.memory_space<vmem>> -> memref<1x80xi32, #tpu.memory_space<vmem>>
    %dma_start3A_125 = tpu.memref_squeeze %dma_start3A_124 : memref<1x80xi32, #tpu.memory_space<vmem>> -> memref<80xi32, #tpu.memory_space<vmem>>
    %dma_start3A_126 = tpu.memref_slice %arg5[%add3A_121] : memref<320000xi32, #tpu.memory_space<hbm>> -> memref<80xi32, #tpu.memory_space<hbm>>
    %dma_start3A_127 = arith.constant 0 : i32
    %dma_start3A_128 = tpu.memref_slice %arg12[%dma_start3A_122, %dma_start3A_127] : memref<2x80xi32, #tpu.memory_space<vmem>> -> memref<1x80xi32, #tpu.memory_space<vmem>>
    %dma_start3A_129 = tpu.memref_squeeze %dma_start3A_128 : memref<1x80xi32, #tpu.memory_space<vmem>> -> memref<80xi32, #tpu.memory_space<vmem>>
    %dma_start3A_130 = tpu.memref_slice %arg5[%add3A_121] : memref<320000xi32, #tpu.memory_space<hbm>> -> memref<80xi32, #tpu.memory_space<hbm>>
    tpu.enqueue_dma source(%dma_start3A_130 : memref<80xi32, #tpu.memory_space<hbm>>) target(%dma_start3A_129 : memref<80xi32, #tpu.memory_space<vmem>>) target_semaphore(%arg17 : memref<!tpu.dma_semaphore, #tpu.memory_space<semaphore_mem>>)
    %mul3A_131 = arith.constant 16 : i32
    %mul3A_132 = arith.muli %add3A_121, %mul3A_131 : i32
    %dma_start3A_133 = arith.constant 0 : i32
    %dma_start3A_134 = arith.constant 0 : i32
    %dma_start3A_135 = tpu.memref_slice %arg16[%dma_start3A_133, %dma_start3A_134] : memref<2x1280xf32, #tpu.memory_space<vmem>> -> memref<1x1280xf32, #tpu.memory_space<vmem>>
    %dma_start3A_136 = tpu.memref_squeeze %dma_start3A_135 : memref<1x1280xf32, #tpu.memory_space<vmem>> -> memref<1280xf32, #tpu.memory_space<vmem>>
    %dma_start3A_137 = tpu.memref_slice %arg3[%mul3A_132] : memref<5120000xf32, #tpu.memory_space<hbm>> -> memref<1280xf32, #tpu.memory_space<hbm>>
    %dma_start3A_138 = arith.constant 0 : i32
    %dma_start3A_139 = tpu.memref_slice %arg16[%dma_start3A_133, %dma_start3A_138] : memref<2x1280xf32, #tpu.memory_space<vmem>> -> memref<1x1280xf32, #tpu.memory_space<vmem>>
    %dma_start3A_140 = tpu.memref_squeeze %dma_start3A_139 : memref<1x1280xf32, #tpu.memory_space<vmem>> -> memref<1280xf32, #tpu.memory_space<vmem>>
    %dma_start3A_141 = tpu.memref_slice %arg3[%mul3A_132] : memref<5120000xf32, #tpu.memory_space<hbm>> -> memref<1280xf32, #tpu.memory_space<hbm>>
    tpu.enqueue_dma source(%dma_start3A_141 : memref<1280xf32, #tpu.memory_space<hbm>>) target(%dma_start3A_140 : memref<1280xf32, #tpu.memory_space<vmem>>) target_semaphore(%arg20 : memref<!tpu.dma_semaphore, #tpu.memory_space<semaphore_mem>>)
    %scan3A_142 = arith.constant 0 : i32
    %scan3A_143 = arith.constant 0 : i32
    %scan3A_144 = arith.constant 125 : i32
    %scan3A_145 = arith.addi %scan3A_143, %scan3A_144 : i32
    %scan3A_146 = arith.constant 1 : i32
    scf.for %scan3A_171 = %scan3A_143 to %scan3A_145 step %scan3A_146  : i32 {
      %rem3A = arith.constant 2 : i32
      %rem3A_172 = arith.remsi %scan3A_171, %rem3A : i32
      %sub3A = arith.constant 1 : i32
      %sub3A_173 = arith.subi %sub3A, %rem3A_172 : i32
      %dma_wait3A_174 = arith.constant 0 : i32
      %dma_wait3A_175 = tpu.memref_slice %arg12[%rem3A_172, %dma_wait3A_174] : memref<2x80xi32, #tpu.memory_space<vmem>> -> memref<1x80xi32, #tpu.memory_space<vmem>>
      %dma_wait3A_176 = tpu.memref_squeeze %dma_wait3A_175 : memref<1x80xi32, #tpu.memory_space<vmem>> -> memref<80xi32, #tpu.memory_space<vmem>>
      %dma_wait3A_177 = arith.constant 0 : i32
      %dma_wait3A_178 = tpu.memref_slice %arg5[%dma_wait3A_177] : memref<320000xi32, #tpu.memory_space<hbm>> -> memref<80xi32, #tpu.memory_space<hbm>>
      %dma_wait3A_179 = arith.constant 0 : i32
      %dma_wait3A_180 = tpu.memref_slice %arg12[%rem3A_172, %dma_wait3A_179] : memref<2x80xi32, #tpu.memory_space<vmem>> -> memref<1x80xi32, #tpu.memory_space<vmem>>
      %dma_wait3A_181 = tpu.memref_squeeze %dma_wait3A_180 : memref<1x80xi32, #tpu.memory_space<vmem>> -> memref<80xi32, #tpu.memory_space<vmem>>
      %dma_wait3A_182 = arith.constant 0 : i32
      %dma_wait3A_183 = tpu.memref_slice %arg5[%dma_wait3A_182] : memref<320000xi32, #tpu.memory_space<hbm>> -> memref<80xi32, #tpu.memory_space<hbm>>
      tpu.wait_dma2 semaphore(%arg17 : memref<!tpu.dma_semaphore, #tpu.memory_space<semaphore_mem>>) src(%dma_wait3A_183 : memref<80xi32, #tpu.memory_space<hbm>>) dst(%dma_wait3A_181 : memref<80xi32, #tpu.memory_space<vmem>>)
      %ge3A = arith.constant 1 : i32
      %ge3A_184 = arith.cmpi sge, %scan3A_171, %ge3A : i32
      %convert_element_type3A_185 = arith.extui %ge3A_184 : i1 to i32
      %cond3A_186 = arith.constant 0 : i32
      %cond3A_187 = arith.cmpi ne, %convert_element_type3A_185, %cond3A_186 : i32
      scf.if %cond3A_187 {
        %dma_wait3A_216 = arith.constant 0 : i32
        %dma_wait3A_217 = arith.constant 0 : i32
        %dma_wait3A_218 = arith.constant 0 : i32
        %dma_wait3A_219 = arith.constant 0 : i32
        %dma_wait3A_220 = tpu.memref_slice %arg14[%dma_wait3A_216, %dma_wait3A_218, %dma_wait3A_219] : memref<2x80x128xf32, #tpu.memory_space<vmem>> -> memref<1x80x128xf32, #tpu.memory_space<vmem>>
        %dma_wait3A_221 = tpu.memref_squeeze %dma_wait3A_220 : memref<1x80x128xf32, #tpu.memory_space<vmem>> -> memref<80x128xf32, #tpu.memory_space<vmem>>
        %dma_wait3A_222 = arith.constant 0 : i32
        %dma_wait3A_223 = tpu.memref_slice %arg12[%dma_wait3A_217, %dma_wait3A_222] : memref<2x80xi32, #tpu.memory_space<vmem>> -> memref<1x80xi32, #tpu.memory_space<vmem>>
        %dma_wait3A_224 = tpu.memref_squeeze %dma_wait3A_223 : memref<1x80xi32, #tpu.memory_space<vmem>> -> memref<80xi32, #tpu.memory_space<vmem>>
        %dma_wait3A_225 = arith.constant 0 : i32
        %dma_wait3A_226 = arith.constant 0 : i32
        %dma_wait3A_227 = tpu.memref_slice %arg23[%dma_wait3A_225, %dma_wait3A_226] : memref<10240x128xf32, #tpu.memory_space<vmem_shared>> -> memref<10240x128xf32, #tpu.memory_space<vmem_shared>>
        tpu.wait_indirect_dma semaphore(%arg22 : memref<!tpu.dma_semaphore, #tpu.memory_space<semaphore_mem>>) src(%dma_wait3A_221 : memref<80x128xf32, #tpu.memory_space<vmem>>) dst(%dma_wait3A_227 : memref<10240x128xf32, #tpu.memory_space<vmem_shared>>)
      } else {
      }
      %add3A_188 = arith.constant 1 : i32
      %add3A_189 = arith.addi %scan3A_171, %add3A_188 : i32
      %lt3A = arith.constant 125 : i32
      %lt3A_190 = arith.cmpi slt, %add3A_189, %lt3A : i32
      %convert_element_type3A_191 = arith.extui %lt3A_190 : i1 to i32
      %cond3A_192 = arith.constant 0 : i32
      %cond3A_193 = arith.cmpi ne, %convert_element_type3A_191, %cond3A_192 : i32
      scf.if %cond3A_193 {
        %add3A_216 = arith.constant 1 : i32
        %add3A_217 = arith.addi %scan3A_171, %add3A_216 : i32
        %mul3A_218 = arith.constant 80 : i32
        %mul3A_219 = arith.muli %add3A_217, %mul3A_218 : i32
        %add3A_220 = arith.addi %mul3A_2, %mul3A_219 : i32
        %dma_start3A_221 = arith.constant 0 : i32
        %dma_start3A_222 = tpu.memref_slice %arg12[%sub3A_173, %dma_start3A_221] : memref<2x80xi32, #tpu.memory_space<vmem>> -> memref<1x80xi32, #tpu.memory_space<vmem>>
        %dma_start3A_223 = tpu.memref_squeeze %dma_start3A_222 : memref<1x80xi32, #tpu.memory_space<vmem>> -> memref<80xi32, #tpu.memory_space<vmem>>
        %dma_start3A_224 = tpu.memref_slice %arg5[%add3A_220] : memref<320000xi32, #tpu.memory_space<hbm>> -> memref<80xi32, #tpu.memory_space<hbm>>
        %dma_start3A_225 = arith.constant 0 : i32
        %dma_start3A_226 = tpu.memref_slice %arg12[%sub3A_173, %dma_start3A_225] : memref<2x80xi32, #tpu.memory_space<vmem>> -> memref<1x80xi32, #tpu.memory_space<vmem>>
        %dma_start3A_227 = tpu.memref_squeeze %dma_start3A_226 : memref<1x80xi32, #tpu.memory_space<vmem>> -> memref<80xi32, #tpu.memory_space<vmem>>
        %dma_start3A_228 = tpu.memref_slice %arg5[%add3A_220] : memref<320000xi32, #tpu.memory_space<hbm>> -> memref<80xi32, #tpu.memory_space<hbm>>
        tpu.enqueue_dma source(%dma_start3A_228 : memref<80xi32, #tpu.memory_space<hbm>>) target(%dma_start3A_227 : memref<80xi32, #tpu.memory_space<vmem>>) target_semaphore(%arg17 : memref<!tpu.dma_semaphore, #tpu.memory_space<semaphore_mem>>)
        %mul3A_229 = arith.constant 16 : i32
        %mul3A_230 = arith.muli %add3A_220, %mul3A_229 : i32
        %dma_start3A_231 = arith.constant 0 : i32
        %dma_start3A_232 = tpu.memref_slice %arg16[%sub3A_173, %dma_start3A_231] : memref<2x1280xf32, #tpu.memory_space<vmem>> -> memref<1x1280xf32, #tpu.memory_space<vmem>>
        %dma_start3A_233 = tpu.memref_squeeze %dma_start3A_232 : memref<1x1280xf32, #tpu.memory_space<vmem>> -> memref<1280xf32, #tpu.memory_space<vmem>>
        %dma_start3A_234 = tpu.memref_slice %arg3[%mul3A_230] : memref<5120000xf32, #tpu.memory_space<hbm>> -> memref<1280xf32, #tpu.memory_space<hbm>>
        %dma_start3A_235 = arith.constant 0 : i32
        %dma_start3A_236 = tpu.memref_slice %arg16[%sub3A_173, %dma_start3A_235] : memref<2x1280xf32, #tpu.memory_space<vmem>> -> memref<1x1280xf32, #tpu.memory_space<vmem>>
        %dma_start3A_237 = tpu.memref_squeeze %dma_start3A_236 : memref<1x1280xf32, #tpu.memory_space<vmem>> -> memref<1280xf32, #tpu.memory_space<vmem>>
        %dma_start3A_238 = tpu.memref_slice %arg3[%mul3A_230] : memref<5120000xf32, #tpu.memory_space<hbm>> -> memref<1280xf32, #tpu.memory_space<hbm>>
        tpu.enqueue_dma source(%dma_start3A_238 : memref<1280xf32, #tpu.memory_space<hbm>>) target(%dma_start3A_237 : memref<1280xf32, #tpu.memory_space<vmem>>) target_semaphore(%arg20 : memref<!tpu.dma_semaphore, #tpu.memory_space<semaphore_mem>>)
      } else {
      }
      %dma_wait3A_194 = arith.constant 0 : i32
      %dma_wait3A_195 = tpu.memref_slice %arg16[%rem3A_172, %dma_wait3A_194] : memref<2x1280xf32, #tpu.memory_space<vmem>> -> memref<1x1280xf32, #tpu.memory_space<vmem>>
      %dma_wait3A_196 = tpu.memref_squeeze %dma_wait3A_195 : memref<1x1280xf32, #tpu.memory_space<vmem>> -> memref<1280xf32, #tpu.memory_space<vmem>>
      %dma_wait3A_197 = arith.constant 0 : i32
      %dma_wait3A_198 = tpu.memref_slice %arg3[%dma_wait3A_197] : memref<5120000xf32, #tpu.memory_space<hbm>> -> memref<1280xf32, #tpu.memory_space<hbm>>
      %dma_wait3A_199 = arith.constant 0 : i32
      %dma_wait3A_200 = tpu.memref_slice %arg16[%rem3A_172, %dma_wait3A_199] : memref<2x1280xf32, #tpu.memory_space<vmem>> -> memref<1x1280xf32, #tpu.memory_space<vmem>>
      %dma_wait3A_201 = tpu.memref_squeeze %dma_wait3A_200 : memref<1x1280xf32, #tpu.memory_space<vmem>> -> memref<1280xf32, #tpu.memory_space<vmem>>
      %dma_wait3A_202 = arith.constant 0 : i32
      %dma_wait3A_203 = tpu.memref_slice %arg3[%dma_wait3A_202] : memref<5120000xf32, #tpu.memory_space<hbm>> -> memref<1280xf32, #tpu.memory_space<hbm>>
      tpu.wait_dma2 semaphore(%arg20 : memref<!tpu.dma_semaphore, #tpu.memory_space<semaphore_mem>>) src(%dma_wait3A_203 : memref<1280xf32, #tpu.memory_space<hbm>>) dst(%dma_wait3A_201 : memref<1280xf32, #tpu.memory_space<vmem>>)
      %parallel_loop3A = arith.constant 0 : i32
      %parallel_loop3A_204 = arith.constant 80 : i32
      %parallel_loop3A_205 = arith.constant 1 : i32
      scf.for %parallel_loop3A_216 = %parallel_loop3A to %parallel_loop3A_204 step %parallel_loop3A_205  : i32 {
        %parallel_loop3A_217 = arith.constant 16 : i32
        %parallel_loop3A_218 = arith.muli %parallel_loop3A_216, %parallel_loop3A_217 : i32
        %parallel_loop3A_219 = arith.index_cast %rem3A_172 : i32 to index
        %parallel_loop3A_220 = arith.index_cast %parallel_loop3A_218 : i32 to index
        %parallel_loop3A_221 = tpu.vector_load %arg16[%parallel_loop3A_219, %parallel_loop3A_220] {strides = array<i32>} : memref<2x1280xf32, #tpu.memory_space<vmem>>, vector<1x16xf32>,
        %parallel_loop3A_222 = vector.shape_cast %parallel_loop3A_221 : vector<1x16xf32> to vector<16xf32>
        %parallel_loop3A_223 = arith.index_cast %rem3A_172 : i32 to index
        %parallel_loop3A_224 = arith.index_cast %parallel_loop3A_216 : i32 to index
        %parallel_loop3A_225 = arith.constant 0 : index
        %parallel_loop3A_226 = tpu.vector_load %arg14[%parallel_loop3A_223, %parallel_loop3A_224, %parallel_loop3A_225] {strides = array<i32>} : memref<2x80x128xf32, #tpu.memory_space<vmem>>, vector<1x1x16xf32>,
        %parallel_loop3A_227 = vector.shape_cast %parallel_loop3A_226 : vector<1x1x16xf32> to vector<16xf32>
        %parallel_loop3A_228 = vector.shape_cast %parallel_loop3A_222 : vector<16xf32> to vector<1x1x16xf32>
        tpu.vector_store %arg14[%parallel_loop3A_223, %parallel_loop3A_224, %parallel_loop3A_225], %parallel_loop3A_228 {strides = array<i32>} : memref<2x80x128xf32, #tpu.memory_space<vmem>>, vector<1x1x16xf32>,
      } {sc.loop_unroll_factor = 8 : i64, sc.parallel_access}
      %dma_start3A_206 = arith.constant 0 : i32
      %dma_start3A_207 = arith.constant 0 : i32
      %dma_start3A_208 = tpu.memref_slice %arg14[%rem3A_172, %dma_start3A_206, %dma_start3A_207] : memref<2x80x128xf32, #tpu.memory_space<vmem>> -> memref<1x80x128xf32, #tpu.memory_space<vmem>>
      %dma_start3A_209 = tpu.memref_squeeze %dma_start3A_208 : memref<1x80x128xf32, #tpu.memory_space<vmem>> -> memref<80x128xf32, #tpu.memory_space<vmem>>
      %dma_start3A_210 = arith.constant 0 : i32
      %dma_start3A_211 = tpu.memref_slice %arg12[%rem3A_172, %dma_start3A_210] : memref<2x80xi32, #tpu.memory_space<vmem>> -> memref<1x80xi32, #tpu.memory_space<vmem>>
      %dma_start3A_212 = tpu.memref_squeeze %dma_start3A_211 : memref<1x80xi32, #tpu.memory_space<vmem>> -> memref<80xi32, #tpu.memory_space<vmem>>
      %dma_start3A_213 = arith.constant 0 : i32
      %dma_start3A_214 = arith.constant 0 : i32
      %dma_start3A_215 = tpu.memref_slice %arg23[%dma_start3A_213, %dma_start3A_214] : memref<10240x128xf32, #tpu.memory_space<vmem_shared>> -> memref<10240x128xf32, #tpu.memory_space<vmem_shared>>
      tpu.enqueue_indirect_dma source(%dma_start3A_209 : memref<80x128xf32, #tpu.memory_space<vmem>>) target(%dma_start3A_215 : memref<10240x128xf32, #tpu.memory_space<vmem_shared>>) offsets(%dma_start3A_212 : memref<80xi32, #tpu.memory_space<vmem>>) semaphore(%arg22 : memref<!tpu.dma_semaphore, #tpu.memory_space<semaphore_mem>>) {add = true}
    }
    %scan3A_147 = arith.constant 125 : i32
    %dma_wait3A_148 = arith.constant 0 : i32
    %dma_wait3A_149 = arith.constant 0 : i32
    %dma_wait3A_150 = arith.constant 0 : i32
    %dma_wait3A_151 = arith.constant 0 : i32
    %dma_wait3A_152 = tpu.memref_slice %arg14[%dma_wait3A_148, %dma_wait3A_150, %dma_wait3A_151] : memref<2x80x128xf32, #tpu.memory_space<vmem>> -> memref<1x80x128xf32, #tpu.memory_space<vmem>>
    %dma_wait3A_153 = tpu.memref_squeeze %dma_wait3A_152 : memref<1x80x128xf32, #tpu.memory_space<vmem>> -> memref<80x128xf32, #tpu.memory_space<vmem>>
    %dma_wait3A_154 = arith.constant 0 : i32
    %dma_wait3A_155 = tpu.memref_slice %arg12[%dma_wait3A_149, %dma_wait3A_154] : memref<2x80xi32, #tpu.memory_space<vmem>> -> memref<1x80xi32, #tpu.memory_space<vmem>>
    %dma_wait3A_156 = tpu.memref_squeeze %dma_wait3A_155 : memref<1x80xi32, #tpu.memory_space<vmem>> -> memref<80xi32, #tpu.memory_space<vmem>>
    %dma_wait3A_157 = arith.constant 0 : i32
    %dma_wait3A_158 = arith.constant 0 : i32
    %dma_wait3A_159 = tpu.memref_slice %arg23[%dma_wait3A_157, %dma_wait3A_158] : memref<10240x128xf32, #tpu.memory_space<vmem_shared>> -> memref<10240x128xf32, #tpu.memory_space<vmem_shared>>
    tpu.wait_indirect_dma semaphore(%arg22 : memref<!tpu.dma_semaphore, #tpu.memory_space<semaphore_mem>>) src(%dma_wait3A_153 : memref<80x128xf32, #tpu.memory_space<vmem>>) dst(%dma_wait3A_159 : memref<10240x128xf32, #tpu.memory_space<vmem_shared>>)
    %barrier3A_160 = arith.constant 0 : index
    tpu.barrier barrier_id(%barrier3A_160)
    %eq3A_161 = arith.constant 0 : i32
    %eq3A_162 = arith.cmpi eq, %arg0, %eq3A_161 : i32
    %convert_element_type3A_163 = arith.extui %eq3A_162 : i1 to i32
    %cond3A_164 = arith.constant 0 : i32
    %cond3A_165 = arith.cmpi ne, %convert_element_type3A_163, %cond3A_164 : i32
    scf.if %cond3A_165 {
      "tpu.region"() ({
        %run_scoped3A = tpu.sem_alloc : memref<!tpu.dma_semaphore, #tpu.memory_space<semaphore_mem>>
        %dma_start3A_171 = arith.constant 0 : i32
        %dma_start3A_172 = tpu.memref_slice %arg10[%mul3A_104, %dma_start3A_171] : memref<10240x128xf32, #tpu.memory_space<hbm>> -> memref<640x128xf32, #tpu.memory_space<hbm>>
        %dma_start3A_173 = arith.constant 0 : i32
        %dma_start3A_174 = tpu.memref_slice %arg23[%mul3A_104, %dma_start3A_173] : memref<10240x128xf32, #tpu.memory_space<vmem_shared>> -> memref<640x128xf32, #tpu.memory_space<vmem_shared>>
        tpu.enqueue_dma source(%dma_start3A_174 : memref<640x128xf32, #tpu.memory_space<vmem_shared>>) target(%dma_start3A_172 : memref<640x128xf32, #tpu.memory_space<hbm>>) target_semaphore(%run_scoped3A : memref<!tpu.dma_semaphore, #tpu.memory_space<semaphore_mem>>)
        %dma_wait3A_175 = arith.constant 0 : i32
        %dma_wait3A_176 = tpu.memref_slice %arg10[%mul3A_104, %dma_wait3A_175] : memref<10240x128xf32, #tpu.memory_space<hbm>> -> memref<640x128xf32, #tpu.memory_space<hbm>>
        %dma_wait3A_177 = arith.constant 0 : i32
        %dma_wait3A_178 = tpu.memref_slice %arg23[%mul3A_104, %dma_wait3A_177] : memref<10240x128xf32, #tpu.memory_space<vmem_shared>> -> memref<640x128xf32, #tpu.memory_space<vmem_shared>>
        tpu.wait_dma2 semaphore(%run_scoped3A : memref<!tpu.dma_semaphore, #tpu.memory_space<semaphore_mem>>) src(%dma_wait3A_178 : memref<640x128xf32, #tpu.memory_space<vmem_shared>>) dst(%dma_wait3A_176 : memref<640x128xf32, #tpu.memory_space<hbm>>)
        tpu.yield
      }) : () -> ()
    } else {
    }
    %eq3A_166 = arith.constant 1 : i32
    %eq3A_167 = arith.cmpi eq, %arg0, %eq3A_166 : i32
    %convert_element_type3A_168 = arith.extui %eq3A_167 : i1 to i32
    %cond3A_169 = arith.constant 0 : i32
    %cond3A_170 = arith.cmpi ne, %convert_element_type3A_168, %cond3A_169 : i32
    scf.if %cond3A_170 {
      "tpu.region"() ({
        %run_scoped3A = tpu.sem_alloc : memref<!tpu.dma_semaphore, #tpu.memory_space<semaphore_mem>>
        %dma_start3A_171 = arith.constant 0 : i32
        %dma_start3A_172 = tpu.memref_slice %arg11[%mul3A_104, %dma_start3A_171] : memref<10240x128xf32, #tpu.memory_space<hbm>> -> memref<640x128xf32, #tpu.memory_space<hbm>>
        %dma_start3A_173 = arith.constant 0 : i32
        %dma_start3A_174 = tpu.memref_slice %arg23[%mul3A_104, %dma_start3A_173] : memref<10240x128xf32, #tpu.memory_space<vmem_shared>> -> memref<640x128xf32, #tpu.memory_space<vmem_shared>>
        tpu.enqueue_dma source(%dma_start3A_174 : memref<640x128xf32, #tpu.memory_space<vmem_shared>>) target(%dma_start3A_172 : memref<640x128xf32, #tpu.memory_space<hbm>>) target_semaphore(%run_scoped3A : memref<!tpu.dma_semaphore, #tpu.memory_space<semaphore_mem>>)
        %dma_wait3A_175 = arith.constant 0 : i32
        %dma_wait3A_176 = tpu.memref_slice %arg11[%mul3A_104, %dma_wait3A_175] : memref<10240x128xf32, #tpu.memory_space<hbm>> -> memref<640x128xf32, #tpu.memory_space<hbm>>
        %dma_wait3A_177 = arith.constant 0 : i32
        %dma_wait3A_178 = tpu.memref_slice %arg23[%mul3A_104, %dma_wait3A_177] : memref<10240x128xf32, #tpu.memory_space<vmem_shared>> -> memref<640x128xf32, #tpu.memory_space<vmem_shared>>
        tpu.wait_dma2 semaphore(%run_scoped3A : memref<!tpu.dma_semaphore, #tpu.memory_space<semaphore_mem>>) src(%dma_wait3A_178 : memref<640x128xf32, #tpu.memory_space<vmem_shared>>) dst(%dma_wait3A_176 : memref<640x128xf32, #tpu.memory_space<hbm>>)
        tpu.yield
      }) : () -> ()
    } else {
    }
    return
  }
}

module attributes {stable_mosaic.version = 14 : i64} {
  func.func @_node_body(%arg0: memref<10000x128xf32, #tpu.memory_space<vmem>>, %arg1: memref<128x128xf32, #tpu.memory_space<vmem>>, %arg2: memref<128x128xf32, #tpu.memory_space<vmem>>, %arg3: memref<1x128xf32, #tpu.memory_space<vmem>>, %arg4: memref<10000x128xf32, #tpu.memory_space<vmem>>, %arg5: memref<10000x128xf32, #tpu.memory_space<vmem>>) attributes {dimension_semantics = [], scalar_prefetch = 0 : i64, scratch_operands = 0 : i64, tpu.core_type = #tpu.core_type<tc>} {
    %get3A = arith.constant 0 : index
    %get3A_0 = arith.constant 0 : index
    %get3A_1 = vector.load %arg0[%get3A, %get3A_0] : memref<10000x128xf32, #tpu.memory_space<vmem>>, vector<10000x128xf32>
    %get3A_2 = arith.constant 0 : index
    %get3A_3 = arith.constant 0 : index
    %get3A_4 = vector.load %arg1[%get3A_2, %get3A_3] : memref<128x128xf32, #tpu.memory_space<vmem>>, vector<128x128xf32>
    %dot_general3A = arith.constant dense<0.000000e+00> : vector<10000x128xf32>
    %dot_general3A_5 = tpu.matmul %get3A_1, %get3A_4, %dot_general3A {dimension_numbers = #tpu.dot_dimension_numbers<[1], [0], [0], [1], [0, 0, 1, 1], [], []>, transpose_lhs_hint = false} : vector<10000x128xf32>, vector<128x128xf32>, vector<10000x128xf32> -> vector<10000x128xf32>
    %swap3A = arith.constant 0 : index
    %swap3A_6 = arith.constant 0 : index
    %swap3A_7 = vector.load %arg4[%swap3A, %swap3A_6] : memref<10000x128xf32, #tpu.memory_space<vmem>>, vector<10000x128xf32>
    tpu.vector_store %arg4[%swap3A, %swap3A_6], %dot_general3A_5 {strides = array<i32>} : memref<10000x128xf32, #tpu.memory_space<vmem>>, vector<10000x128xf32>,
    %get3A_8 = arith.constant 0 : index
    %get3A_9 = arith.constant 0 : index
    %get3A_10 = vector.load %arg2[%get3A_8, %get3A_9] : memref<128x128xf32, #tpu.memory_space<vmem>>, vector<128x128xf32>
    %dot_general3A_11 = arith.constant dense<0.000000e+00> : vector<10000x128xf32>
    %dot_general3A_12 = tpu.matmul %get3A_1, %get3A_10, %dot_general3A_11 {dimension_numbers = #tpu.dot_dimension_numbers<[1], [0], [0], [1], [0, 0, 1, 1], [], []>, transpose_lhs_hint = false} : vector<10000x128xf32>, vector<128x128xf32>, vector<10000x128xf32> -> vector<10000x128xf32>
    %get3A_13 = arith.constant 0 : index
    %get3A_14 = arith.constant 0 : index
    %get3A_15 = vector.load %arg3[%get3A_13, %get3A_14] : memref<1x128xf32, #tpu.memory_space<vmem>>, vector<1x128xf32>
    %add3A = vector.broadcast %get3A_15 : vector<1x128xf32> to vector<10000x128xf32>
    %add3A_16 = arith.addf %dot_general3A_12, %add3A : vector<10000x128xf32>
    %swap3A_17 = arith.constant 0 : index
    %swap3A_18 = arith.constant 0 : index
    %swap3A_19 = vector.load %arg5[%swap3A_17, %swap3A_18] : memref<10000x128xf32, #tpu.memory_space<vmem>>, vector<10000x128xf32>
    tpu.vector_store %arg5[%swap3A_17, %swap3A_18], %add3A_16 {strides = array<i32>} : memref<10000x128xf32, #tpu.memory_space<vmem>>, vector<10000x128xf32>,
    return
  }
}

module attributes {stable_mosaic.version = 14 : i64} {
  func.func @_edge_body(%arg0: i32, %arg1: memref<2560x64xf32, #tpu.memory_space<vmem>>, %arg2: memref<1x64xf32, #tpu.memory_space<vmem>>, %arg3: memref<64x128xf32, #tpu.memory_space<vmem>>, %arg4: memref<1x128xf32, #tpu.memory_space<vmem>>, %arg5: memref<2560x128xf32, #tpu.memory_space<vmem>>, %arg6: memref<2560x16xf32, #tpu.memory_space<vmem>>) attributes {dimension_semantics = [#tpu.dimension_semantics<arbitrary>], iteration_bounds = array<i64: 125>, scalar_prefetch = 0 : i64, scratch_operands = 0 : i64, tpu.core_type = #tpu.core_type<tc>, window_params = [{transform_indices = @transform_0, window_bounds = array<i64: 2560, 64>}, {pipeline_mode = #tpu.pipeline_mode<synchronous>, transform_indices = @transform_1, window_bounds = array<i64: 1, 64>}, {pipeline_mode = #tpu.pipeline_mode<synchronous>, transform_indices = @transform_2, window_bounds = array<i64: 64, 128>}, {pipeline_mode = #tpu.pipeline_mode<synchronous>, transform_indices = @transform_3, window_bounds = array<i64: 1, 128>}, {transform_indices = @transform_4, window_bounds = array<i64: 2560, 128>}, {transform_indices = @transform_5, window_bounds = array<i64: 2560, 16>}]} {
    %get3A = arith.constant 0 : index
    %get3A_0 = arith.constant 0 : index
    %get3A_1 = vector.load %arg1[%get3A, %get3A_0] : memref<2560x64xf32, #tpu.memory_space<vmem>>, vector<2560x64xf32>
    %tanh3A = math.tanh %get3A_1 : vector<2560x64xf32>
    %get3A_2 = arith.constant 0 : index
    %get3A_3 = arith.constant 0 : index
    %get3A_4 = vector.load %arg2[%get3A_2, %get3A_3] : memref<1x64xf32, #tpu.memory_space<vmem>>, vector<1x64xf32>
    %mul3A = vector.broadcast %get3A_4 : vector<1x64xf32> to vector<2560x64xf32>
    %mul3A_5 = arith.mulf %tanh3A, %mul3A : vector<2560x64xf32>
    %reduce_sum3A = arith.constant dense<0.000000e+00> : vector<2560xf32>
    %reduce_sum3A_6 = vector.multi_reduction <add>, %mul3A_5, %reduce_sum3A [1] : vector<2560x64xf32> to vector<2560xf32>
    %broadcast_in_dim3A = vector.shape_cast %reduce_sum3A_6 : vector<2560xf32> to vector<2560x1xf32>
    %exp3A = math.exp %broadcast_in_dim3A : vector<2560x1xf32>
    %convert_element_type3A = arith.truncf %tanh3A : vector<2560x64xf32> to vector<2560x64xbf16>
    %get3A_7 = arith.constant 0 : index
    %get3A_8 = arith.constant 0 : index
    %get3A_9 = vector.load %arg3[%get3A_7, %get3A_8] : memref<64x128xf32, #tpu.memory_space<vmem>>, vector<64x128xf32>
    %convert_element_type3A_10 = arith.truncf %get3A_9 : vector<64x128xf32> to vector<64x128xbf16>
    %dot_general3A = arith.constant dense<0.000000e+00> : vector<2560x128xf32>
    %dot_general3A_11 = tpu.matmul %convert_element_type3A, %convert_element_type3A_10, %dot_general3A {dimension_numbers = #tpu.dot_dimension_numbers<[1], [0], [0], [1], [0, 0, 1, 1], [], []>, transpose_lhs_hint = false} : vector<2560x64xbf16>, vector<64x128xbf16>, vector<2560x128xf32> -> vector<2560x128xf32>
    %get3A_12 = arith.constant 0 : index
    %get3A_13 = arith.constant 0 : index
    %get3A_14 = vector.load %arg4[%get3A_12, %get3A_13] : memref<1x128xf32, #tpu.memory_space<vmem>>, vector<1x128xf32>
    %add3A = vector.broadcast %get3A_14 : vector<1x128xf32> to vector<2560x128xf32>
    %add3A_15 = arith.addf %dot_general3A_11, %add3A : vector<2560x128xf32>
    %mul3A_16 = vector.broadcast %exp3A : vector<2560x1xf32> to vector<2560x128xf32>
    %mul3A_17 = arith.mulf %mul3A_16, %add3A_15 : vector<2560x128xf32>
    %swap3A = arith.constant 0 : index
    %swap3A_18 = arith.constant 0 : index
    %swap3A_19 = vector.load %arg5[%swap3A, %swap3A_18] : memref<2560x128xf32, #tpu.memory_space<vmem>>, vector<2560x128xf32>
    tpu.vector_store %arg5[%swap3A, %swap3A_18], %mul3A_17 {strides = array<i32>} : memref<2560x128xf32, #tpu.memory_space<vmem>>, vector<2560x128xf32>,
    %broadcast_in_dim3A_20 = vector.shape_cast %exp3A : vector<2560x1xf32> to vector<2560x1xf32>
    %broadcast_in_dim3A_21 = vector.broadcast %broadcast_in_dim3A_20 : vector<2560x1xf32> to vector<2560x16xf32>
    %swap3A_22 = arith.constant 0 : index
    %swap3A_23 = arith.constant 0 : index
    %swap3A_24 = vector.load %arg6[%swap3A_22, %swap3A_23] : memref<2560x16xf32, #tpu.memory_space<vmem>>, vector<2560x16xf32>
    tpu.vector_store %arg6[%swap3A_22, %swap3A_23], %broadcast_in_dim3A_21 {strides = array<i32>} : memref<2560x16xf32, #tpu.memory_space<vmem>>, vector<2560x16xf32>,
    return
  }
  func.func @transform_0(%arg0: i32) -> (i32, i32) {
    %c0_i32 = arith.constant 0 : i32
    %c0_i32_0 = arith.constant 0 : i32
    return %arg0, %c0_i32 : i32, i32
  }
  func.func @transform_1(%arg0: i32) -> (i32, i32) {
    %c0_i32 = arith.constant 0 : i32
    %c0_i32_0 = arith.constant 0 : i32
    %c0_i32_1 = arith.constant 0 : i32
    return %c0_i32, %c0_i32_0 : i32, i32
  }
  func.func @transform_2(%arg0: i32) -> (i32, i32) {
    %c0_i32 = arith.constant 0 : i32
    %c0_i32_0 = arith.constant 0 : i32
    %c0_i32_1 = arith.constant 0 : i32
    return %c0_i32, %c0_i32_0 : i32, i32
  }
  func.func @transform_3(%arg0: i32) -> (i32, i32) {
    %c0_i32 = arith.constant 0 : i32
    %c0_i32_0 = arith.constant 0 : i32
    %c0_i32_1 = arith.constant 0 : i32
    return %c0_i32, %c0_i32_0 : i32, i32
  }
  func.func @transform_4(%arg0: i32) -> (i32, i32) {
    %c0_i32 = arith.constant 0 : i32
    %c0_i32_0 = arith.constant 0 : i32
    return %arg0, %c0_i32 : i32, i32
  }
  func.func @transform_5(%arg0: i32) -> (i32, i32) {
    %c0_i32 = arith.constant 0 : i32
    %c0_i32_0 = arith.constant 0 : i32
    return %arg0, %c0_i32 : i32, i32
  }
}

module attributes {stable_mosaic.version = 14 : i64} {
  func.func @_final_body(%arg0: i32, %arg1: memref<2000x128xf32, #tpu.memory_space<vmem>>, %arg2: memref<2000x128xf32, #tpu.memory_space<vmem>>, %arg3: memref<2000x128xf32, #tpu.memory_space<vmem>>, %arg4: memref<2000x128xf32, #tpu.memory_space<vmem>>, %arg5: memref<2000x128xf32, #tpu.memory_space<vmem>>) attributes {dimension_semantics = [#tpu.dimension_semantics<arbitrary>], iteration_bounds = array<i64: 5>, scalar_prefetch = 0 : i64, scratch_operands = 0 : i64, tpu.core_type = #tpu.core_type<tc>, window_params = [{transform_indices = @transform_0, window_bounds = array<i64: 2000, 128>}, {transform_indices = @transform_1, window_bounds = array<i64: 2000, 128>}, {transform_indices = @transform_2, window_bounds = array<i64: 2000, 128>}, {transform_indices = @transform_3, window_bounds = array<i64: 2000, 128>}, {transform_indices = @transform_4, window_bounds = array<i64: 2000, 128>}]} {
    %get3A = arith.constant 0 : index
    %get3A_0 = arith.constant 0 : index
    %get3A_1 = vector.load %arg1[%get3A, %get3A_0] : memref<2000x128xf32, #tpu.memory_space<vmem>>, vector<2000x128xf32>
    %get3A_2 = arith.constant 0 : index
    %get3A_3 = arith.constant 0 : index
    %get3A_4 = vector.load %arg2[%get3A_2, %get3A_3] : memref<2000x128xf32, #tpu.memory_space<vmem>>, vector<2000x128xf32>
    %add3A = arith.addf %get3A_1, %get3A_4 : vector<2000x128xf32>
    %get3A_5 = arith.constant 0 : index
    %get3A_6 = arith.constant 0 : index
    %get3A_7 = vector.load %arg3[%get3A_5, %get3A_6] : memref<2000x128xf32, #tpu.memory_space<vmem>>, vector<2000x128xf32>
    %slice3A = vector.extract_strided_slice %get3A_7 {offsets = [0, 0], sizes = [2000, 1], strides = [1, 1]} : vector<2000x128xf32> to vector<2000x1xf32>
    %get3A_8 = arith.constant 0 : index
    %get3A_9 = arith.constant 0 : index
    %get3A_10 = vector.load %arg4[%get3A_8, %get3A_9] : memref<2000x128xf32, #tpu.memory_space<vmem>>, vector<2000x128xf32>
    %slice3A_11 = vector.extract_strided_slice %get3A_10 {offsets = [0, 0], sizes = [2000, 1], strides = [1, 1]} : vector<2000x128xf32> to vector<2000x1xf32>
    %add3A_12 = arith.addf %slice3A, %slice3A_11 : vector<2000x1xf32>
    %add3A_13 = arith.constant 9.99999971E-10 : f32
    %add3A_14 = vector.broadcast %add3A_13 : f32 to vector<2000x1xf32>
    %add3A_15 = arith.addf %add3A_12, %add3A_14 : vector<2000x1xf32>
    %div3A = vector.broadcast %add3A_15 : vector<2000x1xf32> to vector<2000x128xf32>
    %div3A_16 = arith.divf %add3A, %div3A : vector<2000x128xf32>
    %swap3A = arith.constant 0 : index
    %swap3A_17 = arith.constant 0 : index
    %swap3A_18 = vector.load %arg5[%swap3A, %swap3A_17] : memref<2000x128xf32, #tpu.memory_space<vmem>>, vector<2000x128xf32>
    tpu.vector_store %arg5[%swap3A, %swap3A_17], %div3A_16 {strides = array<i32>} : memref<2000x128xf32, #tpu.memory_space<vmem>>, vector<2000x128xf32>,
    return
  }
  func.func @transform_0(%arg0: i32) -> (i32, i32) {
    %c0_i32 = arith.constant 0 : i32
    %c0_i32_0 = arith.constant 0 : i32
    return %arg0, %c0_i32 : i32, i32
  }
  func.func @transform_1(%arg0: i32) -> (i32, i32) {
    %c0_i32 = arith.constant 0 : i32
    %c0_i32_0 = arith.constant 0 : i32
    return %arg0, %c0_i32 : i32, i32
  }
  func.func @transform_2(%arg0: i32) -> (i32, i32) {
    %c0_i32 = arith.constant 0 : i32
    %c0_i32_0 = arith.constant 0 : i32
    return %arg0, %c0_i32 : i32, i32
  }
  func.func @transform_3(%arg0: i32) -> (i32, i32) {
    %c0_i32 = arith.constant 0 : i32
    %c0_i32_0 = arith.constant 0 : i32
    return %arg0, %c0_i32 : i32, i32
  }
  func.func @transform_4(%arg0: i32) -> (i32, i32) {
    %c0_i32 = arith.constant 0 : i32
    %c0_i32_0 = arith.constant 0 : i32
    return %arg0, %c0_i32 : i32, i32
  }
}

</mosaic_0001>

<sc_bundles>
// kernel: kernel.10.cloned.1.call-start
scs
__scs_entry_jumppad:
0x0: {  	(pc) =	sbr.rel $0x88, $3  }
0x1: {  	(tag) =	ssettag $0x0;
	lr =	simm.s32 $0x1  }
0x2: {  	[smem:$0x3F98] =	sst lr;
	_ =	strace $0xD0000000  }
0x3: {  	_ = 	snop  }
0x4: {  	_ = 	snop  }
0x5: {  	_ = 	snop  }
0x6: {  	_ = 	snop  }
0x7: {  	_ = 	snop  }
__scs_overlays_trampoline_lowered:
0x8: {  	[smem:$0x3FA7] =	sst s0  }
0x9: {  	[smem:$0x3FA8] =	sst s1  }
0xa: {  	[smem:$0x3FA9] =	sst s2  }
0xb: {  	[smem:$0x3FAA] =	sst s3  }
0xc: {  	[smem:$0x3FAB] =	sst s4  }
0xd: {  	[smem:$0x3FAC] =	sst s5  }
0xe: {  	[smem:$0x3FAD] =	sst s6  }
0xf: {  	[smem:$0x3FAE] =	sst s7  }
0x10: {  	[smem:$0x3FAF] =	sst s8  }
0x11: {  	[smem:$0x3FB0] =	sst s9;
	s0 =	simm.s32 @!p0 $0x0  }
0x12: {  	s1 =	sld [smem:$0x3F96];
	s0 =	simm.s32 @p0 $0x1  }
0x13: {  	[smem:$0x3FB1] =	sst s0;
	s0 =	simm.s32 @!p1 $0x0  }
0x14: {  	s2 =	sld [smem:$0x3F95];
	s0 =	simm.s32 @p1 $0x1  }
0x15: {  	[smem:$0x3FB2] =	sst s0;
	s0 =	simm.s32 @!p2 $0x0  }
0x16: {  	s3 =	sld [smem:$0x3FDB];
	s0 =	simm.s32 @p2 $0x1  }
0x17: {  	s4 =	simm.s32 $0x1BF5;
	[smem:$0x3FB4] =	sst s0  }
0x18: {  	s0 =	sld [smem:$0x3F97];
	_ =	swait.ge [sflag:s4], $0x0  }
0x19: {  	s7 =	sld [smem:$0x3F98]  }
0x1a: {  	s8 =	sadd.s32 $0xFFFFE003, lr  }
0x1b: {  	s9 =	sadd.s32 $0xFFFFFEF7, lr;
	s5 =	simm.s32 $0xFFFFFFFF;
	p2 =	slt.u32 s8, $0xFFFFF086  }
0x1c: {  	p1 =	slt.u32 s9, $0xF7A;
	s5 =	simm.s32 @!p2 $0x0  }
0x1d: {  	s5 =	simm.s32 @p1 $0x1;
	p0 =	seq.s32 s7, s2  }
0x1e: {  	s7 =	smul.u32 @!p0 $0xF7A, s2;
	p2 =	seq.s32 @!p0 s5, $0x0  }
0x1f: {  	s9 =	smul.u32 $0xF7A, s1;
	s8 =	simm.s32 @!p0 $0x1BF5;
	p2 =	por !p2, p0  }
0x20: {  	[sflag:s8] =	ssyncset.s32 @!p0 $0xFFFFF086;
	s6 =	sadd.s32 @!p0 s3, s7;
	s7 =	simm.s32 @!p0 $0x108  }
0x21: {  	s3 =	sadd.s32 s3, s9;
	s6 =	sadd.s32 @!p0 $0x88, s6;
	s7 =	simm.s32 @p2 $0x1082  }
0x22: {  	[simem:s7], [sflag:s8] =	dma.local @!p0 [hbm:s6], $0xF7A  }
0x23: {  	s9 =	sor.u32 $0xD0000000, s2;
	s6 =	simm.s32 $0x108;
	_ =	swait.ge @!p0 [sflag:s8], $0x0  }
0x24: {  	s3 =	sadd.s32 $0x88, s3;
	s6 =	simm.s32 @!p1 $0x1082;
	[sflag:s4] =	ssyncset.s32 $0xFFFFF086  }
0x25: {  	[simem:s6], [sflag:s4] =	dma.local [hbm:s3], $0xF7A  }
0x26: {  	[smem:$0x3F98] =	sst s1;
	(tag) =	ssettag s2;
	_ =	strace s9  }
0x27: {  	s1 =	sld [smem:$0x3FA8]  }
0x28: {  	s2 =	sld [smem:$0x3FA9]  }
0x29: {  	s4 =	sld [smem:$0x3FAB]  }
0x2a: {  	p0 =	seq.s32 s5, $0x0;
	s5 =	sld [smem:$0x3FAC]  }
0x2b: {  	s6 =	sld [smem:$0x3FAD]  }
0x2c: {  	s7 =	sld [smem:$0x3FAE]  }
0x2d: {  	s3 =	simm.s32 $0x108;
	s8 =	sld [smem:$0x3FAF]  }
0x2e: {  	s3 =	simm.s32 @!p0 $0x1082;
	s9 =	sld [smem:$0x3FB0]  }
0x2f: {  	lr =	sadd.s32 s0, s3;
	s0 =	sld [smem:$0x3FA7]  }
0x30: {  	s3 =	sld [smem:$0x3FAA]  }
0x31: {  	[smem:$0x3FB3] =	sst s10  }
0x32: {  	s10 =	sld [smem:$0x3FB1];
	_ =	sdelay $0x3  }
0x33: {  	p0 =	seq.s32 s10, $0x1;
	s10 =	sld [smem:$0x3FB3];
	_ =	sdelay $0x3  }
0x34: {  	[smem:$0x3FB3] =	sst s10  }
0x35: {  	s10 =	sld [smem:$0x3FB2];
	_ =	sdelay $0x3  }
0x36: {  	p1 =	seq.s32 s10, $0x1;
	s10 =	sld [smem:$0x3FB3];
	_ =	sdelay $0x3  }
0x37: {  	[smem:$0x3FB3] =	sst s10  }
0x38: {  	s10 =	sld [smem:$0x3FB4]  }
0x39: {  	_ = 	snop;
	(pc) =	sbr.ind lr, $3  }
0x3a: {  	_ = 	snop  }
0x3b: {  	_ = 	snop  }
0x3c: {  	p2 =	seq.s32 s10, $0x1;
	s10 =	sld [smem:$0x3FB3]  }
0x3d: {  	_ =	shalt  }
0x3e: {  	_ =	shalt  }
0x3f: {  	_ =	shalt  }
0x40: {  	_ =	shalt  }
0x41: {  	_ =	shalt  }
0x42: {  	_ =	shalt  }
0x43: {  	_ =	shalt  }
0x44: {  	_ =	shalt  }
0x45: {  	_ =	shalt  }
0x46: {  	_ =	shalt  }
0x47: {  	_ =	shalt  }
0x48: {  	_ =	shalt  }
0x49: {  	_ =	shalt  }
0x4a: {  	_ =	shalt  }
0x4b: {  	_ =	shalt  }
0x4c: {  	_ =	shalt  }
0x4d: {  	_ =	shalt  }
0x4e: {  	_ =	shalt  }
0x4f: {  	_ =	shalt  }
0x50: {  	_ =	shalt  }
0x51: {  	_ =	shalt  }
0x52: {  	_ =	shalt  }
0x53: {  	_ =	shalt  }
0x54: {  	_ =	shalt  }
0x55: {  	_ =	shalt  }
0x56: {  	_ =	shalt  }
0x57: {  	_ =	shalt  }
0x58: {  	_ =	shalt  }
0x59: {  	_ =	shalt  }
0x5a: {  	_ =	shalt  }
0x5b: {  	_ =	shalt  }
0x5c: {  	_ =	shalt  }
0x5d: {  	_ =	shalt  }
0x5e: {  	_ =	shalt  }
0x5f: {  	_ =	shalt  }
0x60: {  	_ =	shalt  }
0x61: {  	_ =	shalt  }
0x62: {  	_ =	shalt  }
0x63: {  	_ =	shalt  }
0x64: {  	_ =	shalt  }
0x65: {  	_ =	shalt  }
0x66: {  	_ =	shalt  }
0x67: {  	_ =	shalt  }
0x68: {  	_ =	shalt  }
0x69: {  	_ =	shalt  }
0x6a: {  	_ =	shalt  }
0x6b: {  	_ =	shalt  }
0x6c: {  	_ =	shalt  }
0x6d: {  	_ =	shalt  }
0x6e: {  	_ =	shalt  }
0x6f: {  	_ =	shalt  }
0x70: {  	_ =	shalt  }
0x71: {  	_ =	shalt  }
0x72: {  	_ =	shalt  }
0x73: {  	_ =	shalt  }
0x74: {  	_ =	shalt  }
0x75: {  	_ =	shalt  }
0x76: {  	_ =	shalt  }
0x77: {  	_ =	shalt  }
0x78: {  	_ =	shalt  }
0x79: {  	_ =	shalt  }
0x7a: {  	_ =	shalt  }
0x7b: {  	_ =	shalt  }
0x7c: {  	_ =	shalt  }
0x7d: {  	_ =	shalt  }
0x7e: {  	_ =	shalt  }
0x7f: {  	_ =	shalt  }
0x80: {  	_ =	shalt  }
0x81: {  	_ =	shalt  }
0x82: {  	_ =	shalt  }
0x83: {  	_ =	shalt  }
0x84: {  	_ =	shalt  }
0x85: {  	_ =	shalt  }
0x86: {  	_ =	shalt  }
0x87: {  	_ =	shalt  }
.Lfunc_end0:
.L_simem_size_0:
called_computation.1_lowered:
.L_overlay_start_0:
0x88: {  	s2 =	sld [smem:$0x3FD9]  }
0x89: {  	s3 =	sld [smem:$0x3FFE];
	_ =	sdelay $0x1  }
0x8a: {  	s1 =	srdreg.scid  }
0x8b: {  	s0 =	sand.u32 $0x1, s1  }
0x8c: {  	s17 =	sshll.u32 s0, $0xA;
	s2 =	sadd.s32 s3, s2  }
0x8d: {  	s2 =	sadd.s32 s2, s17  }
0x8e: {  	[smem:$0x3FBF] =	sst s2  }
0x8f: {  	_ = 	snop  }
0x90: {  	s2 =	sld [smem:$0x3FD0];
	(tm) =	ssettm $0x1  }
0x91: {  	s18 =	sld [smem:$0x3FFB];
	_ =	sdelay $0x3  }
0x92: {  	_ =	strace s18  }
0x93: {  	s3 =	sld [smem:$0x3FFC];
	_ =	sdelay $0x3  }
0x94: {  	_ =	strace s3  }
0x95: {  	s3 =	sld [smem:$0x3FFD];
	_ =	sdelay $0x3  }
0x96: {  	_ =	strace s3  }
0x97: {  	_ =	strace $0x8FFFFFFF  }
0x98: {  	s19 =	sld [smem:$0x3FDB];
	_ =	sdelay $0x1  }
0x99: {  	s4 =	simm.s32 $_scs_section_size  }
0x9a: {  	s5 =	simm.s32 $_size__tile_overlayer_lowered;
	s6 =	simm.s32 $_tile_overlayer_lowered  }
0x9b: {  	s22 =	simm.s32 $0x1BFF;
	s21 =	sshll.u32 s6, $0x1;
	s3 =	sadd.s32 s4, s19  }
0x9c: {  	s7 =	simm.s32 $0x0;
	s20 =	sshll.u32 s5, $0x1;
	s5 =	sadd.s32 s21, s3  }
0x9d: {  	[timem:s7], [sflag:s22] =	dma.local [hbm:s5], s20  }
0x9e: {  	_ =	swait.ge [sflag:s22], s20  }
0x9f: {  	s4 =	ssub.s32 $0x0, s20;
	[sflag:s22] =	ssyncset.done $0x0  }
0xa0: {  	[sflag:s22] =	ssyncadd.s32 s4;
	_ =	sdelay $0x1  }
0xa1: {  	s23 =	simm.s32 $0x1B8B  }
0xa2: {  	_ =	swait.ge [sflag:s23], $0x1  }
0xa3: {  	[sflag:s23] =	ssyncset.done $0x0  }
0xa4: {  	s25 =	simm.s32 $0x1B8E;
	s24 =	sld [smem:$0x3FFE];
	[sflag:s23] =	ssyncadd.s32 $0xFFFFFFFF  }
0xa5: {  	s26 =	simm.s32 $execute0_lowered;
	[smem:$0x3FD2] =	sst s25  }
0xa6: {  	s5 =	sshll.u32 s26, $0x1;
	_ =	strace $0x80000049;
	[dreg:$0x1] =	wrdreg $0xFFFFFFFF  }
0xa7: {  	s28 =	simm.s32 $_size_execute0_lowered;
	s3 =	sadd.s32 s3, s5;
	[dreg:$0x0] =	wrdreg $0x0  }
0xa8: {  	s5 =	sshll.u32 s28, $0x1;
	[dreg:$0x2] =	wrdreg s3  }
0xa9: {  	[dreg:$0x3] =	wrdreg s5  }
0xaa: {  	[dreg:$0x4] =	wrdreg $0xC0  }
0xab: {  	_ =	task [dreg:s7], $0x5FFFF  }
0xac: {  	[dreg:$0x1] =	wrdreg $0xFFFFFFFF  }
0xad: {  	[dreg:$0x0] =	wrdreg $0x60  }
0xae: {  	[dreg:$0x2] =	wrdreg s24  }
0xaf: {  	[dreg:$0x3] =	wrdreg s2  }
0xb0: {  	[dreg:$0x4] =	wrdreg $0xAC000  }
0xb1: {  	[dreg:$0x5] =	wrdreg $0x9  }
0xb2: {  	_ =	task.clear_ibuf [dreg:s7], $0x6FFFF;
	_ =	strace $0x90000049  }
0xb3: {  	s29 =	simm.s32 $0x9;
	_ =	strace $0x8000004B  }
0xb4: {  	_ =	swait.ge [sflag:s29], $0x1  }
0xb5: {  	[sflag:s29] =	ssyncadd.s32 $0xFFFFFFFF  }
0xb6: {  	_ =	strace $0x9000004B  }
0xb7: {  	_ =	sfence  }
0xb8: {  	s30 =	sld [smem:$0x0];
	_ =	sdelay $0x2  }
0xb9: {  	s31 =	sshll.u32 s1, $0xD;
	s1 =	sshrl.u32 s1, $0x2  }
0xba: {  	s3 =	sand.u32 $0x4000, s31;
	s1 =	sadd.s32 s1, s30  }
0xbb: {  	s0 =	sor.u32 s3, s0;
	s1 =	sshll.u32 s1, $0x11  }
0xbc: {  	s0 =	sor.u32 s1, s0  }
0xbd: {  	s0 =	sadd.s32 $0x8F2B, s0  }
0xbe: {  	[sflag:s0] =	ssyncadd.remote.s32 $0x1  }
0xbf: {  	_ =	sfence.sel $0xFFFF  }
0xc0: {  	[dreg:$0x0] =	wrdreg $0xFFFFFFFF;
	(pc) =	sbr.abs _section_cstart, $3  }
0xc1: {  	[dreg:$0x1] =	wrdreg $0xFFFFFFFF  }
0xc2: {  	_ =	task.clear_ibuf [dreg:s7], $0x2FFFF;
	_ =	strace $0x9FFFFFFF  }
0xc3: {  	(tm) =	ssettm $0x7FFFFFFF  }
tec
execute0_lowered:
.L_overlay_start_1:
0x0: {  	(tag) =	ssettag $0x1  }
0x1: {  	s0 =	rddreg [dreg:$0x0]  }
0x2: {  	s1 =	rddreg [dreg:$0x1]  }
0x3: {  	s2 =	rddreg [dreg:$0x2];
	s3 =	simm.s32 $0x0;
	s10 =	srdreg.scid  }
0x4: {  	s19 =	stileid.u32;
	s30 =	simm.s32 $0x7;
	s29 =	simm.s32 $0xA200  }
0x5: {  	s31 =	simm.s32 $0x2;
	[smem:$0x7FF] =	sst s3;
	s4 =	sadd.s32 $0xA01200, s0  }
0x6: {  	s5 =	sadd.s32 $0x3D200, s0;
	s6 =	sadd.s32 $0x16000, s0;
	s7 =	sadd.s32 $0xC200, s0  }
0x7: {  	s8 =	sadd.s32 $0x2400, s0;
	s9 =	sadd.s32 $0xD9600, s0;
	s11 =	sadd.s32 $0x101600, s0  }
0x8: {  	s13 =	sadd.s32 $0x129600, s0;
	s14 =	sand.u32 $0x1, s10;
	s15 =	smul.u32 $0x50000, s19  }
0x9: {  	s0 =	sadd.s32 $0x151600, s0;
	s24 =	smul.u32 $0x2800, s19;
	p0 =	seq.s32 s14, $0x0  }
0xa: {  	_ =	strace $0x8000004A;
	s10 =	ssub.s32 $0x2, s14;
	s0 =	smov.u32 @p0 s13  }
0xb: {  	s16 =	sshrl.u32 s10, $0x1;
	s20 =	sshrl.u32 s15, $0x2;
	s0 =	sadd.s32 s0, s24  }
0xc: {  	s18 =	ssub.s32 s10, s16;
	s20 =	sadd.s32 s20, s2;
	[dreg:$0xf] =	wrdreg s0  }
0xd: {  	s21 =	sshll.u32 s19, $0x6;
	s26 =	smax.u32 s18, $0x1;
	[dreg:$0x4] =	wrdreg s20  }
0xe: {  	s12 =	sshll.u32 s14, $0x4;
	s28 =	sadd.s32 $0x2000, s20;
	[dreg:$0x8] =	wrdreg s26  }
0xf: {  	s17 =	sor.u32 s19, s12;
	s18 =	sadd.s32 $0x6000, s20;
	[dreg:$0x9] =	wrdreg s28  }
0x10: {  	s22 =	smul.u32 $0x27100, s17;
	s19 =	sadd.s32 $0x8000, s20;
	[dreg:$0xb] =	wrdreg s18  }
0x11: {  	s12 =	sor.u32 $0x1C07, s21;
	s21 =	sadd.s32 $0xA000, s20;
	[dreg:$0xc] =	wrdreg s19  }
0x12: {  	s11 =	smov.u32 @p0 s9;
	s15 =	sadd.s32 s4, s22;
	[dreg:$0xd] =	wrdreg s21  }
0x13: {  	s14 =	simm.s32 $0x1;
	s22 =	sadd.s32 s11, s24;
	[dreg:$0x7] =	wrdreg s15  }
0x14: {  	s10 =	smul.u32 $0x2710, s17;
	s24 =	sadd.s32 $0xE000, s20;
	[dreg:$0xe] =	wrdreg s22  }
0x15: {  	s9 =	simm.s32 $0x5;
	s26 =	sadd.s32 $0x10000, s20;
	[dreg:$0x11] =	wrdreg s24  }
0x16: {  	s23 =	sshrl.u32 s10, $0x3;
	s28 =	sadd.s32 $0x12000, s20;
	[dreg:$0x12] =	wrdreg s26  }
0x17: {  	s17 =	smul.u32 $0x4E20, s17;
	s16 =	sadd.s32 s8, s23;
	[dreg:$0x13] =	wrdreg s28  }
0x18: {  	s25 =	sadd.s32 s7, s23;
	s23 =	sadd.s32 $0xC000, s20;
	[dreg:$0x6] =	wrdreg s16  }
0x19: {  	s0 =	simm.s32 $0x0;
	s18 =	simm.s32 $0x4;
	[dreg:$0x10] =	wrdreg s23  }
0x1a: {  	s16 =	sadd.s32 s5, s17;
	s17 =	sadd.s32 $0x4000, s20;
	[dreg:$0x5] =	wrdreg s25  }
0x1b: {  	s15 =	simm.s32 $0x3;
	[dreg:$0xa] =	wrdreg s17;
	s17 =	simm.s32 $0x50  }
.LBB2_1:
0x1c: {  	s11 =	rddreg [dreg:$0x4]  }
0x1d: {  	s20 =	sshrl.u32 s11, $0x3  }
0x1e: {  	[spmem:s20], [sflag:s12] =	dma.local [hbm:s1], $0x400  }
0x1f: {  	_ =	swait.ge [sflag:s30], $0x400  }
0x20: {  	s22 =	rddreg [dreg:$0x9]  }
0x21: {  	[sflag:s30] =	ssyncset.done $0x0;
	s11 =	sshrl.u32 s22, $0x3  }
0x22: {  	[sflag:s30] =	ssyncadd.s32 $0xFFFFFC00;
	[dreg:$0x14] =	wrdreg s11  }
0x23: {  	[spmem:s11], [sflag:s12] =	dma.local [hbm:s1], $0x400  }
0x24: {  	_ =	swait.ge [sflag:s30], $0x400  }
0x25: {  	s23 =	rddreg [dreg:$0xa]  }
0x26: {  	[sflag:s30] =	ssyncset.done $0x0;
	s11 =	sshrl.u32 s23, $0x3  }
0x27: {  	[sflag:s30] =	ssyncadd.s32 $0xFFFFFC00;
	[dreg:$0x15] =	wrdreg s11  }
0x28: {  	[spmem:s11], [sflag:s12] =	dma.local [hbm:s1], $0x400  }
0x29: {  	_ =	swait.ge [sflag:s30], $0x400  }
0x2a: {  	s24 =	rddreg [dreg:$0xb]  }
0x2b: {  	[sflag:s30] =	ssyncset.done $0x0;
	s11 =	sshrl.u32 s24, $0x3  }
0x2c: {  	[sflag:s30] =	ssyncadd.s32 $0xFFFFFC00;
	[dreg:$0x16] =	wrdreg s11  }
0x2d: {  	[spmem:s11], [sflag:s12] =	dma.local [hbm:s1], $0x400  }
0x2e: {  	_ =	swait.ge [sflag:s30], $0x400  }
0x2f: {  	s26 =	rddreg [dreg:$0xc]  }
0x30: {  	[sflag:s30] =	ssyncset.done $0x0;
	s11 =	sshrl.u32 s26, $0x3  }
0x31: {  	[sflag:s30] =	ssyncadd.s32 $0xFFFFFC00;
	[dreg:$0x17] =	wrdreg s11  }
0x32: {  	[spmem:s11], [sflag:s12] =	dma.local [hbm:s1], $0x400  }
0x33: {  	_ =	swait.ge [sflag:s30], $0x400  }
0x34: {  	s13 =	rddreg [dreg:$0xd]  }
0x35: {  	[sflag:s30] =	ssyncset.done $0x0;
	s11 =	sshrl.u32 s13, $0x3  }
0x36: {  	[sflag:s30] =	ssyncadd.s32 $0xFFFFFC00;
	[dreg:$0x18] =	wrdreg s11  }
0x37: {  	[spmem:s11], [sflag:s12] =	dma.local [hbm:s1], $0x400  }
0x38: {  	_ =	swait.ge [sflag:s30], $0x400  }
0x39: {  	s19 =	rddreg [dreg:$0x10]  }
0x3a: {  	[sflag:s30] =	ssyncset.done $0x0;
	s11 =	sshrl.u32 s19, $0x3  }
0x3b: {  	[sflag:s30] =	ssyncadd.s32 $0xFFFFFC00;
	[dreg:$0x19] =	wrdreg s11  }
0x3c: {  	[spmem:s11], [sflag:s12] =	dma.local [hbm:s1], $0x400  }
0x3d: {  	_ =	swait.ge [sflag:s30], $0x400  }
0x3e: {  	s21 =	rddreg [dreg:$0x11]  }
0x3f: {  	[sflag:s30] =	ssyncset.done $0x0;
	s11 =	sshrl.u32 s21, $0x3  }
0x40: {  	[sflag:s30] =	ssyncadd.s32 $0xFFFFFC00;
	[dreg:$0x1a] =	wrdreg s11  }
0x41: {  	[spmem:s11], [sflag:s12] =	dma.local [hbm:s1], $0x400  }
0x42: {  	_ =	swait.ge [sflag:s30], $0x400  }
0x43: {  	s22 =	rddreg [dreg:$0x12]  }
0x44: {  	[sflag:s30] =	ssyncset.done $0x0;
	s11 =	sshrl.u32 s22, $0x3  }
0x45: {  	[sflag:s30] =	ssyncadd.s32 $0xFFFFFC00;
	[dreg:$0x1b] =	wrdreg s11  }
0x46: {  	[spmem:s11], [sflag:s12] =	dma.local [hbm:s1], $0x400  }
0x47: {  	_ =	swait.ge [sflag:s30], $0x400  }
0x48: {  	s23 =	rddreg [dreg:$0x13]  }
0x49: {  	[sflag:s30] =	ssyncset.done $0x0;
	s11 =	sshrl.u32 s23, $0x3  }
0x4a: {  	[sflag:s30] =	ssyncadd.s32 $0xFFFFFC00;
	[dreg:$0x1c] =	wrdreg s11  }
0x4b: {  	[spmem:s11], [sflag:s12] =	dma.local [hbm:s1], $0x400  }
0x4c: {  	_ =	swait.ge [sflag:s30], $0x400  }
0x4d: {  	[sflag:s30] =	ssyncset.done $0x0  }
0x4e: {  	[sflag:s30] =	ssyncadd.s32 $0xFFFFFC00  }
0x4f: {  	[bflag:$0x0] =	sbarrier.arrive $0xFFFF  }
0x50: {  	[tilespmem:s3], [sflag:$0x1] =	stream.linear.gather [hbm4b:s25+s3], $0x50, $0x38;
	[tilespmem:$0x1EC00] =	vst v63  }
0x51: {  	s13 =	simm.s32 $0x100;
	s24 =	rddreg [dreg:$0x6]  }
0x52: {  	[tilespmem:s13], [sflag:$0x2] =	stream.linear.gather [hbm4b:s24+s3], $0x50, $0x38;
	[tilespmem:$0x1EC00] =	vst v63  }
0x53: {  	s19 =	simm.s32 $0x200;
	s25 =	rddreg [dreg:$0x7]  }
0x54: {  	[tilespmem:s19], [sflag:$0x3] =	stream.linear.gather [hbm4b:s25+s3], $0x2800, $0x38;
	[tilespmem:$0x1EC00] =	vst v63  }
0x55: {  	_ = 	snop  }
0x56: {  	[tilespmem:s29], [sflag:$0x4] =	stream.linear.gather [hbm4b:s16+s3], $0x80, $0x38;
	[tilespmem:$0x1EC00] =	vst v63  }
0x57: {  	s26 =	sadd.s32 $0x10, s16;
	s29 =	simm.s32 $0xA300  }
0x58: {  	[tilespmem:s29], [sflag:$0x4] =	stream.linear.gather [hbm4b:s26+s3], $0x80, $0x38;
	[tilespmem:$0x1EC00] =	vst v63  }
0x59: {  	s21 =	simm.s32 $0xA400;
	s11 =	sadd.s32 $0x20, s16  }
0x5a: {  	[tilespmem:s21], [sflag:$0x4] =	stream.linear.gather [hbm4b:s11+s3], $0x80, $0x38;
	[tilespmem:$0x1EC00] =	vst v63  }
0x5b: {  	s22 =	sadd.s32 $0x30, s16;
	s23 =	simm.s32 $0xA500;
	[dreg:$0x1d] =	wrdreg s26  }
0x5c: {  	[tilespmem:s23], [sflag:$0x4] =	stream.linear.gather [hbm4b:s22+s3], $0x80, $0x38;
	[tilespmem:$0x1EC00] =	vst v63  }
0x5d: {  	[dreg:$0x1e] =	wrdreg s11;
	s24 =	sadd.s32 $0x40, s16;
	s25 =	simm.s32 $0xA600  }
0x5e: {  	[tilespmem:s25], [sflag:$0x4] =	stream.linear.gather [hbm4b:s24+s3], $0x80, $0x38;
	[tilespmem:$0x1EC00] =	vst v63  }
0x5f: {  	[dreg:$0x1f] =	wrdreg s22;
	s26 =	sadd.s32 $0x50, s16;
	s29 =	simm.s32 $0xA700  }
0x60: {  	[tilespmem:s29], [sflag:$0x4] =	stream.linear.gather [hbm4b:s26+s3], $0x80, $0x38;
	[tilespmem:$0x1EC00] =	vst v63  }
0x61: {  	[smem:$0x7FA] =	sst s24;
	s11 =	sadd.s32 $0x60, s16;
	s21 =	simm.s32 $0xA800  }
0x62: {  	[tilespmem:s21], [sflag:$0x4] =	stream.linear.gather [hbm4b:s11+s3], $0x80, $0x38;
	[tilespmem:$0x1EC00] =	vst v63  }
0x63: {  	[smem:$0x7FB] =	sst s26;
	s22 =	sadd.s32 $0x70, s16;
	s23 =	simm.s32 $0xA900  }
0x64: {  	[tilespmem:s23], [sflag:$0x4] =	stream.linear.gather [hbm4b:s22+s3], $0x80, $0x38;
	[tilespmem:$0x1EC00] =	vst v63  }
0x65: {  	[smem:$0x7FC] =	sst s11;
	s24 =	simm.s32 $0xAA00;
	s26 =	sadd.s32 $0x80, s16  }
0x66: {  	[tilespmem:s24], [sflag:$0x4] =	stream.linear.gather [hbm4b:s26+s3], $0x80, $0x38;
	[tilespmem:$0x1EC00] =	vst v63  }
0x67: {  	s28 =	sadd.s32 $0x90, s16;
	[smem:$0x7FD] =	sst s22;
	s25 =	simm.s32 $0xAB00  }
0x68: {  	[tilespmem:s25], [sflag:$0x4] =	stream.linear.gather [hbm4b:s28+s3], $0x80, $0x38;
	[tilespmem:$0x1EC00] =	vst v63  }
0x69: {  	_ =	swait.ge [sflag:s14], $0x50  }
0x6a: {  	[sflag:s14] =	ssyncset.done $0x0  }
0x6b: {  	[sflag:s14] =	ssyncadd.s32 $0xFFFFFFB0  }
0x6c: {  	_ =	swait.ge [sflag:s31], $0x50  }
0x6d: {  	[sflag:s31] =	ssyncset.done $0x0  }
0x6e: {  	s19 =	simm.s32 $0x0;
	s29 =	simm.s32 $0x5200;
	[sflag:s31] =	ssyncadd.s32 $0xFFFFFFB0  }
0x6f: {  	[tilespmem:s29], [sflag:$0x5] =	stream.indirect.gather [hbm4b:s6+s17], $0x80, s13, s17, $0xb8;
	[tilespmem:$0x1EC00] =	vst v63  }
.LBB2_2:
0x70: {  	p0 =	seq.s32 s19, $0x0  }
0x71: {  	p1 =	seq.s32 @!p0 s19, $0x7C  }
0x72: {  	p1 =	por p0, !p1  }
.Ltmp0:
0x73: {  	_ = 	snop;
	(pc) =	sbr.rel @!p1 .LBB2_4-.Ltmp0, $4  }
0x74: {  	s11 =	simm.s32 @!p0 $0x6  }
0x75: {  	_ =	swait.ge @!p0 [sflag:s11], $0x2800  }
0x76: {  	[sflag:s11] =	ssyncset.done @!p0 $0x0  }
0x77: {  	s29 =	sand.u32 $0x1, s19;
	[sflag:s11] =	ssyncadd.s32 @!p0 $0xFFFFD800;
	s11 =	simm.s32 @!p0 $0x7D  }
0x78: {  	s11 =	sadd.s32 @!p0 $0x1, s19  }
0x79: {  	s11 =	simm.s32 @p0 $0x1  }
0x7a: {  	s13 =	smul.u32 $0x50, s11;
	_ =	sdelay $0x1  }
0x7b: {  	s13 =	sadd.s32 s10, s13  }
0x7c: {  	s21 =	sxor.u32 $0x1, s29;
	s22 =	sshrl.u32 s13, $0x3  }
0x7d: {  	s23 =	sshll.u32 s21, $0x7;
	s24 =	sadd.s32 s7, s22  }
0x7e: {  	[tilespmem:s23], [sflag:$0x1] =	stream.linear.gather [hbm4b:s24+s3], $0x50, $0x38;
	[tilespmem:$0x1EC00] =	vst v63  }
0x7f: {  	s21 =	smul.u32 $0x2800, s21;
	s22 =	sadd.s32 s8, s22;
	s24 =	sor.u32 $0x100, s23  }
0x80: {  	[tilespmem:s24], [sflag:$0x2] =	stream.linear.gather [hbm4b:s22+s3], $0x50, $0x38;
	[tilespmem:$0x1EC00] =	vst v63  }
0x81: {  	s22 =	sshll.u32 s13, $0x4;
	s13 =	sshll.u32 s13, $0x1  }
0x82: {  	s25 =	sor.u32 $0x200, s21;
	s22 =	sadd.s32 s4, s22;
	s13 =	sand.u32 $0x1FFFFFE0, s13  }
0x83: {  	[tilespmem:s25], [sflag:$0x3] =	stream.linear.gather [hbm4b:s22+s3], $0x2800, $0x38;
	[tilespmem:$0x1EC00] =	vst v63  }
0x84: {  	s25 =	sor.u32 $0xA200, s23;
	s13 =	sadd.s32 s5, s13  }
0x85: {  	[tilespmem:s25], [sflag:$0x4] =	stream.linear.gather [hbm4b:s13+s3], $0x80, $0x38;
	[tilespmem:$0x1EC00] =	vst v63  }
0x86: {  	s22 =	sadd.s32 $0x10, s13;
	s25 =	sor.u32 $0xA300, s23  }
0x87: {  	[tilespmem:s25], [sflag:$0x4] =	stream.linear.gather [hbm4b:s22+s3], $0x80, $0x38;
	[tilespmem:$0x1EC00] =	vst v63  }
0x88: {  	s22 =	sadd.s32 $0x20, s13;
	s25 =	sor.u32 $0xA400, s23  }
0x89: {  	[tilespmem:s25], [sflag:$0x4] =	stream.linear.gather [hbm4b:s22+s3], $0x80, $0x38;
	[tilespmem:$0x1EC00] =	vst v63  }
0x8a: {  	s22 =	sadd.s32 $0x30, s13;
	s25 =	sor.u32 $0xA500, s23  }
0x8b: {  	[tilespmem:s25], [sflag:$0x4] =	stream.linear.gather [hbm4b:s22+s3], $0x80, $0x38;
	[tilespmem:$0x1EC00] =	vst v63  }
0x8c: {  	s22 =	sadd.s32 $0x40, s13;
	s25 =	sor.u32 $0xA600, s23  }
0x8d: {  	[tilespmem:s25], [sflag:$0x4] =	stream.linear.gather [hbm4b:s22+s3], $0x80, $0x38;
	[tilespmem:$0x1EC00] =	vst v63  }
0x8e: {  	s22 =	sadd.s32 $0x50, s13;
	s25 =	sor.u32 $0xA700, s23  }
0x8f: {  	[tilespmem:s25], [sflag:$0x4] =	stream.linear.gather [hbm4b:s22+s3], $0x80, $0x38;
	[tilespmem:$0x1EC00] =	vst v63  }
0x90: {  	s22 =	sadd.s32 $0x60, s13;
	s25 =	sor.u32 $0xA800, s23  }
0x91: {  	[tilespmem:s25], [sflag:$0x4] =	stream.linear.gather [hbm4b:s22+s3], $0x80, $0x38;
	[tilespmem:$0x1EC00] =	vst v63  }
0x92: {  	s22 =	sadd.s32 $0x70, s13;
	s25 =	sor.u32 $0xA900, s23  }
0x93: {  	[tilespmem:s25], [sflag:$0x4] =	stream.linear.gather [hbm4b:s22+s3], $0x80, $0x38;
	[tilespmem:$0x1EC00] =	vst v63  }
0x94: {  	s22 =	sadd.s32 $0x80, s13;
	s25 =	sor.u32 $0xAA00, s23  }
0x95: {  	[tilespmem:s25], [sflag:$0x4] =	stream.linear.gather [hbm4b:s22+s3], $0x80, $0x38;
	[tilespmem:$0x1EC00] =	vst v63  }
0x96: {  	s13 =	sadd.s32 $0x90, s13;
	s23 =	sor.u32 $0xAB00, s23  }
0x97: {  	[tilespmem:s23], [sflag:$0x4] =	stream.linear.gather [hbm4b:s13+s3], $0x80, $0x38;
	[tilespmem:$0x1EC00] =	vst v63  }
0x98: {  	_ =	swait.ge [sflag:s14], $0x50  }
0x99: {  	[sflag:s14] =	ssyncset.done $0x0  }
0x9a: {  	[sflag:s14] =	ssyncadd.s32 $0xFFFFFFB0  }
0x9b: {  	_ =	swait.ge [sflag:s31], $0x50  }
0x9c: {  	[sflag:s31] =	ssyncset.done $0x0  }
0x9d: {  	s25 =	sadd.s32 $0x5200, s21;
	[sflag:s31] =	ssyncadd.s32 $0xFFFFFFB0  }
0x9e: {  	[tilespmem:s25], [sflag:$0x5] =	stream.indirect.gather [hbm4b:s6+s17], $0x80, s24, s17, $0xb8;
	[tilespmem:$0x1EC00] =	vst v63  }
.LBB2_4:
0x9f: {  	_ =	swait.ge [sflag:s15], $0x2800  }
0xa0: {  	[sflag:s15] =	ssyncset.done $0x0  }
0xa1: {  	s13 =	smul.u32 $0x2800, s29;
	s19 =	sshll.u32 s19, $0x7;
	[sflag:s15] =	ssyncadd.s32 $0xFFFFD800  }
0xa2: {  	s19 =	sand.u32 $0x80, s19;
	_ =	swait.ge [sflag:s18], $0x500  }
0xa3: {  	s19 =	sor.u32 $0xA200, s19;
	v0 =	vmov s13;
	[sflag:s18] =	ssyncset.done $0x0  }
0xa4: {  	v1 =	vmov s19;
	[sflag:s18] =	ssyncadd.s32 $0xFFFFFB00  }
0xa5: {  	_ =	swait.ge [sflag:s9], $0x2800  }
0xa6: {  	[sflag:s9] =	ssyncset.done $0x0  }
0xa7: {  	s19 =	simm.s32 $0x0;
	[sflag:s9] =	ssyncadd.s32 $0xFFFFD800  }
0xa8: {  	s21 =	simm.s32 $0x0;
	v2 =	vld.idx.msk [tilespmem:v0+s19+$0x5580 ss:$0x1], $0xffff  }
0xa9: {  	v15 =	vld.idx.msk [tilespmem:v1+s21+$0x70 ss:$0x1], $0xffff  }
0xaa: {  	v14 =	vld.idx.msk [tilespmem:v1+s21+$0x0 ss:$0x1], $0xffff  }
0xab: {  	v3 =	vld.idx.msk [tilespmem:v0+s19+$0x580 ss:$0x1], $0xffff  }
0xac: {  	v13 =	vld.idx.msk [tilespmem:v1+s21+$0x10 ss:$0x1], $0xffff  }
0xad: {  	v12 =	vld.idx.msk [tilespmem:v1+s21+$0x20 ss:$0x1], $0xffff  }
0xae: {  	v11 =	vld.idx.msk [tilespmem:v1+s21+$0x30 ss:$0x1], $0xffff  }
0xaf: {  	v10 =	vld.idx.msk [tilespmem:v1+s21+$0x40 ss:$0x1], $0xffff  }
0xb0: {  	v9 =	vld.idx.msk [tilespmem:v1+s21+$0x50 ss:$0x1], $0xffff  }
0xb1: {  	v8 =	vld.idx.msk [tilespmem:v1+s21+$0x60 ss:$0x1], $0xffff  }
0xb2: {  	v4 =	vld.idx.msk [tilespmem:v0+s19+$0x5280 ss:$0x1], $0xffff  }
0xb3: {  	v5 =	vld.idx.msk [tilespmem:v0+s19+$0x5300 ss:$0x1], $0xffff  }
0xb4: {  	v7 =	vld.idx.msk [tilespmem:v0+s19+$0x5380 ss:$0x1], $0xffff  }
0xb5: {  	v16 =	vld.idx.msk [tilespmem:v0+s19+$0x5400 ss:$0x1], $0xffff  }
0xb6: {  	v17 =	vld.idx.msk [tilespmem:v0+s19+$0x5480 ss:$0x1], $0xffff  }
0xb7: {  	v18 =	vld.idx.msk [tilespmem:v0+s19+$0x5500 ss:$0x1], $0xffff  }
0xb8: {  	v19 =	vld.idx.msk [tilespmem:v0+s19+$0x200 ss:$0x1], $0xffff  }
0xb9: {  	v20 =	vld.idx.msk [tilespmem:v0+s19+$0x280 ss:$0x1], $0xffff  }
0xba: {  	v21 =	vld.idx.msk [tilespmem:v0+s19+$0x380 ss:$0x1], $0xffff  }
0xbb: {  	v22 =	vld.idx.msk [tilespmem:v0+s19+$0x400 ss:$0x1], $0xffff  }
0xbc: {  	s22 =	simm.s32 $0x100;
	v37 =	vld.idx.msk [tilespmem:v0+s19+$0x480 ss:$0x1], $0xffff  }
0xbd: {  	s21 =	simm.s32 $0x400;
	v27 =	vld.idx.msk [tilespmem:v1+s22+$0x70 ss:$0x1], $0xffff  }
0xbe: {  	v28 =	vld.idx.msk [tilespmem:v0+s21+$0x580 ss:$0x1], $0xffff;
	v2 =	vmul.f32 v2, v15  }
0xbf: {  	v60 =	vld.idx.msk [tilespmem:v0+s21+$0x5200 ss:$0x1], $0xffff  }
0xc0: {  	v30 =	vld.idx.msk [tilespmem:v0+s21+$0x5280 ss:$0x1], $0xffff;
	v2 =	vadd.f32 v2, v3  }
0xc1: {  	v31 =	vld.idx.msk [tilespmem:v0+s21+$0x5300 ss:$0x1], $0xffff  }
0xc2: {  	v33 =	vld.idx.msk [tilespmem:v0+s21+$0x5380 ss:$0x1], $0xffff;
	[tilespmem:v0+s19+$0x580 ss:$0x1] =	vst.idx.msk $0xffff, v2  }
0xc3: {  	v2 =	vld.idx.msk [tilespmem:v0+s19+$0x5590 ss:$0x1], $0xffff  }
0xc4: {  	v34 =	vld.idx.msk [tilespmem:v0+s21+$0x5400 ss:$0x1], $0xffff  }
0xc5: {  	v4 =	vmul.f32 v4, v13;
	v6 =	vld.idx.msk [tilespmem:v0+s19+$0x590 ss:$0x1], $0xffff  }
0xc6: {  	v35 =	vld.idx.msk [tilespmem:v0+s21+$0x5480 ss:$0x1], $0xffff  }
0xc7: {  	v7 =	vmul.f32 v7, v11;
	v3 =	vld.idx.msk [tilespmem:v0+s19+$0x5200 ss:$0x1], $0xffff;
	v4 =	vadd.f32 v4, v20  }
0xc8: {  	v36 =	vld.idx.msk [tilespmem:v0+s21+$0x5500 ss:$0x1], $0xffff;
	v2 =	vmul.f32 v2, v15  }
0xc9: {  	v61 =	vld.idx.msk [tilespmem:v0+s21+$0x300 ss:$0x1], $0xffff;
	[tilespmem:v0+s19+$0x280 ss:$0x1] =	vst.idx.msk $0xffff, v4;
	v4 =	vadd.f32 v7, v21  }
0xca: {  	v7 =	vld.idx.msk [tilespmem:v0+s19+$0x5290 ss:$0x1], $0xffff;
	v2 =	vadd.f32 v2, v6  }
0xcb: {  	[tilespmem:v0+s19+$0x380 ss:$0x1] =	vst.idx.msk $0xffff, v4;
	v6 =	vld.idx.msk [tilespmem:v0+s19+$0x300 ss:$0x1], $0xffff  }
0xcc: {  	v38 =	vld.idx.msk [tilespmem:v0+s19+$0x290 ss:$0x1], $0xffff;
	[tilespmem:v0+s19+$0x590 ss:$0x1] =	vst.idx.msk $0xffff, v2;
	v2 =	vmul.f32 v3, v14  }
0xcd: {  	v40 =	vld.idx.msk [tilespmem:v0+s19+$0x390 ss:$0x1], $0xffff  }
0xce: {  	v5 =	vmul.f32 v5, v12;
	v3 =	vld.idx.msk [tilespmem:v0+s19+$0x55A0 ss:$0x1], $0xffff;
	v2 =	vadd.f32 v2, v19  }
0xcf: {  	v19 =	vld.idx.msk [tilespmem:v0+s19+$0x5A0 ss:$0x1], $0xffff  }
0xd0: {  	[tilespmem:v0+s19+$0x200 ss:$0x1] =	vst.idx.msk $0xffff, v2;
	v2 =	vadd.f32 v5, v6;
	v5 =	vld.idx.msk [tilespmem:v0+s19+$0x500 ss:$0x1], $0xffff;
	v6 =	vmul.f32 v16, v10  }
0xd1: {  	v16 =	vld.idx.msk [tilespmem:v0+s19+$0x5210 ss:$0x1], $0xffff  }
0xd2: {  	[tilespmem:v0+s19+$0x300 ss:$0x1] =	vst.idx.msk $0xffff, v2;
	v4 =	vadd.f32 v6, v22;
	v6 =	vld.idx.msk [tilespmem:v0+s19+$0x5390 ss:$0x1], $0xffff  }
0xd3: {  	v2 =	vmul.f32 v3, v15;
	v3 =	vmul.f32 v17, v9;
	v17 =	vld.idx.msk [tilespmem:v0+s19+$0x5310 ss:$0x1], $0xffff  }
0xd4: {  	v39 =	vld.idx.msk [tilespmem:v0+s19+$0x310 ss:$0x1], $0xffff  }
0xd5: {  	v2 =	vadd.f32 v2, v19;
	v19 =	vld.idx.msk [tilespmem:v0+s19+$0x210 ss:$0x1], $0xffff  }
0xd6: {  	[tilespmem:v0+s19+$0x400 ss:$0x1] =	vst.idx.msk $0xffff, v4;
	v3 =	vadd.f32 v3, v37;
	v37 =	vld.idx.msk [tilespmem:v0+s21+$0x200 ss:$0x1], $0xffff  }
0xd7: {  	v18 =	vmul.f32 v18, v8;
	v4 =	vld.idx.msk [tilespmem:v0+s19+$0x5410 ss:$0x1], $0xffff;
	[tilespmem:v0+s19+$0x5A0 ss:$0x1] =	vst.idx.msk $0xffff, v2  }
0xd8: {  	[tilespmem:v0+s19+$0x480 ss:$0x1] =	vst.idx.msk $0xffff, v3;
	v3 =	vld.idx.msk [tilespmem:v0+s19+$0x55B0 ss:$0x1], $0xffff  }
0xd9: {  	v2 =	vadd.f32 v18, v5;
	v16 =	vmul.f32 v16, v14;
	v5 =	vld.idx.msk [tilespmem:v0+s19+$0x5490 ss:$0x1], $0xffff  }
0xda: {  	v23 =	vld.idx.msk [tilespmem:v0+s19+$0x490 ss:$0x1], $0xffff  }
0xdb: {  	[tilespmem:v0+s19+$0x500 ss:$0x1] =	vst.idx.msk $0xffff, v2;
	v2 =	vld.idx.msk [tilespmem:v0+s19+$0x5B0 ss:$0x1], $0xffff;
	v16 =	vadd.f32 v16, v19  }
0xdc: {  	v18 =	vld.idx.msk [tilespmem:v0+s19+$0x5510 ss:$0x1], $0xffff  }
0xdd: {  	v19 =	vld.idx.msk [tilespmem:v0+s19+$0x410 ss:$0x1], $0xffff;
	[tilespmem:v0+s19+$0x210 ss:$0x1] =	vst.idx.msk $0xffff, v16;
	v16 =	vmul.f32 v17, v12  }
0xde: {  	v17 =	vld.idx.msk [tilespmem:v0+s19+$0x5220 ss:$0x1], $0xffff  }
0xdf: {  	v3 =	vmul.f32 v3, v15;
	v41 =	vld.idx.msk [tilespmem:v0+s19+$0x220 ss:$0x1], $0xffff;
	v16 =	vadd.f32 v16, v39  }
0xe0: {  	v4 =	vmul.f32 v4, v10;
	v39 =	vld.idx.msk [tilespmem:v0+s21+$0x380 ss:$0x1], $0xffff  }
0xe1: {  	v2 =	vadd.f32 v3, v2;
	v3 =	vmul.f32 v7, v13;
	v7 =	vld.idx.msk [tilespmem:v0+s19+$0x510 ss:$0x1], $0xffff;
	[tilespmem:v0+s19+$0x310 ss:$0x1] =	vst.idx.msk $0xffff, v16  }
0xe2: {  	v4 =	vadd.f32 v4, v19;
	v19 =	vld.idx.msk [tilespmem:v0+s19+$0x320 ss:$0x1], $0xffff  }
0xe3: {  	[tilespmem:v0+s19+$0x5B0 ss:$0x1] =	vst.idx.msk $0xffff, v2;
	v3 =	vadd.f32 v3, v38;
	v38 =	vld.idx.msk [tilespmem:v0+s21+$0x280 ss:$0x1], $0xffff  }
0xe4: {  	v2 =	vmul.f32 v6, v11;
	[tilespmem:v0+s19+$0x410 ss:$0x1] =	vst.idx.msk $0xffff, v4;
	v6 =	vld.idx.msk [tilespmem:v0+s19+$0x55C0 ss:$0x1], $0xffff  }
0xe5: {  	v44 =	vld.idx.msk [tilespmem:v0+s19+$0x420 ss:$0x1], $0xffff  }
0xe6: {  	[tilespmem:v0+s19+$0x290 ss:$0x1] =	vst.idx.msk $0xffff, v3;
	v3 =	vld.idx.msk [tilespmem:v0+s19+$0x5C0 ss:$0x1], $0xffff  }
0xe7: {  	v5 =	vmul.f32 v5, v9;
	v18 =	vmul.f32 v18, v8;
	v2 =	vadd.f32 v2, v40;
	v40 =	vld.idx.msk [tilespmem:v0+s21+$0x400 ss:$0x1], $0xffff  }
0xe8: {  	v16 =	vld.idx.msk [tilespmem:v0+s19+$0x52A0 ss:$0x1], $0xffff  }
0xe9: {  	v4 =	vadd.f32 v18, v7;
	[tilespmem:v0+s19+$0x390 ss:$0x1] =	vst.idx.msk $0xffff, v2;
	v2 =	vadd.f32 v5, v23;
	v5 =	vld.idx.msk [tilespmem:v0+s19+$0x5320 ss:$0x1], $0xffff  }
0xea: {  	v17 =	vmul.f32 v17, v14;
	v7 =	vld.idx.msk [tilespmem:v0+s19+$0x53A0 ss:$0x1], $0xffff  }
0xeb: {  	[tilespmem:v0+s19+$0x510 ss:$0x1] =	vst.idx.msk $0xffff, v4;
	v42 =	vld.idx.msk [tilespmem:v0+s19+$0x3A0 ss:$0x1], $0xffff  }
0xec: {  	v17 =	vadd.f32 v17, v41;
	[tilespmem:v0+s19+$0x490 ss:$0x1] =	vst.idx.msk $0xffff, v2;
	v2 =	vld.idx.msk [tilespmem:v0+s19+$0x5420 ss:$0x1], $0xffff  }
0xed: {  	v6 =	vmul.f32 v6, v15;
	v18 =	vld.idx.msk [tilespmem:v0+s19+$0x5520 ss:$0x1], $0xffff  }
0xee: {  	[tilespmem:v0+s19+$0x220 ss:$0x1] =	vst.idx.msk $0xffff, v17;
	v17 =	vld.idx.msk [tilespmem:v0+s19+$0x520 ss:$0x1], $0xffff  }
0xef: {  	v45 =	vld.idx.msk [tilespmem:v0+s19+$0x230 ss:$0x1], $0xffff;
	v3 =	vadd.f32 v6, v3  }
0xf0: {  	v6 =	vld.idx.msk [tilespmem:v0+s19+$0x2A0 ss:$0x1], $0xffff  }
0xf1: {  	v4 =	vld.idx.msk [tilespmem:v0+s19+$0x54A0 ss:$0x1], $0xffff;
	[tilespmem:v0+s19+$0x5C0 ss:$0x1] =	vst.idx.msk $0xffff, v3  }
0xf2: {  	v5 =	vmul.f32 v5, v12;
	v3 =	vld.idx.msk [tilespmem:v0+s19+$0x55D0 ss:$0x1], $0xffff  }
0xf3: {  	v16 =	vmul.f32 v16, v13;
	v43 =	vld.idx.msk [tilespmem:v0+s19+$0x5D0 ss:$0x1], $0xffff  }
0xf4: {  	v7 =	vmul.f32 v7, v11;
	v5 =	vadd.f32 v5, v19;
	v19 =	vld.idx.msk [tilespmem:v0+s19+$0x5230 ss:$0x1], $0xffff  }
0xf5: {  	v2 =	vmul.f32 v2, v10;
	v6 =	vadd.f32 v16, v6;
	v16 =	vld.idx.msk [tilespmem:v0+s19+$0x4A0 ss:$0x1], $0xffff  }
0xf6: {  	[tilespmem:v0+s19+$0x320 ss:$0x1] =	vst.idx.msk $0xffff, v5;
	v5 =	vadd.f32 v7, v42;
	v42 =	vld.idx.msk [tilespmem:v0+s21+$0x480 ss:$0x1], $0xffff  }
0xf7: {  	v7 =	vmul.f32 v18, v8;
	v2 =	vadd.f32 v2, v44;
	v44 =	vld.idx.msk [tilespmem:v0+s21+$0x500 ss:$0x1], $0xffff  }
0xf8: {  	v18 =	vld.idx.msk [tilespmem:v0+s19+$0x5330 ss:$0x1], $0xffff;
	[tilespmem:v0+s19+$0x2A0 ss:$0x1] =	vst.idx.msk $0xffff, v6  }
0xf9: {  	[tilespmem:v0+s19+$0x420 ss:$0x1] =	vst.idx.msk $0xffff, v2;
	v2 =	vadd.f32 v7, v17;
	v17 =	vld.idx.msk [tilespmem:v0+s19+$0x330 ss:$0x1], $0xffff  }
0xfa: {  	[tilespmem:v0+s19+$0x3A0 ss:$0x1] =	vst.idx.msk $0xffff, v5;
	v6 =	vld.idx.msk [tilespmem:v0+s19+$0x52B0 ss:$0x1], $0xffff  }
0xfb: {  	v5 =	vld.idx.msk [tilespmem:v0+s19+$0x53B0 ss:$0x1], $0xffff  }
0xfc: {  	v4 =	vmul.f32 v4, v9;
	v7 =	vld.idx.msk [tilespmem:v0+s19+$0x5430 ss:$0x1], $0xffff  }
0xfd: {  	v3 =	vmul.f32 v3, v15;
	v46 =	vld.idx.msk [tilespmem:v0+s19+$0x3B0 ss:$0x1], $0xffff  }
0xfe: {  	v19 =	vmul.f32 v19, v14;
	v47 =	vld.idx.msk [tilespmem:v0+s19+$0x430 ss:$0x1], $0xffff;
	v4 =	vadd.f32 v4, v16  }
0xff: {  	[tilespmem:v0+s19+$0x520 ss:$0x1] =	vst.idx.msk $0xffff, v2;
	v16 =	vld.idx.msk [tilespmem:v0+s19+$0x2B0 ss:$0x1], $0xffff;
	v3 =	vadd.f32 v3, v43  }
0x100: {  	v19 =	vadd.f32 v19, v45;
	[tilespmem:v0+s19+$0x4A0 ss:$0x1] =	vst.idx.msk $0xffff, v4;
	v4 =	vld.idx.msk [tilespmem:v0+s19+$0x5530 ss:$0x1], $0xffff  }
0x101: {  	v18 =	vmul.f32 v18, v12;
	[tilespmem:v0+s19+$0x5D0 ss:$0x1] =	vst.idx.msk $0xffff, v3;
	v2 =	vld.idx.msk [tilespmem:v0+s19+$0x54B0 ss:$0x1], $0xffff  }
0x102: {  	[tilespmem:v0+s19+$0x230 ss:$0x1] =	vst.idx.msk $0xffff, v19;
	v48 =	vld.idx.msk [tilespmem:v0+s19+$0x4B0 ss:$0x1], $0xffff  }
0x103: {  	v6 =	vmul.f32 v6, v13;
	v3 =	vmul.f32 v5, v11;
	v5 =	vld.idx.msk [tilespmem:v0+s19+$0x530 ss:$0x1], $0xffff;
	v17 =	vadd.f32 v18, v17  }
0x104: {  	v7 =	vmul.f32 v7, v10;
	v18 =	vld.idx.msk [tilespmem:v0+s19+$0x5240 ss:$0x1], $0xffff  }
0x105: {  	v6 =	vadd.f32 v6, v16;
	v16 =	vld.idx.msk [tilespmem:v0+s19+$0x55E0 ss:$0x1], $0xffff;
	[tilespmem:v0+s19+$0x330 ss:$0x1] =	vst.idx.msk $0xffff, v17  }
0x106: {  	v7 =	vadd.f32 v7, v47;
	v17 =	vld.idx.msk [tilespmem:v0+s19+$0x5340 ss:$0x1], $0xffff  }
0x107: {  	v3 =	vadd.f32 v3, v46;
	v49 =	vld.idx.msk [tilespmem:v0+s19+$0x340 ss:$0x1], $0xffff;
	[tilespmem:v0+s19+$0x2B0 ss:$0x1] =	vst.idx.msk $0xffff, v6  }
0x108: {  	[tilespmem:v0+s19+$0x430 ss:$0x1] =	vst.idx.msk $0xffff, v7;
	v7 =	vld.idx.msk [tilespmem:v0+s19+$0x240 ss:$0x1], $0xffff  }
0x109: {  	[tilespmem:v0+s19+$0x3B0 ss:$0x1] =	vst.idx.msk $0xffff, v3;
	v6 =	vld.idx.msk [tilespmem:v0+s19+$0x52C0 ss:$0x1], $0xffff  }
0x10a: {  	v4 =	vmul.f32 v4, v8;
	v3 =	vld.idx.msk [tilespmem:v0+s19+$0x53C0 ss:$0x1], $0xffff  }
0x10b: {  	v19 =	vld.idx.msk [tilespmem:v0+s19+$0x2C0 ss:$0x1], $0xffff  }
0x10c: {  	v2 =	vmul.f32 v2, v9;
	v50 =	vld.idx.msk [tilespmem:v0+s19+$0x3C0 ss:$0x1], $0xffff;
	v4 =	vadd.f32 v4, v5  }
0x10d: {  	v51 =	vld.idx.msk [tilespmem:v0+s19+$0x440 ss:$0x1], $0xffff  }
0x10e: {  	v18 =	vmul.f32 v18, v14;
	v5 =	vld.idx.msk [tilespmem:v0+s19+$0x5440 ss:$0x1], $0xffff;
	v2 =	vadd.f32 v2, v48;
	[tilespmem:v0+s19+$0x530 ss:$0x1] =	vst.idx.msk $0xffff, v4  }
0x10f: {  	v4 =	vld.idx.msk [tilespmem:v0+s19+$0x5540 ss:$0x1], $0xffff  }
0x110: {  	v17 =	vmul.f32 v17, v12;
	[tilespmem:v0+s19+$0x4B0 ss:$0x1] =	vst.idx.msk $0xffff, v2;
	v7 =	vadd.f32 v18, v7;
	v18 =	vld.idx.msk [tilespmem:v0+s19+$0x540 ss:$0x1], $0xffff  }
0x111: {  	v2 =	vld.idx.msk [tilespmem:v0+s19+$0x54C0 ss:$0x1], $0xffff;
	v6 =	vmul.f32 v6, v13  }
0x112: {  	v52 =	vld.idx.msk [tilespmem:v0+s19+$0x4C0 ss:$0x1], $0xffff;
	[tilespmem:v0+s19+$0x240 ss:$0x1] =	vst.idx.msk $0xffff, v7;
	v7 =	vadd.f32 v17, v49  }
0x113: {  	v3 =	vmul.f32 v3, v11;
	v6 =	vadd.f32 v6, v19;
	v19 =	vld.idx.msk [tilespmem:v0+s19+$0x5E0 ss:$0x1], $0xffff  }
0x114: {  	v17 =	vld.idx.msk [tilespmem:v0+s19+$0x5250 ss:$0x1], $0xffff;
	[tilespmem:v0+s19+$0x340 ss:$0x1] =	vst.idx.msk $0xffff, v7  }
0x115: {  	v3 =	vadd.f32 v3, v50;
	v7 =	vld.idx.msk [tilespmem:v0+s19+$0x5350 ss:$0x1], $0xffff  }
0x116: {  	v5 =	vmul.f32 v5, v10;
	[tilespmem:v0+s19+$0x2C0 ss:$0x1] =	vst.idx.msk $0xffff, v6;
	v54 =	vld.idx.msk [tilespmem:v0+s19+$0x350 ss:$0x1], $0xffff  }
0x117: {  	[tilespmem:v0+s19+$0x3C0 ss:$0x1] =	vst.idx.msk $0xffff, v3;
	v6 =	vld.idx.msk [tilespmem:v0+s19+$0x52D0 ss:$0x1], $0xffff  }
0x118: {  	v5 =	vadd.f32 v5, v51;
	v3 =	vld.idx.msk [tilespmem:v0+s19+$0x53D0 ss:$0x1], $0xffff  }
0x119: {  	v4 =	vmul.f32 v4, v8;
	v53 =	vld.idx.msk [tilespmem:v0+s19+$0x2D0 ss:$0x1], $0xffff  }
0x11a: {  	v2 =	vmul.f32 v2, v9;
	[tilespmem:v0+s19+$0x440 ss:$0x1] =	vst.idx.msk $0xffff, v5;
	v55 =	vld.idx.msk [tilespmem:v0+s19+$0x3D0 ss:$0x1], $0xffff  }
0x11b: {  	v16 =	vmul.f32 v16, v15;
	v4 =	vadd.f32 v4, v18;
	v5 =	vld.idx.msk [tilespmem:v0+s19+$0x5450 ss:$0x1], $0xffff  }
0x11c: {  	v18 =	vld.idx.msk [tilespmem:v0+s19+$0x250 ss:$0x1], $0xffff;
	v2 =	vadd.f32 v2, v52  }
0x11d: {  	v16 =	vadd.f32 v16, v19;
	v19 =	vld.idx.msk [tilespmem:v0+s19+$0x450 ss:$0x1], $0xffff;
	[tilespmem:v0+s19+$0x540 ss:$0x1] =	vst.idx.msk $0xffff, v4  }
0x11e: {  	[tilespmem:v0+s19+$0x4C0 ss:$0x1] =	vst.idx.msk $0xffff, v2;
	v4 =	vld.idx.msk [tilespmem:v0+s19+$0x5550 ss:$0x1], $0xffff  }
0x11f: {  	v17 =	vmul.f32 v17, v14;
	[tilespmem:v0+s19+$0x5E0 ss:$0x1] =	vst.idx.msk $0xffff, v16;
	v16 =	vld.idx.msk [tilespmem:v0+s19+$0x550 ss:$0x1], $0xffff  }
0x120: {  	v7 =	vmul.f32 v7, v12;
	v2 =	vld.idx.msk [tilespmem:v0+s19+$0x54D0 ss:$0x1], $0xffff  }
0x121: {  	v56 =	vld.idx.msk [tilespmem:v0+s19+$0x4D0 ss:$0x1], $0xffff;
	v17 =	vadd.f32 v17, v18  }
0x122: {  	v6 =	vmul.f32 v6, v13;
	v20 =	vld.idx.msk [tilespmem:v0+s19+$0x5F0 ss:$0x1], $0xffff;
	v7 =	vadd.f32 v7, v54  }
0x123: {  	v3 =	vmul.f32 v3, v11;
	v18 =	vld.idx.msk [tilespmem:v0+s19+$0x55F0 ss:$0x1], $0xffff;
	[tilespmem:v0+s19+$0x250 ss:$0x1] =	vst.idx.msk $0xffff, v17  }
0x124: {  	v6 =	vadd.f32 v6, v53;
	[tilespmem:v0+s19+$0x350 ss:$0x1] =	vst.idx.msk $0xffff, v7;
	v17 =	vld.idx.msk [tilespmem:v0+s19+$0x5260 ss:$0x1], $0xffff  }
0x125: {  	v3 =	vadd.f32 v3, v55;
	v7 =	vld.idx.msk [tilespmem:v0+s19+$0x5360 ss:$0x1], $0xffff  }
0x126: {  	[tilespmem:v0+s19+$0x2D0 ss:$0x1] =	vst.idx.msk $0xffff, v6;
	v57 =	vld.idx.msk [tilespmem:v0+s19+$0x360 ss:$0x1], $0xffff  }
0x127: {  	v5 =	vmul.f32 v5, v10;
	[tilespmem:v0+s19+$0x3D0 ss:$0x1] =	vst.idx.msk $0xffff, v3;
	v6 =	vld.idx.msk [tilespmem:v0+s19+$0x52E0 ss:$0x1], $0xffff  }
0x128: {  	v3 =	vld.idx.msk [tilespmem:v0+s19+$0x53E0 ss:$0x1], $0xffff  }
0x129: {  	v5 =	vadd.f32 v5, v19;
	v4 =	vmul.f32 v4, v8;
	v19 =	vld.idx.msk [tilespmem:v0+s19+$0x2E0 ss:$0x1], $0xffff  }
0x12a: {  	v2 =	vmul.f32 v2, v9;
	v58 =	vld.idx.msk [tilespmem:v0+s19+$0x3E0 ss:$0x1], $0xffff  }
0x12b: {  	[tilespmem:v0+s19+$0x450 ss:$0x1] =	vst.idx.msk $0xffff, v5;
	v4 =	vadd.f32 v4, v16;
	v16 =	vld.idx.msk [tilespmem:v0+s19+$0x260 ss:$0x1], $0xffff  }
0x12c: {  	v5 =	vld.idx.msk [tilespmem:v0+s19+$0x5460 ss:$0x1], $0xffff;
	v2 =	vadd.f32 v2, v56  }
0x12d: {  	v59 =	vld.idx.msk [tilespmem:v0+s19+$0x460 ss:$0x1], $0xffff;
	[tilespmem:v0+s19+$0x550 ss:$0x1] =	vst.idx.msk $0xffff, v4  }
0x12e: {  	[tilespmem:v0+s19+$0x4D0 ss:$0x1] =	vst.idx.msk $0xffff, v2;
	v4 =	vld.idx.msk [tilespmem:v0+s19+$0x5560 ss:$0x1], $0xffff;
	v17 =	vmul.f32 v17, v14  }
0x12f: {  	v7 =	vmul.f32 v7, v12;
	v2 =	vld.idx.msk [tilespmem:v0+s19+$0x54E0 ss:$0x1], $0xffff  }
0x130: {  	v26 =	vld.idx.msk [tilespmem:v0+s19+$0x4E0 ss:$0x1], $0xffff;
	v16 =	vadd.f32 v17, v16  }
0x131: {  	v17 =	vld.idx.msk [tilespmem:v0+s19+$0x560 ss:$0x1], $0xffff;
	v7 =	vadd.f32 v7, v57  }
0x132: {  	v6 =	vmul.f32 v6, v13;
	[tilespmem:v0+s19+$0x260 ss:$0x1] =	vst.idx.msk $0xffff, v16;
	v16 =	vld.idx.msk [tilespmem:v1+s22+$0x0 ss:$0x1], $0xffff  }
0x133: {  	v3 =	vmul.f32 v3, v11;
	[tilespmem:v0+s19+$0x360 ss:$0x1] =	vst.idx.msk $0xffff, v7;
	v7 =	vld.idx.msk [tilespmem:v1+s22+$0x10 ss:$0x1], $0xffff  }
0x134: {  	v6 =	vadd.f32 v6, v19;
	v25 =	vld.idx.msk [tilespmem:v0+s19+$0x5270 ss:$0x1], $0xffff;
	v2 =	vmul.f32 v2, v9  }
0x135: {  	v3 =	vadd.f32 v3, v58;
	v22 =	vld.idx.msk [tilespmem:v0+s19+$0x5370 ss:$0x1], $0xffff  }
0x136: {  	v5 =	vmul.f32 v5, v10;
	[tilespmem:v0+s19+$0x2E0 ss:$0x1] =	vst.idx.msk $0xffff, v6;
	v6 =	vld.idx.msk [tilespmem:v1+s22+$0x20 ss:$0x1], $0xffff;
	v2 =	vadd.f32 v2, v26  }
0x137: {  	[tilespmem:v0+s19+$0x3E0 ss:$0x1] =	vst.idx.msk $0xffff, v3;
	v24 =	vld.idx.msk [tilespmem:v0+s19+$0x52F0 ss:$0x1], $0xffff  }
0x138: {  	v5 =	vadd.f32 v5, v59;
	[tilespmem:v0+s19+$0x4E0 ss:$0x1] =	vst.idx.msk $0xffff, v2;
	v2 =	vld.idx.msk [tilespmem:v0+s21+$0x5580 ss:$0x1], $0xffff  }
0x139: {  	v23 =	vld.idx.msk [tilespmem:v0+s19+$0x53F0 ss:$0x1], $0xffff  }
0x13a: {  	v4 =	vmul.f32 v4, v8;
	[tilespmem:v0+s19+$0x460 ss:$0x1] =	vst.idx.msk $0xffff, v5;
	v5 =	vld.idx.msk [tilespmem:v1+s22+$0x30 ss:$0x1], $0xffff  }
0x13b: {  	v21 =	vld.idx.msk [tilespmem:v0+s19+$0x5470 ss:$0x1], $0xffff  }
0x13c: {  	v3 =	vadd.f32 v4, v17;
	v4 =	vld.idx.msk [tilespmem:v1+s22+$0x50 ss:$0x1], $0xffff  }
0x13d: {  	v26 =	vld.idx.msk [tilespmem:v0+s19+$0x270 ss:$0x1], $0xffff;
	v29 =	vmul.f32 v2, v27  }
0x13e: {  	[tilespmem:v0+s19+$0x560 ss:$0x1] =	vst.idx.msk $0xffff, v3;
	v3 =	vld.idx.msk [tilespmem:v1+s22+$0x40 ss:$0x1], $0xffff  }
0x13f: {  	v17 =	vld.idx.msk [tilespmem:v0+s19+$0x5570 ss:$0x1], $0xffff;
	v28 =	vadd.f32 v29, v28  }
0x140: {  	v30 =	vmul.f32 v30, v7;
	v2 =	vld.idx.msk [tilespmem:v1+s22+$0x60 ss:$0x1], $0xffff  }
0x141: {  	v19 =	vld.idx.msk [tilespmem:v0+s19+$0x54F0 ss:$0x1], $0xffff;
	[tilespmem:v0+s21+$0x580 ss:$0x1] =	vst.idx.msk $0xffff, v28  }
0x142: {  	v31 =	vmul.f32 v31, v6;
	v30 =	vadd.f32 v30, v38;
	v28 =	vld.idx.msk [tilespmem:v0+s21+$0x5590 ss:$0x1], $0xffff  }
0x143: {  	v38 =	vld.idx.msk [tilespmem:v0+s19+$0x2F0 ss:$0x1], $0xffff  }
0x144: {  	v33 =	vmul.f32 v33, v5;
	v43 =	vadd.f32 v31, v61;
	[tilespmem:v0+s21+$0x280 ss:$0x1] =	vst.idx.msk $0xffff, v30;
	v32 =	vld.idx.msk [tilespmem:v0+s21+$0x590 ss:$0x1], $0xffff  }
0x145: {  	v48 =	vld.idx.msk [tilespmem:v0+s21+$0x5290 ss:$0x1], $0xffff;
	v36 =	vmul.f32 v36, v2  }
0x146: {  	v62 =	vmul.f32 v60, v16;
	v47 =	vadd.f32 v33, v39;
	[tilespmem:v0+s21+$0x300 ss:$0x1] =	vst.idx.msk $0xffff, v43;
	v60 =	vld.idx.msk [tilespmem:v0+s21+$0x290 ss:$0x1], $0xffff  }
0x147: {  	v51 =	vld.idx.msk [tilespmem:v0+s21+$0x5310 ss:$0x1], $0xffff;
	v55 =	vadd.f32 v36, v44;
	v28 =	vmul.f32 v28, v27  }
0x148: {  	[tilespmem:v0+s21+$0x380 ss:$0x1] =	vst.idx.msk $0xffff, v47;
	v61 =	vld.idx.msk [tilespmem:v0+s21+$0x310 ss:$0x1], $0xffff  }
0x149: {  	v45 =	vmul.f32 v34, v3;
	v53 =	vld.idx.msk [tilespmem:v0+s21+$0x5390 ss:$0x1], $0xffff;
	[tilespmem:v0+s21+$0x500 ss:$0x1] =	vst.idx.msk $0xffff, v55;
	v28 =	vadd.f32 v28, v32  }
0x14a: {  	v59 =	vld.idx.msk [tilespmem:v0+s21+$0x5510 ss:$0x1], $0xffff  }
0x14b: {  	v52 =	vadd.f32 v45, v40;
	v45 =	vld.idx.msk [tilespmem:v0+s21+$0x510 ss:$0x1], $0xffff;
	[tilespmem:v0+s21+$0x590 ss:$0x1] =	vst.idx.msk $0xffff, v28;
	v28 =	vadd.f32 v62, v37  }
0x14c: {  	v50 =	vmul.f32 v35, v4;
	v63 =	vld.idx.msk [tilespmem:v0+s21+$0x55A0 ss:$0x1], $0xffff  }
0x14d: {  	v41 =	vld.idx.msk [tilespmem:v0+s21+$0x5A0 ss:$0x1], $0xffff;
	[tilespmem:v0+s21+$0x200 ss:$0x1] =	vst.idx.msk $0xffff, v28  }
0x14e: {  	v29 =	vadd.f32 v50, v42;
	[tilespmem:v0+s21+$0x400 ss:$0x1] =	vst.idx.msk $0xffff, v52;
	v46 =	vld.idx.msk [tilespmem:v0+s21+$0x5210 ss:$0x1], $0xffff  }
0x14f: {  	v30 =	vld.idx.msk [tilespmem:v0+s21+$0x5410 ss:$0x1], $0xffff;
	v36 =	vmul.f32 v59, v2  }
0x150: {  	[tilespmem:v0+s21+$0x480 ss:$0x1] =	vst.idx.msk $0xffff, v29;
	v54 =	vld.idx.msk [tilespmem:v0+s21+$0x210 ss:$0x1], $0xffff  }
0x151: {  	v57 =	vld.idx.msk [tilespmem:v0+s21+$0x5490 ss:$0x1], $0xffff;
	v55 =	vadd.f32 v36, v45;
	v49 =	vmul.f32 v63, v27  }
0x152: {  	v63 =	vld.idx.msk [tilespmem:v0+s21+$0x410 ss:$0x1], $0xffff  }
0x153: {  	v62 =	vld.idx.msk [tilespmem:v0+s21+$0x390 ss:$0x1], $0xffff;
	[tilespmem:v0+s21+$0x510 ss:$0x1] =	vst.idx.msk $0xffff, v55;
	v28 =	vadd.f32 v49, v41;
	v34 =	vmul.f32 v46, v16  }
0x154: {  	v59 =	vld.idx.msk [tilespmem:v0+s21+$0x5520 ss:$0x1], $0xffff  }
0x155: {  	v30 =	vmul.f32 v30, v3;
	v41 =	vld.idx.msk [tilespmem:v0+s21+$0x490 ss:$0x1], $0xffff;
	[tilespmem:v0+s21+$0x5A0 ss:$0x1] =	vst.idx.msk $0xffff, v28;
	v34 =	vadd.f32 v34, v54  }
0x156: {  	v56 =	vld.idx.msk [tilespmem:v0+s21+$0x55B0 ss:$0x1], $0xffff  }
0x157: {  	v46 =	vmul.f32 v51, v6;
	v58 =	vld.idx.msk [tilespmem:v0+s21+$0x5B0 ss:$0x1], $0xffff;
	v30 =	vadd.f32 v30, v63;
	[tilespmem:v0+s21+$0x210 ss:$0x1] =	vst.idx.msk $0xffff, v34  }
0x158: {  	v47 =	vld.idx.msk [tilespmem:v0+s21+$0x5220 ss:$0x1], $0xffff  }
0x159: {  	v31 =	vmul.f32 v57, v4;
	v34 =	vadd.f32 v46, v61;
	v50 =	vld.idx.msk [tilespmem:v0+s21+$0x220 ss:$0x1], $0xffff;
	[tilespmem:v0+s21+$0x410 ss:$0x1] =	vst.idx.msk $0xffff, v30  }
0x15a: {  	v44 =	vmul.f32 v48, v7;
	v57 =	vld.idx.msk [tilespmem:v0+s21+$0x5420 ss:$0x1], $0xffff  }
0x15b: {  	v48 =	vmul.f32 v53, v5;
	v53 =	vadd.f32 v31, v41;
	[tilespmem:v0+s21+$0x310 ss:$0x1] =	vst.idx.msk $0xffff, v34;
	v42 =	vld.idx.msk [tilespmem:v0+s21+$0x420 ss:$0x1], $0xffff  }
0x15c: {  	v54 =	vld.idx.msk [tilespmem:v0+s21+$0x5320 ss:$0x1], $0xffff;
	v29 =	vmul.f32 v56, v27  }
0x15d: {  	[tilespmem:v0+s21+$0x490 ss:$0x1] =	vst.idx.msk $0xffff, v53;
	v61 =	vld.idx.msk [tilespmem:v0+s21+$0x320 ss:$0x1], $0xffff  }
0x15e: {  	v43 =	vld.idx.msk [tilespmem:v0+s21+$0x4A0 ss:$0x1], $0xffff;
	v28 =	vadd.f32 v29, v58  }
0x15f: {  	v58 =	vld.idx.msk [tilespmem:v0+s21+$0x54A0 ss:$0x1], $0xffff  }
0x160: {  	v29 =	vadd.f32 v44, v60;
	v44 =	vld.idx.msk [tilespmem:v0+s21+$0x520 ss:$0x1], $0xffff;
	[tilespmem:v0+s21+$0x5B0 ss:$0x1] =	vst.idx.msk $0xffff, v28  }
0x161: {  	v49 =	vld.idx.msk [tilespmem:v0+s21+$0x55C0 ss:$0x1], $0xffff  }
0x162: {  	v35 =	vmul.f32 v47, v16;
	[tilespmem:v0+s21+$0x290 ss:$0x1] =	vst.idx.msk $0xffff, v29;
	v28 =	vadd.f32 v48, v62;
	v51 =	vld.idx.msk [tilespmem:v0+s21+$0x5C0 ss:$0x1], $0xffff  }
0x163: {  	v52 =	vld.idx.msk [tilespmem:v0+s21+$0x52A0 ss:$0x1], $0xffff  }
0x164: {  	v35 =	vadd.f32 v35, v50;
	v31 =	vmul.f32 v54, v6;
	v60 =	vld.idx.msk [tilespmem:v0+s21+$0x2A0 ss:$0x1], $0xffff;
	[tilespmem:v0+s21+$0x390 ss:$0x1] =	vst.idx.msk $0xffff, v28  }
0x165: {  	v56 =	vld.idx.msk [tilespmem:v0+s21+$0x53A0 ss:$0x1], $0xffff  }
0x166: {  	[tilespmem:v0+s21+$0x220 ss:$0x1] =	vst.idx.msk $0xffff, v35;
	v31 =	vadd.f32 v31, v61;
	v28 =	vmul.f32 v57, v3;
	v62 =	vld.idx.msk [tilespmem:v0+s21+$0x3A0 ss:$0x1], $0xffff  }
0x167: {  	v45 =	vld.idx.msk [tilespmem:v0+s21+$0x5230 ss:$0x1], $0xffff  }
0x168: {  	v48 =	vld.idx.msk [tilespmem:v0+s21+$0x230 ss:$0x1], $0xffff;
	[tilespmem:v0+s21+$0x320 ss:$0x1] =	vst.idx.msk $0xffff, v31;
	v28 =	vadd.f32 v28, v42;
	v32 =	vmul.f32 v49, v27  }
0x169: {  	v47 =	vld.idx.msk [tilespmem:v0+s21+$0x5330 ss:$0x1], $0xffff;
	v34 =	vmul.f32 v52, v7  }
0x16a: {  	v49 =	vmul.f32 v59, v2;
	[tilespmem:v0+s21+$0x420 ss:$0x1] =	vst.idx.msk $0xffff, v28;
	v59 =	vld.idx.msk [tilespmem:v0+s21+$0x330 ss:$0x1], $0xffff;
	v29 =	vadd.f32 v32, v51  }
0x16b: {  	v30 =	vmul.f32 v58, v4;
	v54 =	vld.idx.msk [tilespmem:v0+s21+$0x5430 ss:$0x1], $0xffff  }
0x16c: {  	v61 =	vld.idx.msk [tilespmem:v0+s21+$0x430 ss:$0x1], $0xffff;
	v32 =	vadd.f32 v34, v60;
	[tilespmem:v0+s21+$0x5C0 ss:$0x1] =	vst.idx.msk $0xffff, v29  }
0x16d: {  	v51 =	vadd.f32 v30, v43;
	v29 =	vld.idx.msk [tilespmem:v0+s21+$0x55D0 ss:$0x1], $0xffff  }
0x16e: {  	v53 =	vadd.f32 v49, v44;
	[tilespmem:v0+s21+$0x2A0 ss:$0x1] =	vst.idx.msk $0xffff, v32;
	v63 =	vld.idx.msk [tilespmem:v0+s21+$0x5D0 ss:$0x1], $0xffff  }
0x16f: {  	v33 =	vmul.f32 v56, v5;
	[tilespmem:v0+s21+$0x4A0 ss:$0x1] =	vst.idx.msk $0xffff, v51;
	v32 =	vld.idx.msk [tilespmem:v0+s21+$0x52B0 ss:$0x1], $0xffff  }
0x170: {  	[tilespmem:v0+s21+$0x520 ss:$0x1] =	vst.idx.msk $0xffff, v53;
	v56 =	vld.idx.msk [tilespmem:v0+s21+$0x54B0 ss:$0x1], $0xffff  }
0x171: {  	v46 =	vadd.f32 v33, v62;
	v57 =	vld.idx.msk [tilespmem:v0+s21+$0x5530 ss:$0x1], $0xffff  }
0x172: {  	v33 =	vmul.f32 v47, v6;
	v58 =	vld.idx.msk [tilespmem:v0+s21+$0x2B0 ss:$0x1], $0xffff  }
0x173: {  	v42 =	vld.idx.msk [tilespmem:v0+s21+$0x4B0 ss:$0x1], $0xffff;
	[tilespmem:v0+s21+$0x3A0 ss:$0x1] =	vst.idx.msk $0xffff, v46  }
0x174: {  	v31 =	vmul.f32 v54, v3;
	v33 =	vadd.f32 v33, v59;
	v50 =	vld.idx.msk [tilespmem:v0+s21+$0x53B0 ss:$0x1], $0xffff  }
0x175: {  	v43 =	vld.idx.msk [tilespmem:v0+s21+$0x530 ss:$0x1], $0xffff;
	v29 =	vmul.f32 v29, v27  }
0x176: {  	v60 =	vld.idx.msk [tilespmem:v0+s21+$0x3B0 ss:$0x1], $0xffff;
	[tilespmem:v0+s21+$0x330 ss:$0x1] =	vst.idx.msk $0xffff, v33;
	v31 =	vadd.f32 v31, v61;
	v30 =	vmul.f32 v56, v4  }
0x177: {  	v33 =	vld.idx.msk [tilespmem:v0+s21+$0x5340 ss:$0x1], $0xffff;
	v29 =	vadd.f32 v29, v63  }
0x178: {  	v37 =	vmul.f32 v45, v16;
	v53 =	vld.idx.msk [tilespmem:v0+s21+$0x340 ss:$0x1], $0xffff;
	[tilespmem:v0+s21+$0x430 ss:$0x1] =	vst.idx.msk $0xffff, v31;
	v47 =	vadd.f32 v30, v42  }
0x179: {  	v34 =	vmul.f32 v57, v2;
	v44 =	vmul.f32 v50, v5;
	v50 =	vld.idx.msk [tilespmem:v0+s21+$0x5440 ss:$0x1], $0xffff;
	[tilespmem:v0+s21+$0x5D0 ss:$0x1] =	vst.idx.msk $0xffff, v29  }
0x17a: {  	v63 =	vadd.f32 v37, v48;
	[tilespmem:v0+s21+$0x4B0 ss:$0x1] =	vst.idx.msk $0xffff, v47;
	v47 =	vld.idx.msk [tilespmem:v0+s19+$0x3F0 ss:$0x1], $0xffff  }
0x17b: {  	v49 =	vadd.f32 v34, v43;
	v52 =	vld.idx.msk [tilespmem:v0+s21+$0x55E0 ss:$0x1], $0xffff  }
0x17c: {  	[tilespmem:v0+s21+$0x230 ss:$0x1] =	vst.idx.msk $0xffff, v63;
	v55 =	vld.idx.msk [tilespmem:v0+s21+$0x5E0 ss:$0x1], $0xffff  }
0x17d: {  	v62 =	vmul.f32 v32, v7;
	[tilespmem:v0+s21+$0x530 ss:$0x1] =	vst.idx.msk $0xffff, v49;
	v45 =	vld.idx.msk [tilespmem:v0+s21+$0x5240 ss:$0x1], $0xffff  }
0x17e: {  	v33 =	vmul.f32 v33, v6;
	v31 =	vld.idx.msk [tilespmem:v0+s21+$0x5540 ss:$0x1], $0xffff  }
0x17f: {  	v29 =	vadd.f32 v62, v58;
	v51 =	vld.idx.msk [tilespmem:v0+s21+$0x240 ss:$0x1], $0xffff  }
0x180: {  	v42 =	vld.idx.msk [tilespmem:v0+s21+$0x4C0 ss:$0x1], $0xffff;
	v33 =	vadd.f32 v33, v53  }
0x181: {  	v56 =	vld.idx.msk [tilespmem:v0+s21+$0x540 ss:$0x1], $0xffff;
	[tilespmem:v0+s21+$0x2B0 ss:$0x1] =	vst.idx.msk $0xffff, v29  }
0x182: {  	v46 =	vld.idx.msk [tilespmem:v0+s21+$0x52C0 ss:$0x1], $0xffff;
	[tilespmem:v0+s21+$0x340 ss:$0x1] =	vst.idx.msk $0xffff, v33;
	v28 =	vmul.f32 v52, v27  }
0x183: {  	v59 =	vld.idx.msk [tilespmem:v0+s21+$0x5350 ss:$0x1], $0xffff;
	v35 =	vmul.f32 v45, v16  }
0x184: {  	v62 =	vld.idx.msk [tilespmem:v0+s21+$0x350 ss:$0x1], $0xffff;
	v28 =	vadd.f32 v28, v55  }
0x185: {  	v52 =	vld.idx.msk [tilespmem:v0+s21+$0x2C0 ss:$0x1], $0xffff;
	v35 =	vadd.f32 v35, v51  }
0x186: {  	v31 =	vmul.f32 v31, v2;
	v55 =	vld.idx.msk [tilespmem:v0+s21+$0x440 ss:$0x1], $0xffff;
	[tilespmem:v0+s21+$0x5E0 ss:$0x1] =	vst.idx.msk $0xffff, v28  }
0x187: {  	[tilespmem:v0+s21+$0x240 ss:$0x1] =	vst.idx.msk $0xffff, v35;
	v35 =	vld.idx.msk [tilespmem:v0+s19+$0x370 ss:$0x1], $0xffff  }
0x188: {  	v31 =	vadd.f32 v31, v56;
	v32 =	vld.idx.msk [tilespmem:v0+s21+$0x55F0 ss:$0x1], $0xffff  }
0x189: {  	v29 =	vld.idx.msk [tilespmem:v0+s21+$0x5F0 ss:$0x1], $0xffff  }
0x18a: {  	[tilespmem:v0+s21+$0x540 ss:$0x1] =	vst.idx.msk $0xffff, v31;
	v57 =	vld.idx.msk [tilespmem:v0+s21+$0x5250 ss:$0x1], $0xffff  }
0x18b: {  	v31 =	vld.idx.msk [tilespmem:v0+s21+$0x5550 ss:$0x1], $0xffff  }
0x18c: {  	v36 =	vmul.f32 v46, v7;
	v28 =	vadd.f32 v44, v60;
	v60 =	vld.idx.msk [tilespmem:v0+s21+$0x250 ss:$0x1], $0xffff  }
0x18d: {  	v46 =	vld.idx.msk [tilespmem:v0+s21+$0x550 ss:$0x1], $0xffff  }
0x18e: {  	v34 =	vmul.f32 v50, v3;
	v36 =	vadd.f32 v36, v52;
	[tilespmem:v0+s21+$0x3B0 ss:$0x1] =	vst.idx.msk $0xffff, v28;
	v28 =	vld.idx.msk [tilespmem:v0+s21+$0x54C0 ss:$0x1], $0xffff  }
0x18f: {  	v48 =	vld.idx.msk [tilespmem:v0+s21+$0x53C0 ss:$0x1], $0xffff  }
0x190: {  	v54 =	vld.idx.msk [tilespmem:v0+s21+$0x3C0 ss:$0x1], $0xffff;
	[tilespmem:v0+s21+$0x2C0 ss:$0x1] =	vst.idx.msk $0xffff, v36;
	v58 =	vadd.f32 v34, v55  }
0x191: {  	v34 =	vmul.f32 v59, v6;
	v36 =	vld.idx.msk [tilespmem:v0+s21+$0x52D0 ss:$0x1], $0xffff  }
0x192: {  	v14 =	vmul.f32 v25, v14;
	v61 =	vld.idx.msk [tilespmem:v0+s21+$0x2D0 ss:$0x1], $0xffff;
	[tilespmem:v0+s21+$0x440 ss:$0x1] =	vst.idx.msk $0xffff, v58  }
0x193: {  	v34 =	vadd.f32 v34, v62;
	v33 =	vld.idx.msk [tilespmem:v0+s21+$0x5450 ss:$0x1], $0xffff;
	v39 =	vmul.f32 v57, v16  }
0x194: {  	v14 =	vadd.f32 v14, v26;
	v43 =	vld.idx.msk [tilespmem:v0+s21+$0x450 ss:$0x1], $0xffff;
	v30 =	vmul.f32 v48, v5  }
0x195: {  	v28 =	vmul.f32 v28, v4;
	[tilespmem:v0+s21+$0x350 ss:$0x1] =	vst.idx.msk $0xffff, v34;
	v37 =	vadd.f32 v39, v60;
	v48 =	vld.idx.msk [tilespmem:v0+s19+$0x470 ss:$0x1], $0xffff  }
0x196: {  	[tilespmem:v0+s19+$0x270 ss:$0x1] =	vst.idx.msk $0xffff, v14;
	v51 =	vld.idx.msk [tilespmem:v0+s21+$0x5360 ss:$0x1], $0xffff;
	v30 =	vadd.f32 v30, v54  }
0x197: {  	v14 =	vld.idx.msk [tilespmem:v0+s21+$0x360 ss:$0x1], $0xffff;
	v28 =	vadd.f32 v28, v42;
	[tilespmem:v0+s21+$0x250 ss:$0x1] =	vst.idx.msk $0xffff, v37  }
0x198: {  	v31 =	vmul.f32 v31, v2;
	v49 =	vld.idx.msk [tilespmem:v0+s21+$0x5260 ss:$0x1], $0xffff;
	[tilespmem:v0+s21+$0x3C0 ss:$0x1] =	vst.idx.msk $0xffff, v30  }
0x199: {  	[tilespmem:v0+s21+$0x4C0 ss:$0x1] =	vst.idx.msk $0xffff, v28;
	v30 =	vld.idx.msk [tilespmem:v0+s21+$0x53D0 ss:$0x1], $0xffff  }
0x19a: {  	v31 =	vadd.f32 v31, v46;
	v36 =	vmul.f32 v36, v7;
	v28 =	vld.idx.msk [tilespmem:v0+s21+$0x54D0 ss:$0x1], $0xffff  }
0x19b: {  	v15 =	vmul.f32 v18, v15;
	v63 =	vld.idx.msk [tilespmem:v0+s21+$0x3D0 ss:$0x1], $0xffff  }
0x19c: {  	[tilespmem:v0+s21+$0x550 ss:$0x1] =	vst.idx.msk $0xffff, v31;
	v36 =	vadd.f32 v36, v61;
	v33 =	vmul.f32 v33, v3;
	v44 =	vld.idx.msk [tilespmem:v0+s21+$0x4D0 ss:$0x1], $0xffff  }
0x19d: {  	v15 =	vadd.f32 v15, v20;
	v13 =	vmul.f32 v24, v13;
	v55 =	vld.idx.msk [tilespmem:v0+s21+$0x5560 ss:$0x1], $0xffff  }
0x19e: {  	v56 =	vld.idx.msk [tilespmem:v0+s21+$0x260 ss:$0x1], $0xffff;
	[tilespmem:v0+s21+$0x2D0 ss:$0x1] =	vst.idx.msk $0xffff, v36;
	v33 =	vadd.f32 v33, v43;
	v30 =	vmul.f32 v30, v5  }
0x19f: {  	[tilespmem:v0+s19+$0x5F0 ss:$0x1] =	vst.idx.msk $0xffff, v15;
	v13 =	vadd.f32 v13, v38;
	v50 =	vld.idx.msk [tilespmem:v0+s21+$0x52E0 ss:$0x1], $0xffff;
	v28 =	vmul.f32 v28, v4  }
0x1a0: {  	v11 =	vmul.f32 v23, v11;
	v57 =	vld.idx.msk [tilespmem:v0+s21+$0x2E0 ss:$0x1], $0xffff;
	[tilespmem:v0+s21+$0x450 ss:$0x1] =	vst.idx.msk $0xffff, v33;
	v30 =	vadd.f32 v30, v63  }
0x1a1: {  	[tilespmem:v0+s19+$0x2F0 ss:$0x1] =	vst.idx.msk $0xffff, v13;
	v54 =	vmul.f32 v32, v27;
	v18 =	vld.idx.msk [tilespmem:v0+s21+$0x5460 ss:$0x1], $0xffff;
	v28 =	vadd.f32 v28, v44  }
0x1a2: {  	v12 =	vmul.f32 v22, v12;
	v11 =	vadd.f32 v11, v47;
	v58 =	vld.idx.msk [tilespmem:v0+s21+$0x460 ss:$0x1], $0xffff;
	[tilespmem:v0+s21+$0x3D0 ss:$0x1] =	vst.idx.msk $0xffff, v30  }
0x1a3: {  	v10 =	vmul.f32 v21, v10;
	v15 =	vadd.f32 v54, v29;
	[tilespmem:v0+s21+$0x4D0 ss:$0x1] =	vst.idx.msk $0xffff, v28;
	v52 =	vld.idx.msk [tilespmem:v0+s21+$0x53E0 ss:$0x1], $0xffff  }
0x1a4: {  	[tilespmem:v0+s19+$0x3F0 ss:$0x1] =	vst.idx.msk $0xffff, v11;
	v12 =	vadd.f32 v12, v35;
	v11 =	vmul.f32 v51, v6;
	v53 =	vld.idx.msk [tilespmem:v0+s21+$0x54E0 ss:$0x1], $0xffff  }
0x1a5: {  	v10 =	vadd.f32 v10, v48;
	[tilespmem:v0+s21+$0x5F0 ss:$0x1] =	vst.idx.msk $0xffff, v15;
	v13 =	vmul.f32 v49, v16;
	v15 =	vld.idx.msk [tilespmem:v0+s21+$0x3E0 ss:$0x1], $0xffff  }
0x1a6: {  	[tilespmem:v0+s19+$0x370 ss:$0x1] =	vst.idx.msk $0xffff, v12;
	v60 =	vld.idx.msk [tilespmem:v0+s21+$0x560 ss:$0x1], $0xffff;
	v11 =	vadd.f32 v11, v14;
	v12 =	vmul.f32 v50, v7  }
0x1a7: {  	[tilespmem:v0+s19+$0x470 ss:$0x1] =	vst.idx.msk $0xffff, v10;
	v13 =	vadd.f32 v13, v56;
	v18 =	vmul.f32 v18, v3;
	v59 =	vld.idx.msk [tilespmem:v0+s21+$0x4E0 ss:$0x1], $0xffff  }
0x1a8: {  	v61 =	vld.idx.msk [tilespmem:v0+s19+$0x4F0 ss:$0x1], $0xffff;
	[tilespmem:v0+s21+$0x360 ss:$0x1] =	vst.idx.msk $0xffff, v11;
	v12 =	vadd.f32 v12, v57;
	v10 =	vmul.f32 v52, v5  }
0x1a9: {  	v14 =	vld.idx.msk [tilespmem:v0+s19+$0x570 ss:$0x1], $0xffff;
	[tilespmem:v0+s21+$0x260 ss:$0x1] =	vst.idx.msk $0xffff, v13;
	v18 =	vadd.f32 v18, v58  }
0x1aa: {  	v11 =	vld.idx.msk [tilespmem:v0+s21+$0x5370 ss:$0x1], $0xffff;
	[tilespmem:v0+s21+$0x2E0 ss:$0x1] =	vst.idx.msk $0xffff, v12;
	v62 =	vmul.f32 v53, v4;
	v10 =	vadd.f32 v10, v15  }
0x1ab: {  	v63 =	vld.idx.msk [tilespmem:v0+s21+$0x5270 ss:$0x1], $0xffff;
	[tilespmem:v0+s21+$0x460 ss:$0x1] =	vst.idx.msk $0xffff, v18;
	v15 =	vmul.f32 v55, v2  }
0x1ac: {  	v9 =	vmul.f32 v19, v9;
	v13 =	vld.idx.msk [tilespmem:v0+s21+$0x52F0 ss:$0x1], $0xffff;
	[tilespmem:v0+s21+$0x3E0 ss:$0x1] =	vst.idx.msk $0xffff, v10;
	v10 =	vadd.f32 v62, v59  }
0x1ad: {  	v8 =	vmul.f32 v17, v8;
	v17 =	vld.idx.msk [tilespmem:v0+s21+$0x5470 ss:$0x1], $0xffff;
	v15 =	vadd.f32 v15, v60  }
0x1ae: {  	v18 =	vadd.f32 v9, v61;
	v12 =	vld.idx.msk [tilespmem:v0+s21+$0x53F0 ss:$0x1], $0xffff;
	[tilespmem:v0+s21+$0x4E0 ss:$0x1] =	vst.idx.msk $0xffff, v10  }
0x1af: {  	v14 =	vadd.f32 v8, v14;
	[tilespmem:v0+s21+$0x560 ss:$0x1] =	vst.idx.msk $0xffff, v15;
	v10 =	vld.idx.msk [tilespmem:v0+s21+$0x54F0 ss:$0x1], $0xffff  }
0x1b0: {  	s22 =	simm.s32 $0x10;
	v16 =	vmul.f32 v63, v16;
	[tilespmem:v0+s19+$0x4F0 ss:$0x1] =	vst.idx.msk $0xffff, v18;
	v9 =	vld.idx.msk [tilespmem:v0+s21+$0x5570 ss:$0x1], $0xffff  }
.LBB2_5:
0x1b1: {  	p0 =	slt.u32 s22, $0x48;
	v18 =	vld.idx.msk [tilespmem:v0+s21+$0x270 ss:$0x1], $0xffff;
	v13 =	vmul.f32 v13, v7;
	[tilespmem:v0+s19+$0x570 ss:$0x1] =	vst.idx.msk $0xffff, v14;
	s19 =	smov.u32 s21;
	s21 =	sshll.u32 s22, $0x7  }
0x1b2: {  	v14 =	vmul.f32 v11, v6;
	s23 =	sshrl.u32 s21, $0x2;
	v19 =	vld.idx.msk [tilespmem:v0+s21+$0x5580 ss:$0x1], $0xffff  }
0x1b3: {  	v12 =	vmul.f32 v12, v5;
	v15 =	vld.idx.msk [tilespmem:v1+s23+$0x70 ss:$0x1], $0xffff  }
0x1b4: {  	v11 =	vmul.f32 v17, v3;
	v8 =	vld.idx.msk [tilespmem:v1+s23+$0x0 ss:$0x1], $0xffff  }
0x1b5: {  	v10 =	vmul.f32 v10, v4;
	v17 =	vld.idx.msk [tilespmem:v0+s21+$0x580 ss:$0x1], $0xffff  }
0x1b6: {  	v9 =	vmul.f32 v9, v2;
	v7 =	vld.idx.msk [tilespmem:v1+s23+$0x10 ss:$0x1], $0xffff  }
0x1b7: {  	v2 =	vadd.f32 v16, v18;
	v6 =	vld.idx.msk [tilespmem:v1+s23+$0x20 ss:$0x1], $0xffff  }
0x1b8: {  	v5 =	vld.idx.msk [tilespmem:v1+s23+$0x30 ss:$0x1], $0xffff  }
0x1b9: {  	v16 =	vmul.f32 v19, v15;
	v3 =	vld.idx.msk [tilespmem:v1+s23+$0x40 ss:$0x1], $0xffff;
	[tilespmem:v0+s19+$0x270 ss:$0x1] =	vst.idx.msk $0xffff, v2  }
0x1ba: {  	v4 =	vld.idx.msk [tilespmem:v1+s23+$0x50 ss:$0x1], $0xffff  }
0x1bb: {  	v16 =	vadd.f32 v16, v17;
	v2 =	vld.idx.msk [tilespmem:v1+s23+$0x60 ss:$0x1], $0xffff  }
0x1bc: {  	v17 =	vld.idx.msk [tilespmem:v0+s21+$0x5200 ss:$0x1], $0xffff  }
0x1bd: {  	v18 =	vld.idx.msk [tilespmem:v0+s21+$0x5280 ss:$0x1], $0xffff;
	[tilespmem:v0+s21+$0x580 ss:$0x1] =	vst.idx.msk $0xffff, v16  }
0x1be: {  	v16 =	vld.idx.msk [tilespmem:v0+s21+$0x5590 ss:$0x1], $0xffff  }
0x1bf: {  	v19 =	vld.idx.msk [tilespmem:v0+s21+$0x5300 ss:$0x1], $0xffff  }
0x1c0: {  	v20 =	vld.idx.msk [tilespmem:v0+s21+$0x590 ss:$0x1], $0xffff  }
0x1c1: {  	v21 =	vld.idx.msk [tilespmem:v0+s21+$0x5380 ss:$0x1], $0xffff  }
0x1c2: {  	v17 =	vmul.f32 v17, v8;
	v22 =	vld.idx.msk [tilespmem:v0+s21+$0x5400 ss:$0x1], $0xffff  }
0x1c3: {  	v18 =	vmul.f32 v18, v7;
	v23 =	vld.idx.msk [tilespmem:v0+s21+$0x5480 ss:$0x1], $0xffff  }
0x1c4: {  	v16 =	vmul.f32 v16, v15;
	v24 =	vld.idx.msk [tilespmem:v0+s21+$0x5500 ss:$0x1], $0xffff  }
0x1c5: {  	v19 =	vmul.f32 v19, v6;
	v25 =	vld.idx.msk [tilespmem:v0+s21+$0x200 ss:$0x1], $0xffff  }
0x1c6: {  	v16 =	vadd.f32 v16, v20;
	v26 =	vld.idx.msk [tilespmem:v0+s21+$0x280 ss:$0x1], $0xffff  }
0x1c7: {  	v21 =	vmul.f32 v21, v5;
	v20 =	vld.idx.msk [tilespmem:v0+s21+$0x300 ss:$0x1], $0xffff  }
0x1c8: {  	v22 =	vmul.f32 v22, v3;
	v27 =	vld.idx.msk [tilespmem:v0+s21+$0x380 ss:$0x1], $0xffff;
	[tilespmem:v0+s21+$0x590 ss:$0x1] =	vst.idx.msk $0xffff, v16  }
0x1c9: {  	v16 =	vmul.f32 v23, v4;
	v23 =	vld.idx.msk [tilespmem:v0+s21+$0x55A0 ss:$0x1], $0xffff  }
0x1ca: {  	v24 =	vmul.f32 v24, v2;
	v28 =	vld.idx.msk [tilespmem:v0+s21+$0x400 ss:$0x1], $0xffff  }
0x1cb: {  	v17 =	vadd.f32 v17, v25;
	v25 =	vld.idx.msk [tilespmem:v0+s21+$0x5A0 ss:$0x1], $0xffff  }
0x1cc: {  	v18 =	vadd.f32 v18, v26;
	v26 =	vld.idx.msk [tilespmem:v0+s21+$0x480 ss:$0x1], $0xffff  }
0x1cd: {  	[tilespmem:v0+s21+$0x200 ss:$0x1] =	vst.idx.msk $0xffff, v17;
	v17 =	vadd.f32 v19, v20;
	v19 =	vld.idx.msk [tilespmem:v0+s21+$0x500 ss:$0x1], $0xffff  }
0x1ce: {  	v20 =	vld.idx.msk [tilespmem:v0+s21+$0x5210 ss:$0x1], $0xffff;
	[tilespmem:v0+s21+$0x280 ss:$0x1] =	vst.idx.msk $0xffff, v18;
	v18 =	vadd.f32 v21, v27  }
0x1cf: {  	v21 =	vld.idx.msk [tilespmem:v0+s21+$0x5290 ss:$0x1], $0xffff;
	[tilespmem:v0+s21+$0x300 ss:$0x1] =	vst.idx.msk $0xffff, v17;
	v17 =	vmul.f32 v23, v15  }
0x1d0: {  	v23 =	vld.idx.msk [tilespmem:v0+s21+$0x5310 ss:$0x1], $0xffff;
	[tilespmem:v0+s21+$0x380 ss:$0x1] =	vst.idx.msk $0xffff, v18;
	v18 =	vadd.f32 v22, v28  }
0x1d1: {  	v22 =	vld.idx.msk [tilespmem:v0+s21+$0x5390 ss:$0x1], $0xffff;
	v17 =	vadd.f32 v17, v25  }
0x1d2: {  	v16 =	vadd.f32 v16, v26;
	v25 =	vld.idx.msk [tilespmem:v0+s21+$0x210 ss:$0x1], $0xffff;
	[tilespmem:v0+s21+$0x400 ss:$0x1] =	vst.idx.msk $0xffff, v18  }
0x1d3: {  	v19 =	vadd.f32 v24, v19;
	v18 =	vld.idx.msk [tilespmem:v0+s21+$0x5410 ss:$0x1], $0xffff;
	[tilespmem:v0+s21+$0x5A0 ss:$0x1] =	vst.idx.msk $0xffff, v17  }
0x1d4: {  	v17 =	vmul.f32 v20, v8;
	[tilespmem:v0+s21+$0x480 ss:$0x1] =	vst.idx.msk $0xffff, v16;
	v16 =	vld.idx.msk [tilespmem:v0+s21+$0x55B0 ss:$0x1], $0xffff  }
0x1d5: {  	v20 =	vmul.f32 v21, v7;
	v21 =	vld.idx.msk [tilespmem:v0+s21+$0x5490 ss:$0x1], $0xffff;
	[tilespmem:v0+s21+$0x500 ss:$0x1] =	vst.idx.msk $0xffff, v19  }
0x1d6: {  	v19 =	vmul.f32 v23, v6;
	v23 =	vld.idx.msk [tilespmem:v0+s21+$0x5B0 ss:$0x1], $0xffff  }
0x1d7: {  	v22 =	vmul.f32 v22, v5;
	v24 =	vld.idx.msk [tilespmem:v0+s21+$0x5510 ss:$0x1], $0xffff  }
0x1d8: {  	v17 =	vadd.f32 v17, v25;
	v25 =	vld.idx.msk [tilespmem:v0+s21+$0x290 ss:$0x1], $0xffff  }
0x1d9: {  	v18 =	vmul.f32 v18, v3;
	v26 =	vld.idx.msk [tilespmem:v0+s21+$0x310 ss:$0x1], $0xffff  }
0x1da: {  	v16 =	vmul.f32 v16, v15;
	[tilespmem:v0+s21+$0x210 ss:$0x1] =	vst.idx.msk $0xffff, v17;
	v17 =	vld.idx.msk [tilespmem:v0+s21+$0x390 ss:$0x1], $0xffff  }
0x1db: {  	v21 =	vmul.f32 v21, v4;
	v27 =	vld.idx.msk [tilespmem:v0+s21+$0x410 ss:$0x1], $0xffff  }
0x1dc: {  	v16 =	vadd.f32 v16, v23;
	v28 =	vld.idx.msk [tilespmem:v0+s21+$0x490 ss:$0x1], $0xffff  }
0x1dd: {  	v24 =	vmul.f32 v24, v2;
	v23 =	vld.idx.msk [tilespmem:v0+s21+$0x510 ss:$0x1], $0xffff  }
0x1de: {  	v20 =	vadd.f32 v20, v25;
	v29 =	vld.idx.msk [tilespmem:v0+s21+$0x5220 ss:$0x1], $0xffff;
	[tilespmem:v0+s21+$0x5B0 ss:$0x1] =	vst.idx.msk $0xffff, v16  }
0x1df: {  	v16 =	vadd.f32 v19, v26;
	v19 =	vld.idx.msk [tilespmem:v0+s21+$0x55C0 ss:$0x1], $0xffff  }
0x1e0: {  	v17 =	vadd.f32 v22, v17;
	v25 =	vld.idx.msk [tilespmem:v0+s21+$0x220 ss:$0x1], $0xffff;
	[tilespmem:v0+s21+$0x290 ss:$0x1] =	vst.idx.msk $0xffff, v20  }
0x1e1: {  	[tilespmem:v0+s21+$0x310 ss:$0x1] =	vst.idx.msk $0xffff, v16;
	v16 =	vadd.f32 v18, v27;
	v18 =	vld.idx.msk [tilespmem:v0+s21+$0x5C0 ss:$0x1], $0xffff  }
0x1e2: {  	v20 =	vld.idx.msk [tilespmem:v0+s21+$0x52A0 ss:$0x1], $0xffff;
	[tilespmem:v0+s21+$0x390 ss:$0x1] =	vst.idx.msk $0xffff, v17;
	v17 =	vadd.f32 v21, v28  }
0x1e3: {  	v21 =	vld.idx.msk [tilespmem:v0+s21+$0x5320 ss:$0x1], $0xffff;
	[tilespmem:v0+s21+$0x410 ss:$0x1] =	vst.idx.msk $0xffff, v16;
	v16 =	vadd.f32 v24, v23  }
0x1e4: {  	v22 =	vmul.f32 v29, v8;
	v23 =	vld.idx.msk [tilespmem:v0+s21+$0x53A0 ss:$0x1], $0xffff;
	[tilespmem:v0+s21+$0x490 ss:$0x1] =	vst.idx.msk $0xffff, v17  }
0x1e5: {  	v17 =	vld.idx.msk [tilespmem:v0+s21+$0x5420 ss:$0x1], $0xffff;
	[tilespmem:v0+s21+$0x510 ss:$0x1] =	vst.idx.msk $0xffff, v16;
	v16 =	vmul.f32 v19, v15  }
0x1e6: {  	v19 =	vadd.f32 v22, v25;
	v22 =	vld.idx.msk [tilespmem:v0+s21+$0x54A0 ss:$0x1], $0xffff  }
0x1e7: {  	v24 =	vld.idx.msk [tilespmem:v0+s21+$0x5520 ss:$0x1], $0xffff;
	v16 =	vadd.f32 v16, v18  }
0x1e8: {  	[tilespmem:v0+s21+$0x220 ss:$0x1] =	vst.idx.msk $0xffff, v19;
	v18 =	vld.idx.msk [tilespmem:v0+s21+$0x2A0 ss:$0x1], $0xffff;
	v19 =	vmul.f32 v20, v7  }
0x1e9: {  	v21 =	vmul.f32 v21, v6;
	v20 =	vld.idx.msk [tilespmem:v0+s21+$0x320 ss:$0x1], $0xffff;
	[tilespmem:v0+s21+$0x5C0 ss:$0x1] =	vst.idx.msk $0xffff, v16  }
0x1ea: {  	v16 =	vmul.f32 v23, v5;
	v23 =	vld.idx.msk [tilespmem:v0+s21+$0x55D0 ss:$0x1], $0xffff  }
0x1eb: {  	v17 =	vmul.f32 v17, v3;
	v25 =	vld.idx.msk [tilespmem:v0+s21+$0x3A0 ss:$0x1], $0xffff  }
0x1ec: {  	v22 =	vmul.f32 v22, v4;
	v26 =	vld.idx.msk [tilespmem:v0+s21+$0x5D0 ss:$0x1], $0xffff  }
0x1ed: {  	v24 =	vmul.f32 v24, v2;
	v27 =	vld.idx.msk [tilespmem:v0+s21+$0x420 ss:$0x1], $0xffff  }
0x1ee: {  	v18 =	vadd.f32 v19, v18;
	v19 =	vld.idx.msk [tilespmem:v0+s21+$0x4A0 ss:$0x1], $0xffff  }
0x1ef: {  	v20 =	vadd.f32 v21, v20;
	v21 =	vld.idx.msk [tilespmem:v0+s21+$0x520 ss:$0x1], $0xffff  }
0x1f0: {  	v28 =	vld.idx.msk [tilespmem:v0+s21+$0x5230 ss:$0x1], $0xffff;
	[tilespmem:v0+s21+$0x2A0 ss:$0x1] =	vst.idx.msk $0xffff, v18;
	v18 =	vmul.f32 v23, v15  }
0x1f1: {  	v16 =	vadd.f32 v16, v25;
	v23 =	vld.idx.msk [tilespmem:v0+s21+$0x52B0 ss:$0x1], $0xffff;
	[tilespmem:v0+s21+$0x320 ss:$0x1] =	vst.idx.msk $0xffff, v20  }
0x1f2: {  	v20 =	vld.idx.msk [tilespmem:v0+s21+$0x5330 ss:$0x1], $0xffff;
	v18 =	vadd.f32 v18, v26  }
0x1f3: {  	v25 =	vld.idx.msk [tilespmem:v0+s21+$0x230 ss:$0x1], $0xffff;
	[tilespmem:v0+s21+$0x3A0 ss:$0x1] =	vst.idx.msk $0xffff, v16;
	v16 =	vadd.f32 v17, v27  }
0x1f4: {  	v19 =	vadd.f32 v22, v19;
	v17 =	vld.idx.msk [tilespmem:v0+s21+$0x53B0 ss:$0x1], $0xffff;
	[tilespmem:v0+s21+$0x5D0 ss:$0x1] =	vst.idx.msk $0xffff, v18  }
0x1f5: {  	[tilespmem:v0+s21+$0x420 ss:$0x1] =	vst.idx.msk $0xffff, v16;
	v16 =	vadd.f32 v24, v21;
	v18 =	vld.idx.msk [tilespmem:v0+s21+$0x55E0 ss:$0x1], $0xffff  }
0x1f6: {  	v21 =	vmul.f32 v28, v8;
	v22 =	vld.idx.msk [tilespmem:v0+s21+$0x5430 ss:$0x1], $0xffff;
	[tilespmem:v0+s21+$0x4A0 ss:$0x1] =	vst.idx.msk $0xffff, v19  }
0x1f7: {  	v19 =	vmul.f32 v23, v7;
	[tilespmem:v0+s21+$0x520 ss:$0x1] =	vst.idx.msk $0xffff, v16;
	v16 =	vld.idx.msk [tilespmem:v0+s21+$0x5E0 ss:$0x1], $0xffff  }
0x1f8: {  	v20 =	vmul.f32 v20, v6;
	v23 =	vld.idx.msk [tilespmem:v0+s21+$0x54B0 ss:$0x1], $0xffff  }
0x1f9: {  	v21 =	vadd.f32 v21, v25;
	v24 =	vld.idx.msk [tilespmem:v0+s21+$0x5530 ss:$0x1], $0xffff  }
0x1fa: {  	v17 =	vmul.f32 v17, v5;
	v25 =	vld.idx.msk [tilespmem:v0+s21+$0x2B0 ss:$0x1], $0xffff  }
0x1fb: {  	v18 =	vmul.f32 v18, v15;
	[tilespmem:v0+s21+$0x230 ss:$0x1] =	vst.idx.msk $0xffff, v21;
	v21 =	vld.idx.msk [tilespmem:v0+s21+$0x330 ss:$0x1], $0xffff  }
0x1fc: {  	v22 =	vmul.f32 v22, v3;
	v26 =	vld.idx.msk [tilespmem:v0+s21+$0x3B0 ss:$0x1], $0xffff  }
0x1fd: {  	v16 =	vadd.f32 v18, v16;
	v27 =	vld.idx.msk [tilespmem:v0+s21+$0x430 ss:$0x1], $0xffff  }
0x1fe: {  	v23 =	vmul.f32 v23, v4;
	v18 =	vld.idx.msk [tilespmem:v0+s21+$0x4B0 ss:$0x1], $0xffff  }
0x1ff: {  	v24 =	vmul.f32 v24, v2;
	v28 =	vld.idx.msk [tilespmem:v0+s21+$0x530 ss:$0x1], $0xffff;
	[tilespmem:v0+s21+$0x5E0 ss:$0x1] =	vst.idx.msk $0xffff, v16  }
0x200: {  	v16 =	vadd.f32 v19, v25;
	v19 =	vld.idx.msk [tilespmem:v0+s21+$0x55F0 ss:$0x1], $0xffff  }
0x201: {  	v20 =	vadd.f32 v20, v21;
	v25 =	vld.idx.msk [tilespmem:v0+s21+$0x5240 ss:$0x1], $0xffff  }
0x202: {  	[tilespmem:v0+s21+$0x2B0 ss:$0x1] =	vst.idx.msk $0xffff, v16;
	v16 =	vadd.f32 v17, v26;
	v17 =	vld.idx.msk [tilespmem:v0+s21+$0x5F0 ss:$0x1], $0xffff  }
0x203: {  	v21 =	vld.idx.msk [tilespmem:v0+s21+$0x52C0 ss:$0x1], $0xffff;
	[tilespmem:v0+s21+$0x330 ss:$0x1] =	vst.idx.msk $0xffff, v20;
	v20 =	vadd.f32 v22, v27  }
0x204: {  	v22 =	vld.idx.msk [tilespmem:v0+s21+$0x5340 ss:$0x1], $0xffff;
	[tilespmem:v0+s21+$0x3B0 ss:$0x1] =	vst.idx.msk $0xffff, v16;
	v16 =	vadd.f32 v23, v18  }
0x205: {  	v18 =	vld.idx.msk [tilespmem:v0+s21+$0x53C0 ss:$0x1], $0xffff;
	[tilespmem:v0+s21+$0x430 ss:$0x1] =	vst.idx.msk $0xffff, v20;
	v20 =	vadd.f32 v24, v28  }
0x206: {  	v15 =	vmul.f32 v19, v15;
	v23 =	vld.idx.msk [tilespmem:v0+s21+$0x5440 ss:$0x1], $0xffff;
	[tilespmem:v0+s21+$0x4B0 ss:$0x1] =	vst.idx.msk $0xffff, v16  }
0x207: {  	v16 =	vmul.f32 v25, v8;
	v19 =	vld.idx.msk [tilespmem:v0+s21+$0x54C0 ss:$0x1], $0xffff;
	[tilespmem:v0+s21+$0x530 ss:$0x1] =	vst.idx.msk $0xffff, v20  }
0x208: {  	v15 =	vadd.f32 v15, v17;
	v20 =	vld.idx.msk [tilespmem:v0+s21+$0x5540 ss:$0x1], $0xffff  }
0x209: {  	v21 =	vmul.f32 v21, v7;
	v17 =	vld.idx.msk [tilespmem:v0+s21+$0x240 ss:$0x1], $0xffff  }
0x20a: {  	v22 =	vmul.f32 v22, v6;
	v24 =	vld.idx.msk [tilespmem:v0+s21+$0x2C0 ss:$0x1], $0xffff;
	[tilespmem:v0+s21+$0x5F0 ss:$0x1] =	vst.idx.msk $0xffff, v15  }
0x20b: {  	v18 =	vmul.f32 v18, v5;
	v15 =	vld.idx.msk [tilespmem:v0+s21+$0x340 ss:$0x1], $0xffff  }
0x20c: {  	v23 =	vmul.f32 v23, v3;
	v25 =	vld.idx.msk [tilespmem:v0+s21+$0x3C0 ss:$0x1], $0xffff  }
0x20d: {  	v19 =	vmul.f32 v19, v4;
	v26 =	vld.idx.msk [tilespmem:v0+s21+$0x440 ss:$0x1], $0xffff  }
0x20e: {  	v20 =	vmul.f32 v20, v2;
	v27 =	vld.idx.msk [tilespmem:v0+s21+$0x4C0 ss:$0x1], $0xffff  }
0x20f: {  	v16 =	vadd.f32 v16, v17;
	v17 =	vld.idx.msk [tilespmem:v0+s21+$0x540 ss:$0x1], $0xffff  }
0x210: {  	v21 =	vadd.f32 v21, v24;
	v24 =	vld.idx.msk [tilespmem:v0+s19+$0x2F0 ss:$0x1], $0xffff  }
0x211: {  	v15 =	vadd.f32 v22, v15;
	[tilespmem:v0+s21+$0x240 ss:$0x1] =	vst.idx.msk $0xffff, v16;
	v16 =	vld.idx.msk [tilespmem:v0+s19+$0x370 ss:$0x1], $0xffff  }
0x212: {  	v18 =	vadd.f32 v18, v25;
	v22 =	vld.idx.msk [tilespmem:v0+s21+$0x5250 ss:$0x1], $0xffff;
	[tilespmem:v0+s21+$0x2C0 ss:$0x1] =	vst.idx.msk $0xffff, v21  }
0x213: {  	v21 =	vld.idx.msk [tilespmem:v0+s21+$0x52D0 ss:$0x1], $0xffff;
	[tilespmem:v0+s21+$0x340 ss:$0x1] =	vst.idx.msk $0xffff, v15;
	v15 =	vadd.f32 v23, v26  }
0x214: {  	v23 =	vld.idx.msk [tilespmem:v0+s21+$0x5350 ss:$0x1], $0xffff;
	[tilespmem:v0+s21+$0x3C0 ss:$0x1] =	vst.idx.msk $0xffff, v18;
	v18 =	vadd.f32 v19, v27  }
0x215: {  	v19 =	vld.idx.msk [tilespmem:v0+s21+$0x53D0 ss:$0x1], $0xffff;
	[tilespmem:v0+s21+$0x440 ss:$0x1] =	vst.idx.msk $0xffff, v15;
	v15 =	vadd.f32 v20, v17  }
0x216: {  	v13 =	vadd.f32 v13, v24;
	v17 =	vld.idx.msk [tilespmem:v0+s21+$0x5450 ss:$0x1], $0xffff;
	[tilespmem:v0+s21+$0x4C0 ss:$0x1] =	vst.idx.msk $0xffff, v18  }
0x217: {  	v14 =	vadd.f32 v14, v16;
	v18 =	vld.idx.msk [tilespmem:v0+s21+$0x54D0 ss:$0x1], $0xffff;
	[tilespmem:v0+s21+$0x540 ss:$0x1] =	vst.idx.msk $0xffff, v15  }
0x218: {  	v15 =	vmul.f32 v22, v8;
	v16 =	vld.idx.msk [tilespmem:v0+s21+$0x5550 ss:$0x1], $0xffff;
	[tilespmem:v0+s19+$0x2F0 ss:$0x1] =	vst.idx.msk $0xffff, v13  }
0x219: {  	v20 =	vmul.f32 v21, v7;
	v13 =	vld.idx.msk [tilespmem:v0+s21+$0x250 ss:$0x1], $0xffff;
	[tilespmem:v0+s19+$0x370 ss:$0x1] =	vst.idx.msk $0xffff, v14  }
0x21a: {  	v21 =	vmul.f32 v23, v6;
	v14 =	vld.idx.msk [tilespmem:v0+s21+$0x2D0 ss:$0x1], $0xffff  }
0x21b: {  	v19 =	vmul.f32 v19, v5;
	v22 =	vld.idx.msk [tilespmem:v0+s21+$0x350 ss:$0x1], $0xffff  }
0x21c: {  	v17 =	vmul.f32 v17, v3;
	v23 =	vld.idx.msk [tilespmem:v0+s21+$0x3D0 ss:$0x1], $0xffff  }
0x21d: {  	v18 =	vmul.f32 v18, v4;
	v24 =	vld.idx.msk [tilespmem:v0+s21+$0x450 ss:$0x1], $0xffff  }
0x21e: {  	v16 =	vmul.f32 v16, v2;
	v25 =	vld.idx.msk [tilespmem:v0+s21+$0x4D0 ss:$0x1], $0xffff  }
0x21f: {  	v13 =	vadd.f32 v15, v13;
	v15 =	vld.idx.msk [tilespmem:v0+s21+$0x550 ss:$0x1], $0xffff  }
0x220: {  	v14 =	vadd.f32 v20, v14;
	v20 =	vld.idx.msk [tilespmem:v0+s19+$0x3F0 ss:$0x1], $0xffff  }
0x221: {  	[tilespmem:v0+s21+$0x250 ss:$0x1] =	vst.idx.msk $0xffff, v13;
	v13 =	vadd.f32 v21, v22;
	v21 =	vld.idx.msk [tilespmem:v0+s19+$0x470 ss:$0x1], $0xffff  }
0x222: {  	v22 =	vld.idx.msk [tilespmem:v0+s21+$0x5260 ss:$0x1], $0xffff;
	[tilespmem:v0+s21+$0x2D0 ss:$0x1] =	vst.idx.msk $0xffff, v14;
	v14 =	vadd.f32 v19, v23  }
0x223: {  	v19 =	vld.idx.msk [tilespmem:v0+s21+$0x52E0 ss:$0x1], $0xffff;
	[tilespmem:v0+s21+$0x350 ss:$0x1] =	vst.idx.msk $0xffff, v13;
	v13 =	vadd.f32 v17, v24  }
0x224: {  	v17 =	vld.idx.msk [tilespmem:v0+s21+$0x5360 ss:$0x1], $0xffff;
	[tilespmem:v0+s21+$0x3D0 ss:$0x1] =	vst.idx.msk $0xffff, v14;
	v14 =	vadd.f32 v18, v25  }
0x225: {  	v18 =	vld.idx.msk [tilespmem:v0+s21+$0x53E0 ss:$0x1], $0xffff;
	[tilespmem:v0+s21+$0x450 ss:$0x1] =	vst.idx.msk $0xffff, v13;
	v13 =	vadd.f32 v16, v15  }
0x226: {  	v12 =	vadd.f32 v12, v20;
	v15 =	vld.idx.msk [tilespmem:v0+s21+$0x5460 ss:$0x1], $0xffff;
	[tilespmem:v0+s21+$0x4D0 ss:$0x1] =	vst.idx.msk $0xffff, v14  }
0x227: {  	v11 =	vadd.f32 v11, v21;
	v14 =	vld.idx.msk [tilespmem:v0+s21+$0x54E0 ss:$0x1], $0xffff;
	[tilespmem:v0+s21+$0x550 ss:$0x1] =	vst.idx.msk $0xffff, v13  }
0x228: {  	v13 =	vmul.f32 v22, v8;
	v16 =	vld.idx.msk [tilespmem:v0+s21+$0x5560 ss:$0x1], $0xffff;
	[tilespmem:v0+s19+$0x3F0 ss:$0x1] =	vst.idx.msk $0xffff, v12  }
0x229: {  	v19 =	vmul.f32 v19, v7;
	v12 =	vld.idx.msk [tilespmem:v0+s21+$0x260 ss:$0x1], $0xffff;
	[tilespmem:v0+s19+$0x470 ss:$0x1] =	vst.idx.msk $0xffff, v11  }
0x22a: {  	v17 =	vmul.f32 v17, v6;
	v11 =	vld.idx.msk [tilespmem:v0+s21+$0x2E0 ss:$0x1], $0xffff  }
0x22b: {  	v18 =	vmul.f32 v18, v5;
	v20 =	vld.idx.msk [tilespmem:v0+s21+$0x360 ss:$0x1], $0xffff  }
0x22c: {  	v15 =	vmul.f32 v15, v3;
	v21 =	vld.idx.msk [tilespmem:v0+s21+$0x3E0 ss:$0x1], $0xffff  }
0x22d: {  	v14 =	vmul.f32 v14, v4;
	v22 =	vld.idx.msk [tilespmem:v0+s21+$0x460 ss:$0x1], $0xffff  }
0x22e: {  	v16 =	vmul.f32 v16, v2;
	v23 =	vld.idx.msk [tilespmem:v0+s21+$0x4E0 ss:$0x1], $0xffff  }
0x22f: {  	v12 =	vadd.f32 v13, v12;
	v24 =	vld.idx.msk [tilespmem:v0+s21+$0x560 ss:$0x1], $0xffff  }
0x230: {  	v11 =	vadd.f32 v19, v11;
	v19 =	vld.idx.msk [tilespmem:v0+s19+$0x4F0 ss:$0x1], $0xffff  }
0x231: {  	[tilespmem:v0+s21+$0x260 ss:$0x1] =	vst.idx.msk $0xffff, v12;
	v12 =	vadd.f32 v17, v20;
	v20 =	vld.idx.msk [tilespmem:v0+s19+$0x570 ss:$0x1], $0xffff  }
0x232: {  	v17 =	vadd.f32 v18, v21;
	v25 =	vld.idx.msk [tilespmem:v0+s21+$0x5270 ss:$0x1], $0xffff;
	[tilespmem:v0+s21+$0x2E0 ss:$0x1] =	vst.idx.msk $0xffff, v11  }
0x233: {  	v15 =	vadd.f32 v15, v22;
	v13 =	vld.idx.msk [tilespmem:v0+s21+$0x52F0 ss:$0x1], $0xffff;
	[tilespmem:v0+s21+$0x360 ss:$0x1] =	vst.idx.msk $0xffff, v12  }
.Ltmp1:
0x234: {  	v14 =	vadd.f32 v14, v23;
	v11 =	vld.idx.msk [tilespmem:v0+s21+$0x5370 ss:$0x1], $0xffff;
	[tilespmem:v0+s21+$0x3E0 ss:$0x1] =	vst.idx.msk $0xffff, v17;
	(pc) =	sbr.rel @p0 .LBB2_5-.Ltmp1, $4  }
0x235: {  	v12 =	vld.idx.msk [tilespmem:v0+s21+$0x53F0 ss:$0x1], $0xffff;
	[tilespmem:v0+s21+$0x460 ss:$0x1] =	vst.idx.msk $0xffff, v15;
	v15 =	vadd.f32 v16, v24  }
0x236: {  	v18 =	vadd.f32 v10, v19;
	v17 =	vld.idx.msk [tilespmem:v0+s21+$0x5470 ss:$0x1], $0xffff;
	[tilespmem:v0+s21+$0x4E0 ss:$0x1] =	vst.idx.msk $0xffff, v14  }
0x237: {  	v14 =	vadd.f32 v9, v20;
	v10 =	vld.idx.msk [tilespmem:v0+s21+$0x54F0 ss:$0x1], $0xffff;
	[tilespmem:v0+s21+$0x560 ss:$0x1] =	vst.idx.msk $0xffff, v15  }
0x238: {  	s22 =	sadd.s32 $0x8, s22;
	v16 =	vmul.f32 v25, v8;
	v9 =	vld.idx.msk [tilespmem:v0+s21+$0x5570 ss:$0x1], $0xffff;
	[tilespmem:v0+s19+$0x4F0 ss:$0x1] =	vst.idx.msk $0xffff, v18  }
0x239: {  	_ =	sdelay $0x3  }
0x23a: {  	v1 =	vld.idx.msk [tilespmem:v0+s21+$0x270 ss:$0x1], $0xffff  }
0x23b: {  	v8 =	vld.idx.msk [tilespmem:v0+s21+$0x2F0 ss:$0x1], $0xffff  }
0x23c: {  	v15 =	vld.idx.msk [tilespmem:v0+s21+$0x370 ss:$0x1], $0xffff  }
0x23d: {  	v18 =	vld.idx.msk [tilespmem:v0+s21+$0x3F0 ss:$0x1], $0xffff  }
0x23e: {  	v7 =	vmul.f32 v13, v7;
	v57 =	vld.idx.msk [tilespmem:v0+s21+$0x470 ss:$0x1], $0xffff  }
0x23f: {  	v6 =	vmul.f32 v11, v6;
	v58 =	vld.idx.msk [tilespmem:v0+s21+$0x4F0 ss:$0x1], $0xffff;
	v1 =	vadd.f32 v16, v1  }
0x240: {  	[tilespmem:v0+s19+$0x570 ss:$0x1] =	vst.idx.msk $0xffff, v14;
	v59 =	vld.idx.msk [tilespmem:v0+s21+$0x570 ss:$0x1], $0xffff;
	v5 =	vmul.f32 v12, v5;
	v7 =	vadd.f32 v7, v8  }
0x241: {  	v3 =	vmul.f32 v17, v3;
	v60 =	vadd.f32 v6, v15;
	[tilespmem:v0+s21+$0x270 ss:$0x1] =	vst.idx.msk $0xffff, v1  }
0x242: {  	v4 =	vmul.f32 v10, v4;
	v5 =	vadd.f32 v5, v18;
	[tilespmem:v0+s21+$0x2F0 ss:$0x1] =	vst.idx.msk $0xffff, v7  }
0x243: {  	p0 =	slt.u32 s11, $0x7D;
	v2 =	vmul.f32 v9, v2;
	v61 =	vadd.f32 v3, v57;
	[tilespmem:v0+s21+$0x370 ss:$0x1] =	vst.idx.msk $0xffff, v60  }
.Ltmp2:
0x244: {  	v62 =	vadd.f32 v4, v58;
	[tilespmem:v0+s21+$0x3F0 ss:$0x1] =	vst.idx.msk $0xffff, v5;
	(pc) =	sbr.rel @p0 .LBB2_2-.Ltmp2, $4  }
0x245: {  	v63 =	vadd.f32 v2, v59;
	[tilespmem:v0+s21+$0x470 ss:$0x1] =	vst.idx.msk $0xffff, v61  }
0x246: {  	[tilespmem:v0+s21+$0x4F0 ss:$0x1] =	vst.idx.msk $0xffff, v62  }
0x247: {  	s13 =	sadd.s32 $0x200, s13;
	s29 =	sshll.u32 s29, $0x7;
	s19 =	smov.u32 s11;
	[tilespmem:v0+s21+$0x570 ss:$0x1] =	vst.idx.msk $0xffff, v63  }
0x248: {  	[spmem:s2] =	stream.indirect.scatter.add.f32 [tilespmem:s13], [sflag:$0x6], $0x80, s29, s17, $0xb8;
	[tilespmem:$0x1EC00] =	vst v63  }
0x249: {  	s11 =	simm.s32 $0x6  }
0x24a: {  	_ =	swait.ge [sflag:s11], $0x2800  }
0x24b: {  	[sflag:s11] =	ssyncset.done $0x0  }
0x24c: {  	[sflag:s11] =	ssyncadd.s32 $0xFFFFD800  }
0x24d: {  	[bflag:$0x0] =	sbarrier.arrive $0xFFFF  }
0x24e: {  	s21 =	rddreg [dreg:$0xe]  }
0x24f: {  	[hbm:s21], [sflag:s12] =	dma.local [spmem:s20], $0x2800  }
0x250: {  	_ =	swait.ge [sflag:s30], $0x2800  }
0x251: {  	[sflag:s30] =	ssyncset.done $0x0  }
0x252: {  	[sflag:s30] =	ssyncadd.s32 $0xFFFFD800  }
0x253: {  	[bflag:$0x0] =	sbarrier.arrive $0xFFFF  }
0x254: {  	[spmem:s20], [sflag:s12] =	dma.local [hbm:s1], $0x400  }
0x255: {  	_ =	swait.ge [sflag:s30], $0x400  }
0x256: {  	[sflag:s30] =	ssyncset.done $0x0  }
0x257: {  	s22 =	rddreg [dreg:$0x14];
	[sflag:s30] =	ssyncadd.s32 $0xFFFFFC00  }
0x258: {  	[spmem:s22], [sflag:s12] =	dma.local [hbm:s1], $0x400  }
0x259: {  	_ =	swait.ge [sflag:s30], $0x400  }
0x25a: {  	[sflag:s30] =	ssyncset.done $0x0  }
0x25b: {  	s23 =	rddreg [dreg:$0x15];
	[sflag:s30] =	ssyncadd.s32 $0xFFFFFC00  }
0x25c: {  	[spmem:s23], [sflag:s12] =	dma.local [hbm:s1], $0x400  }
0x25d: {  	_ =	swait.ge [sflag:s30], $0x400  }
0x25e: {  	[sflag:s30] =	ssyncset.done $0x0  }
0x25f: {  	s24 =	rddreg [dreg:$0x16];
	[sflag:s30] =	ssyncadd.s32 $0xFFFFFC00  }
0x260: {  	[spmem:s24], [sflag:s12] =	dma.local [hbm:s1], $0x400  }
0x261: {  	_ =	swait.ge [sflag:s30], $0x400  }
0x262: {  	[sflag:s30] =	ssyncset.done $0x0  }
0x263: {  	s25 =	rddreg [dreg:$0x17];
	[sflag:s30] =	ssyncadd.s32 $0xFFFFFC00  }
0x264: {  	[spmem:s25], [sflag:s12] =	dma.local [hbm:s1], $0x400  }
0x265: {  	_ =	swait.ge [sflag:s30], $0x400  }
0x266: {  	[sflag:s30] =	ssyncset.done $0x0  }
0x267: {  	s13 =	rddreg [dreg:$0x18];
	[sflag:s30] =	ssyncadd.s32 $0xFFFFFC00  }
0x268: {  	[spmem:s13], [sflag:s12] =	dma.local [hbm:s1], $0x400  }
0x269: {  	_ =	swait.ge [sflag:s30], $0x400  }
0x26a: {  	[sflag:s30] =	ssyncset.done $0x0  }
0x26b: {  	s19 =	rddreg [dreg:$0x19];
	[sflag:s30] =	ssyncadd.s32 $0xFFFFFC00  }
0x26c: {  	[spmem:s19], [sflag:s12] =	dma.local [hbm:s1], $0x400  }
0x26d: {  	_ =	swait.ge [sflag:s30], $0x400  }
0x26e: {  	[sflag:s30] =	ssyncset.done $0x0  }
0x26f: {  	s21 =	rddreg [dreg:$0x1a];
	[sflag:s30] =	ssyncadd.s32 $0xFFFFFC00  }
0x270: {  	[spmem:s21], [sflag:s12] =	dma.local [hbm:s1], $0x400  }
0x271: {  	_ =	swait.ge [sflag:s30], $0x400  }
0x272: {  	[sflag:s30] =	ssyncset.done $0x0  }
0x273: {  	s22 =	rddreg [dreg:$0x1b];
	[sflag:s30] =	ssyncadd.s32 $0xFFFFFC00  }
0x274: {  	[spmem:s22], [sflag:s12] =	dma.local [hbm:s1], $0x400  }
0x275: {  	_ =	swait.ge [sflag:s30], $0x400  }
0x276: {  	[sflag:s30] =	ssyncset.done $0x0  }
0x277: {  	s23 =	rddreg [dreg:$0x1c];
	[sflag:s30] =	ssyncadd.s32 $0xFFFFFC00  }
0x278: {  	[spmem:s23], [sflag:s12] =	dma.local [hbm:s1], $0x400  }
0x279: {  	_ =	swait.ge [sflag:s30], $0x400  }
0x27a: {  	[sflag:s30] =	ssyncset.done $0x0  }
0x27b: {  	[sflag:s30] =	ssyncadd.s32 $0xFFFFFC00  }
0x27c: {  	[bflag:$0x0] =	sbarrier.arrive $0xFFFF  }
0x27d: {  	s21 =	simm.s32 $0x0;
	s25 =	rddreg [dreg:$0x5]  }
0x27e: {  	[tilespmem:s21], [sflag:$0x1] =	stream.linear.gather [hbm4b:s25+s21], $0x50, $0x38;
	[tilespmem:$0x1EC00] =	vst v63  }
0x27f: {  	s29 =	simm.s32 $0xA200;
	s13 =	rddreg [dreg:$0x1d]  }
0x280: {  	[tilespmem:s29], [sflag:$0x4] =	stream.linear.gather [hbm4b:s16+s21], $0x80, $0x38;
	[tilespmem:$0x1EC00] =	vst v63  }
0x281: {  	s24 =	simm.s32 $0xA300;
	s22 =	rddreg [dreg:$0x1e]  }
0x282: {  	[tilespmem:s24], [sflag:$0x4] =	stream.linear.gather [hbm4b:s13+s21], $0x80, $0x38;
	[tilespmem:$0x1EC00] =	vst v63  }
0x283: {  	s19 =	simm.s32 $0xA400;
	s24 =	rddreg [dreg:$0x1f]  }
0x284: {  	[tilespmem:s19], [sflag:$0x4] =	stream.linear.gather [hbm4b:s22+s21], $0x80, $0x38;
	[tilespmem:$0x1EC00] =	vst v63  }
0x285: {  	s23 =	simm.s32 $0xA500;
	s22 =	sld [smem:$0x7FA]  }
0x286: {  	[tilespmem:s23], [sflag:$0x4] =	stream.linear.gather [hbm4b:s24+s21], $0x80, $0x38;
	[tilespmem:$0x1EC00] =	vst v63  }
0x287: {  	s19 =	simm.s32 $0xA600;
	s24 =	sld [smem:$0x7FB]  }
0x288: {  	[tilespmem:s19], [sflag:$0x4] =	stream.linear.gather [hbm4b:s22+s21], $0x80, $0x38;
	[tilespmem:$0x1EC00] =	vst v63  }
0x289: {  	s23 =	simm.s32 $0xA700;
	s19 =	sld [smem:$0x7FC]  }
0x28a: {  	[tilespmem:s23], [sflag:$0x4] =	stream.linear.gather [hbm4b:s24+s21], $0x80, $0x38;
	[tilespmem:$0x1EC00] =	vst v63  }
0x28b: {  	s13 =	simm.s32 $0xA800;
	s23 =	sld [smem:$0x7FD]  }
0x28c: {  	[tilespmem:s13], [sflag:$0x4] =	stream.linear.gather [hbm4b:s19+s21], $0x80, $0x38;
	[tilespmem:$0x1EC00] =	vst v63  }
0x28d: {  	s22 =	simm.s32 $0xA900  }
0x28e: {  	[tilespmem:s22], [sflag:$0x4] =	stream.linear.gather [hbm4b:s23+s21], $0x80, $0x38;
	[tilespmem:$0x1EC00] =	vst v63  }
0x28f: {  	s24 =	simm.s32 $0xAA00  }
0x290: {  	[tilespmem:s24], [sflag:$0x4] =	stream.linear.gather [hbm4b:s26+s21], $0x80, $0x38;
	[tilespmem:$0x1EC00] =	vst v63  }
0x291: {  	s26 =	simm.s32 $0xAB00  }
0x292: {  	[tilespmem:s26], [sflag:$0x4] =	stream.linear.gather [hbm4b:s28+s21], $0x80, $0x38;
	[tilespmem:$0x1EC00] =	vst v63  }
.LBB2_8:
0x293: {  	p0 =	seq.s32 s21, $0x0  }
0x294: {  	p1 =	seq.s32 @!p0 s21, $0x7C  }
0x295: {  	_ =	swait.ge [sflag:s14], $0x50;
	p1 =	por p0, !p1  }
.Ltmp3:
0x296: {  	[sflag:s14] =	ssyncset.done $0x0;
	(pc) =	sbr.rel @!p1 .LBB2_10-.Ltmp3, $4  }
0x297: {  	s11 =	simm.s32 @!p0 $0x6;
	[sflag:s14] =	ssyncadd.s32 $0xFFFFFFB0  }
0x298: {  	_ =	swait.ge @!p0 [sflag:s11], $0x2800  }
0x299: {  	s19 =	sand.u32 $0x1, s21;
	[sflag:s11] =	ssyncset.done @!p0 $0x0  }
0x29a: {  	s13 =	sshll.u32 s19, $0x9;
	[sflag:s11] =	ssyncadd.s32 @!p0 $0xFFFFD800;
	s11 =	simm.s32 @!p0 $0x7D  }
0x29b: {  	s11 =	sadd.s32 @!p0 $0x1, s21  }
0x29c: {  	s11 =	simm.s32 @p0 $0x1  }
0x29d: {  	s24 =	smul.u32 $0x50, s11;
	_ =	sdelay $0x1  }
0x29e: {  	s21 =	sadd.s32 s10, s24  }
0x29f: {  	s22 =	sxor.u32 $0x200, s13;
	s23 =	sshrl.u32 s21, $0x3;
	s21 =	sshll.u32 s21, $0x1  }
0x2a0: {  	s22 =	sshrl.u32 s22, $0x2;
	s23 =	sadd.s32 s7, s23;
	s21 =	sand.u32 $0x1FFFFFE0, s21  }
0x2a1: {  	[tilespmem:s22], [sflag:$0x1] =	stream.linear.gather [hbm4b:s23+s3], $0x50, $0x38;
	[tilespmem:$0x1EC00] =	vst v63  }
0x2a2: {  	s26 =	sor.u32 $0xA200, s22;
	s21 =	sadd.s32 s5, s21  }
0x2a3: {  	[tilespmem:s26], [sflag:$0x4] =	stream.linear.gather [hbm4b:s21+s3], $0x80, $0x38;
	[tilespmem:$0x1EC00] =	vst v63  }
0x2a4: {  	s24 =	sor.u32 $0xA300, s22;
	s28 =	sadd.s32 $0x10, s21  }
0x2a5: {  	[tilespmem:s24], [sflag:$0x4] =	stream.linear.gather [hbm4b:s28+s3], $0x80, $0x38;
	[tilespmem:$0x1EC00] =	vst v63  }
0x2a6: {  	s26 =	sadd.s32 $0x20, s21;
	s28 =	sor.u32 $0xA400, s22  }
0x2a7: {  	[tilespmem:s28], [sflag:$0x4] =	stream.linear.gather [hbm4b:s26+s3], $0x80, $0x38;
	[tilespmem:$0x1EC00] =	vst v63  }
0x2a8: {  	s26 =	sadd.s32 $0x30, s21;
	s28 =	sor.u32 $0xA500, s22  }
0x2a9: {  	[tilespmem:s28], [sflag:$0x4] =	stream.linear.gather [hbm4b:s26+s3], $0x80, $0x38;
	[tilespmem:$0x1EC00] =	vst v63  }
0x2aa: {  	s26 =	sadd.s32 $0x40, s21;
	s28 =	sor.u32 $0xA600, s22  }
0x2ab: {  	[tilespmem:s28], [sflag:$0x4] =	stream.linear.gather [hbm4b:s26+s3], $0x80, $0x38;
	[tilespmem:$0x1EC00] =	vst v63  }
0x2ac: {  	s26 =	sadd.s32 $0x50, s21;
	s28 =	sor.u32 $0xA700, s22  }
0x2ad: {  	[tilespmem:s28], [sflag:$0x4] =	stream.linear.gather [hbm4b:s26+s3], $0x80, $0x38;
	[tilespmem:$0x1EC00] =	vst v63  }
0x2ae: {  	s26 =	sadd.s32 $0x60, s21;
	s28 =	sor.u32 $0xA800, s22  }
0x2af: {  	[tilespmem:s28], [sflag:$0x4] =	stream.linear.gather [hbm4b:s26+s3], $0x80, $0x38;
	[tilespmem:$0x1EC00] =	vst v63  }
0x2b0: {  	s26 =	sadd.s32 $0x70, s21;
	s28 =	sor.u32 $0xA900, s22  }
0x2b1: {  	[tilespmem:s28], [sflag:$0x4] =	stream.linear.gather [hbm4b:s26+s3], $0x80, $0x38;
	[tilespmem:$0x1EC00] =	vst v63  }
0x2b2: {  	s26 =	sadd.s32 $0x80, s21;
	s28 =	sor.u32 $0xAA00, s22  }
0x2b3: {  	[tilespmem:s28], [sflag:$0x4] =	stream.linear.gather [hbm4b:s26+s3], $0x80, $0x38;
	[tilespmem:$0x1EC00] =	vst v63  }
0x2b4: {  	s21 =	sadd.s32 $0x90, s21;
	s22 =	sor.u32 $0xAB00, s22  }
0x2b5: {  	[tilespmem:s22], [sflag:$0x4] =	stream.linear.gather [hbm4b:s21+s3], $0x80, $0x38;
	[tilespmem:$0x1EC00] =	vst v63  }
.LBB2_10:
0x2b6: {  	_ =	swait.ge [sflag:s18], $0x500  }
0x2b7: {  	s21 =	sshll.u32 s19, $0x7;
	[sflag:s18] =	ssyncset.done $0x0  }
0x2b8: {  	s23 =	sor.u32 $0xA240, s21;
	[sflag:s18] =	ssyncadd.s32 $0xFFFFFB00  }
0x2b9: {  	v3 =	vld [tilespmem:s23+$0x30]  }
0x2ba: {  	s26 =	smul.u32 $0xA000, s19;
	v4 =	vld [tilespmem:s23+$0xFFFFFFD0]  }
0x2bb: {  	v5 =	vld [tilespmem:s23+$0xFFFFFFE0]  }
0x2bc: {  	s28 =	sshrl.u32 s26, $0x2;
	v0 =	vld [tilespmem:s23+$0xFFFFFFF0]  }
0x2bd: {  	s19 =	sor.u32 $0x400, s28;
	v1 =	vld [tilespmem:s23+$0x0]  }
0x2be: {  	v2 =	vld [tilespmem:s23+$0x10];
	[tilespmem:s19+$0x180] =	vst v3  }
0x2bf: {  	s13 =	sshrl.u32 s13, $0x2;
	[tilespmem:s19+$0xFFFFFE80] =	vst v4;
	v3 =	vld [tilespmem:s23+$0x20]  }
0x2c0: {  	s22 =	simm.s32 $0x0;
	s21 =	sor.u32 $0x200, s28;
	v4 =	vld [tilespmem:s23+$0xFFFFFFC0];
	[tilespmem:s19+$0xFFFFFF00] =	vst v5;
	s23 =	sadd.s32 $0x100, s23  }
.LBB2_11:
0x2c1: {  	v5 =	vld [tilespmem:s23+$0x30];
	s22 =	sadd.s32 $0x8, s22;
	[tilespmem:s19+$0xFFFFFF80] =	vst v0  }
0x2c2: {  	v6 =	vld [tilespmem:s23+$0xFFFFFFD0];
	p0 =	slt.u32 s22, $0x48;
	[tilespmem:s19+$0x0] =	vst v1  }
0x2c3: {  	v7 =	vld [tilespmem:s23+$0xFFFFFFE0];
	[tilespmem:s19+$0x80] =	vst v2  }
.Ltmp4:
0x2c4: {  	v0 =	vld [tilespmem:s23+$0xFFFFFFF0];
	[tilespmem:s19+$0x100] =	vst v3;
	(pc) =	sbr.rel @p0 .LBB2_11-.Ltmp4, $4  }
0x2c5: {  	v1 =	vld [tilespmem:s23+$0x0];
	[tilespmem:s19+$0xFFFFFE00] =	vst v4;
	s19 =	sadd.s32 $0x400, s19  }
0x2c6: {  	v2 =	vld [tilespmem:s23+$0x10];
	[tilespmem:s19+$0x180] =	vst v5  }
0x2c7: {  	[tilespmem:s19+$0xFFFFFE80] =	vst v6;
	v3 =	vld [tilespmem:s23+$0x20]  }
0x2c8: {  	v4 =	vld [tilespmem:s23+$0xFFFFFFC0];
	[tilespmem:s19+$0xFFFFFF00] =	vst v7;
	s23 =	sadd.s32 $0x100, s23  }
0x2c9: {  	[tilespmem:s19+$0xFFFFFF80] =	vst v0  }
0x2ca: {  	p0 =	slt.u32 s11, $0x7D;
	[tilespmem:s19+$0x0] =	vst v1  }
.Ltmp5:
0x2cb: {  	[tilespmem:s19+$0x80] =	vst v2;
	(pc) =	sbr.rel @p0 .LBB2_8-.Ltmp5, $4  }
0x2cc: {  	[tilespmem:s19+$0x100] =	vst v3  }
0x2cd: {  	[tilespmem:s19+$0xFFFFFE00] =	vst v4  }
0x2ce: {  	[spmem:s2] =	stream.indirect.scatter.add.f32 [tilespmem:s21], [sflag:$0x6], $0x80, s13, s17, $0xb8;
	[tilespmem:$0x1EC00] =	vst v63  }
0x2cf: {  	s21 =	smov.u32 s11  }
0x2d0: {  	s11 =	simm.s32 $0x6  }
0x2d1: {  	_ =	swait.ge [sflag:s11], $0x2800  }
0x2d2: {  	[sflag:s11] =	ssyncset.done $0x0  }
0x2d3: {  	[sflag:s11] =	ssyncadd.s32 $0xFFFFD800  }
0x2d4: {  	[bflag:$0x0] =	sbarrier.arrive $0xFFFF  }
0x2d5: {  	s26 =	rddreg [dreg:$0xf]  }
0x2d6: {  	[hbm:s26], [sflag:s12] =	dma.local [spmem:s20], $0x2800  }
0x2d7: {  	_ =	swait.ge [sflag:s30], $0x2800  }
0x2d8: {  	s0 =	sadd.s32 $0x1, s0;
	s28 =	rddreg [dreg:$0x8]  }
0x2d9: {  	p0 =	sne.s32 s0, s28  }
.Ltmp6:
0x2da: {  	_ = 	snop;
	(pc) =	sbr.rel @p0 .LBB2_1-.Ltmp6, $3  }
0x2db: {  	_ =	sdelay $0x1  }
0x2dc: {  	[sflag:s30] =	ssyncset.done $0x0  }
0x2dd: {  	[sflag:s30] =	ssyncadd.s32 $0xFFFFD800  }
0x2de: {  	_ =	sfence.sel $0x180000  }
0x2df: {  	[bflag:$0x0] =	sbarrier.arrive $0xFFFF  }
0x2e0: {  	_ =	strace $0x9000004A  }
0x2e1: {  	s0 =	stileid.u32;
	[bflag:$0x2] =	sbarrier.arrive $0xFFFF  }
0x2e2: {  	p0 =	sne.s32 s0, $0x0;
	s0 =	rddreg [dreg:$0x3]  }
0x2e3: {  	s0 =	sadd.s32 @!p0 $0x100000, s0  }
0x2e4: {  	[sflag:s0] =	ssyncadd.tile.s32 @!p0 $0x1;
	_ =	shalt  }
.Lfunc_end2:
_tile_overlayer_lowered:
.L_overlay_start_2:
0x2e5: {  	(tag) =	ssettag $0x2  }
0x2e6: {  	s0 =	rddreg [dreg:$0x0];
	s2 =	stileid.u32  }
0x2e7: {  	s1 =	rddreg [dreg:$0x1];
	p0 =	sne.s32 s2, $0x0  }
0x2e8: {  	s3 =	rddreg [dreg:$0x2];
	[bflag:$0x3] =	sbarrier.arrive $0xFFFF;
	s2 =	simm.s32 @!p0 $0x1C07  }
0x2e9: {  	[timem:s3], [sflag:s2] =	dma.local @!p0 [hbm:s0], s1  }
0x2ea: {  	s0 =	simm.s32 @!p0 $0x7  }
0x2eb: {  	_ =	swait.ge @!p0 [sflag:s0], s1  }
0x2ec: {  	s1 =	ssub.s32 @!p0 $0x0, s1;
	[sflag:s0] =	ssyncset.done @!p0 $0x0  }
0x2ed: {  	[sflag:s0] =	ssyncadd.s32 @!p0 s1  }
0x2ee: {  	[bflag:$0x3] =	sbarrier.arrive $0xFFFF  }
0x2ef: {  	_ =	shalt  }

// kernel: kernel.7.cloned.1.call-start
scs
__scs_entry_jumppad:
0x0: {  	(pc) =	sbr.rel $0x88, $3  }
0x1: {  	(tag) =	ssettag $0x0;
	lr =	simm.s32 $0x1  }
0x2: {  	[smem:$0x3F98] =	sst lr;
	_ =	strace $0xD0000000  }
0x3: {  	_ = 	snop  }
0x4: {  	_ = 	snop  }
0x5: {  	_ = 	snop  }
0x6: {  	_ = 	snop  }
0x7: {  	_ = 	snop  }
__scs_overlays_trampoline_lowered:
0x8: {  	[smem:$0x3FA7] =	sst s0  }
0x9: {  	[smem:$0x3FA8] =	sst s1  }
0xa: {  	[smem:$0x3FA9] =	sst s2  }
0xb: {  	[smem:$0x3FAA] =	sst s3  }
0xc: {  	[smem:$0x3FAB] =	sst s4  }
0xd: {  	[smem:$0x3FAC] =	sst s5  }
0xe: {  	[smem:$0x3FAD] =	sst s6  }
0xf: {  	[smem:$0x3FAE] =	sst s7  }
0x10: {  	[smem:$0x3FAF] =	sst s8  }
0x11: {  	[smem:$0x3FB0] =	sst s9;
	s0 =	simm.s32 @!p0 $0x0  }
0x12: {  	s1 =	sld [smem:$0x3F96];
	s0 =	simm.s32 @p0 $0x1  }
0x13: {  	[smem:$0x3FB1] =	sst s0;
	s0 =	simm.s32 @!p1 $0x0  }
0x14: {  	s2 =	sld [smem:$0x3F95];
	s0 =	simm.s32 @p1 $0x1  }
0x15: {  	[smem:$0x3FB2] =	sst s0;
	s0 =	simm.s32 @!p2 $0x0  }
0x16: {  	s3 =	sld [smem:$0x3FDB];
	s0 =	simm.s32 @p2 $0x1  }
0x17: {  	s4 =	simm.s32 $0x1BF5;
	[smem:$0x3FB4] =	sst s0  }
0x18: {  	s0 =	sld [smem:$0x3F97];
	_ =	swait.ge [sflag:s4], $0x0  }
0x19: {  	s7 =	sld [smem:$0x3F98]  }
0x1a: {  	s8 =	sadd.s32 $0xFFFFE003, lr  }
0x1b: {  	s9 =	sadd.s32 $0xFFFFFEF7, lr;
	s5 =	simm.s32 $0xFFFFFFFF;
	p2 =	slt.u32 s8, $0xFFFFF086  }
0x1c: {  	p1 =	slt.u32 s9, $0xF7A;
	s5 =	simm.s32 @!p2 $0x0  }
0x1d: {  	s5 =	simm.s32 @p1 $0x1;
	p0 =	seq.s32 s7, s2  }
0x1e: {  	s7 =	smul.u32 @!p0 $0xF7A, s2;
	p2 =	seq.s32 @!p0 s5, $0x0  }
0x1f: {  	s9 =	smul.u32 $0xF7A, s1;
	s8 =	simm.s32 @!p0 $0x1BF5;
	p2 =	por !p2, p0  }
0x20: {  	[sflag:s8] =	ssyncset.s32 @!p0 $0xFFFFF086;
	s6 =	sadd.s32 @!p0 s3, s7;
	s7 =	simm.s32 @!p0 $0x108  }
0x21: {  	s3 =	sadd.s32 s3, s9;
	s6 =	sadd.s32 @!p0 $0x88, s6;
	s7 =	simm.s32 @p2 $0x1082  }
0x22: {  	[simem:s7], [sflag:s8] =	dma.local @!p0 [hbm:s6], $0xF7A  }
0x23: {  	s9 =	sor.u32 $0xD0000000, s2;
	s6 =	simm.s32 $0x108;
	_ =	swait.ge @!p0 [sflag:s8], $0x0  }
0x24: {  	s3 =	sadd.s32 $0x88, s3;
	s6 =	simm.s32 @!p1 $0x1082;
	[sflag:s4] =	ssyncset.s32 $0xFFFFF086  }
0x25: {  	[simem:s6], [sflag:s4] =	dma.local [hbm:s3], $0xF7A  }
0x26: {  	[smem:$0x3F98] =	sst s1;
	(tag) =	ssettag s2;
	_ =	strace s9  }
0x27: {  	s1 =	sld [smem:$0x3FA8]  }
0x28: {  	s2 =	sld [smem:$0x3FA9]  }
0x29: {  	s4 =	sld [smem:$0x3FAB]  }
0x2a: {  	p0 =	seq.s32 s5, $0x0;
	s5 =	sld [smem:$0x3FAC]  }
0x2b: {  	s6 =	sld [smem:$0x3FAD]  }
0x2c: {  	s7 =	sld [smem:$0x3FAE]  }
0x2d: {  	s3 =	simm.s32 $0x108;
	s8 =	sld [smem:$0x3FAF]  }
0x2e: {  	s3 =	simm.s32 @!p0 $0x1082;
	s9 =	sld [smem:$0x3FB0]  }
0x2f: {  	lr =	sadd.s32 s0, s3;
	s0 =	sld [smem:$0x3FA7]  }
0x30: {  	s3 =	sld [smem:$0x3FAA]  }
0x31: {  	[smem:$0x3FB3] =	sst s10  }
0x32: {  	s10 =	sld [smem:$0x3FB1];
	_ =	sdelay $0x3  }
0x33: {  	p0 =	seq.s32 s10, $0x1;
	s10 =	sld [smem:$0x3FB3];
	_ =	sdelay $0x3  }
0x34: {  	[smem:$0x3FB3] =	sst s10  }
0x35: {  	s10 =	sld [smem:$0x3FB2];
	_ =	sdelay $0x3  }
0x36: {  	p1 =	seq.s32 s10, $0x1;
	s10 =	sld [smem:$0x3FB3];
	_ =	sdelay $0x3  }
0x37: {  	[smem:$0x3FB3] =	sst s10  }
0x38: {  	s10 =	sld [smem:$0x3FB4]  }
0x39: {  	_ = 	snop;
	(pc) =	sbr.ind lr, $3  }
0x3a: {  	_ = 	snop  }
0x3b: {  	_ = 	snop  }
0x3c: {  	p2 =	seq.s32 s10, $0x1;
	s10 =	sld [smem:$0x3FB3]  }
0x3d: {  	_ =	shalt  }
0x3e: {  	_ =	shalt  }
0x3f: {  	_ =	shalt  }
0x40: {  	_ =	shalt  }
0x41: {  	_ =	shalt  }
0x42: {  	_ =	shalt  }
0x43: {  	_ =	shalt  }
0x44: {  	_ =	shalt  }
0x45: {  	_ =	shalt  }
0x46: {  	_ =	shalt  }
0x47: {  	_ =	shalt  }
0x48: {  	_ =	shalt  }
0x49: {  	_ =	shalt  }
0x4a: {  	_ =	shalt  }
0x4b: {  	_ =	shalt  }
0x4c: {  	_ =	shalt  }
0x4d: {  	_ =	shalt  }
0x4e: {  	_ =	shalt  }
0x4f: {  	_ =	shalt  }
0x50: {  	_ =	shalt  }
0x51: {  	_ =	shalt  }
0x52: {  	_ =	shalt  }
0x53: {  	_ =	shalt  }
0x54: {  	_ =	shalt  }
0x55: {  	_ =	shalt  }
0x56: {  	_ =	shalt  }
0x57: {  	_ =	shalt  }
0x58: {  	_ =	shalt  }
0x59: {  	_ =	shalt  }
0x5a: {  	_ =	shalt  }
0x5b: {  	_ =	shalt  }
0x5c: {  	_ =	shalt  }
0x5d: {  	_ =	shalt  }
0x5e: {  	_ =	shalt  }
0x5f: {  	_ =	shalt  }
0x60: {  	_ =	shalt  }
0x61: {  	_ =	shalt  }
0x62: {  	_ =	shalt  }
0x63: {  	_ =	shalt  }
0x64: {  	_ =	shalt  }
0x65: {  	_ =	shalt  }
0x66: {  	_ =	shalt  }
0x67: {  	_ =	shalt  }
0x68: {  	_ =	shalt  }
0x69: {  	_ =	shalt  }
0x6a: {  	_ =	shalt  }
0x6b: {  	_ =	shalt  }
0x6c: {  	_ =	shalt  }
0x6d: {  	_ =	shalt  }
0x6e: {  	_ =	shalt  }
0x6f: {  	_ =	shalt  }
0x70: {  	_ =	shalt  }
0x71: {  	_ =	shalt  }
0x72: {  	_ =	shalt  }
0x73: {  	_ =	shalt  }
0x74: {  	_ =	shalt  }
0x75: {  	_ =	shalt  }
0x76: {  	_ =	shalt  }
0x77: {  	_ =	shalt  }
0x78: {  	_ =	shalt  }
0x79: {  	_ =	shalt  }
0x7a: {  	_ =	shalt  }
0x7b: {  	_ =	shalt  }
0x7c: {  	_ =	shalt  }
0x7d: {  	_ =	shalt  }
0x7e: {  	_ =	shalt  }
0x7f: {  	_ =	shalt  }
0x80: {  	_ =	shalt  }
0x81: {  	_ =	shalt  }
0x82: {  	_ =	shalt  }
0x83: {  	_ =	shalt  }
0x84: {  	_ =	shalt  }
0x85: {  	_ =	shalt  }
0x86: {  	_ =	shalt  }
0x87: {  	_ =	shalt  }
.Lfunc_end0:
.L_simem_size_0:
called_computation_lowered:
.L_overlay_start_0:
0x88: {  	s2 =	sld [smem:$0x3FD9]  }
0x89: {  	s3 =	sld [smem:$0x3FFE];
	_ =	sdelay $0x1  }
0x8a: {  	s1 =	srdreg.scid  }
0x8b: {  	s0 =	sand.u32 $0x1, s1  }
0x8c: {  	s17 =	sshll.u32 s0, $0xA;
	s2 =	sadd.s32 s3, s2  }
0x8d: {  	s2 =	sadd.s32 s2, s17  }
0x8e: {  	[smem:$0x3FBF] =	sst s2  }
0x8f: {  	_ = 	snop  }
0x90: {  	s2 =	sld [smem:$0x3FD0];
	(tm) =	ssettm $0x1  }
0x91: {  	s18 =	sld [smem:$0x3FFB];
	_ =	sdelay $0x3  }
0x92: {  	_ =	strace s18  }
0x93: {  	s3 =	sld [smem:$0x3FFC];
	_ =	sdelay $0x3  }
0x94: {  	_ =	strace s3  }
0x95: {  	s3 =	sld [smem:$0x3FFD];
	_ =	sdelay $0x3  }
0x96: {  	_ =	strace s3  }
0x97: {  	_ =	strace $0x8FFFFFFF  }
0x98: {  	s19 =	sld [smem:$0x3FDB];
	_ =	sdelay $0x1  }
0x99: {  	s4 =	simm.s32 $_scs_section_size  }
0x9a: {  	s5 =	simm.s32 $_size__tile_overlayer_lowered;
	s6 =	simm.s32 $_tile_overlayer_lowered  }
0x9b: {  	s22 =	simm.s32 $0x1BFF;
	s21 =	sshll.u32 s6, $0x1;
	s3 =	sadd.s32 s4, s19  }
0x9c: {  	s7 =	simm.s32 $0x0;
	s20 =	sshll.u32 s5, $0x1;
	s5 =	sadd.s32 s21, s3  }
0x9d: {  	[timem:s7], [sflag:s22] =	dma.local [hbm:s5], s20  }
0x9e: {  	_ =	swait.ge [sflag:s22], s20  }
0x9f: {  	s4 =	ssub.s32 $0x0, s20;
	[sflag:s22] =	ssyncset.done $0x0  }
0xa0: {  	[sflag:s22] =	ssyncadd.s32 s4;
	_ =	sdelay $0x1  }
0xa1: {  	s23 =	simm.s32 $0x1B8B  }
0xa2: {  	_ =	swait.ge [sflag:s23], $0x1  }
0xa3: {  	[sflag:s23] =	ssyncset.done $0x0  }
0xa4: {  	s25 =	simm.s32 $0x1B8E;
	s24 =	sld [smem:$0x3FFE];
	[sflag:s23] =	ssyncadd.s32 $0xFFFFFFFF  }
0xa5: {  	s26 =	simm.s32 $execute0_lowered;
	[smem:$0x3FD2] =	sst s25  }
0xa6: {  	s5 =	sshll.u32 s26, $0x1;
	_ =	strace $0x80000046;
	[dreg:$0x1] =	wrdreg $0xFFFFFFFF  }
0xa7: {  	s28 =	simm.s32 $_size_execute0_lowered;
	s3 =	sadd.s32 s3, s5;
	[dreg:$0x0] =	wrdreg $0x0  }
0xa8: {  	s5 =	sshll.u32 s28, $0x1;
	[dreg:$0x2] =	wrdreg s3  }
0xa9: {  	[dreg:$0x3] =	wrdreg s5  }
0xaa: {  	[dreg:$0x4] =	wrdreg $0xC0  }
0xab: {  	_ =	task [dreg:s7], $0x5FFFF  }
0xac: {  	[dreg:$0x1] =	wrdreg $0xFFFFFFFF  }
0xad: {  	[dreg:$0x0] =	wrdreg $0x60  }
0xae: {  	[dreg:$0x2] =	wrdreg s2  }
0xaf: {  	[dreg:$0x3] =	wrdreg s24  }
0xb0: {  	[dreg:$0x4] =	wrdreg $0x9  }
0xb1: {  	_ =	task.clear_ibuf [dreg:s7], $0x5FFFF;
	_ =	strace $0x90000046  }
0xb2: {  	s29 =	simm.s32 $0x9;
	_ =	strace $0x80000048  }
0xb3: {  	_ =	swait.ge [sflag:s29], $0x1  }
0xb4: {  	[sflag:s29] =	ssyncadd.s32 $0xFFFFFFFF  }
0xb5: {  	_ =	strace $0x90000048  }
0xb6: {  	_ =	sfence  }
0xb7: {  	s30 =	sld [smem:$0x0];
	_ =	sdelay $0x2  }
0xb8: {  	s31 =	sshll.u32 s1, $0xD;
	s1 =	sshrl.u32 s1, $0x2  }
0xb9: {  	s3 =	sand.u32 $0x4000, s31;
	s1 =	sadd.s32 s1, s30  }
0xba: {  	s0 =	sor.u32 s3, s0;
	s1 =	sshll.u32 s1, $0x11  }
0xbb: {  	s0 =	sor.u32 s1, s0  }
0xbc: {  	s0 =	sadd.s32 $0x8F2B, s0  }
0xbd: {  	[sflag:s0] =	ssyncadd.remote.s32 $0x1  }
0xbe: {  	_ =	sfence.sel $0xFFFF  }
0xbf: {  	[dreg:$0x0] =	wrdreg $0xFFFFFFFF;
	(pc) =	sbr.abs _section_cstart, $3  }
0xc0: {  	[dreg:$0x1] =	wrdreg $0xFFFFFFFF  }
0xc1: {  	_ =	task.clear_ibuf [dreg:s7], $0x2FFFF;
	_ =	strace $0x9FFFFFFF  }
0xc2: {  	(tm) =	ssettm $0x7FFFFFFF  }
0xc3: {  	_ =	shalt  }
tec
execute0_lowered:
.L_overlay_start_1:
0x0: {  	(tag) =	ssettag $0x1  }
0x1: {  	s0 =	srdreg.scid;
	s2 =	rddreg [dreg:$0x0]  }
0x2: {  	s1 =	rddreg [dreg:$0x1];
	s5 =	stileid.u32  }
0x3: {  	s3 =	simm.s32 $0x0;
	s14 =	simm.s32 $0x100;
	s15 =	simm.s32 $0x1  }
0x4: {  	s16 =	simm.s32 $0x2;
	s17 =	simm.s32 $0x50;
	s18 =	simm.s32 $0x200  }
0x5: {  	s19 =	simm.s32 $0x5200;
	s20 =	simm.s32 $0x80;
	s21 =	simm.s32 $0x180  }
0x6: {  	s22 =	simm.s32 $0x3;
	s23 =	simm.s32 $0x4;
	s0 =	sand.u32 $0x1, s0  }
0x7: {  	s24 =	simm.s32 $0x5;
	s25 =	simm.s32 $0x0;
	s4 =	sshll.u32 s0, $0x4  }
0x8: {  	[smem:$0x7FF] =	sst s3;
	s0 =	ssub.s32 $0x2, s0;
	s4 =	sor.u32 s5, s4  }
0x9: {  	s6 =	sadd.s32 $0x2400, s1;
	s8 =	sshrl.u32 s0, $0x1;
	s4 =	smul.u32 $0x2710, s4  }
0xa: {  	s7 =	sadd.s32 $0x3D200, s1;
	_ =	strace $0x80000047;
	s0 =	ssub.s32 s0, s8  }
0xb: {  	s5 =	sadd.s32 $0xC200, s1;
	s13 =	smax.u32 s0, $0x1;
	s9 =	sshrl.u32 s4, $0x3  }
0xc: {  	s12 =	sadd.s32 $0xA0, s4;
	s31 =	sadd.s32 $0xA, s9;
	s8 =	sadd.s32 s5, s9  }
0xd: {  	s9 =	sadd.s32 s6, s9;
	s10 =	sadd.s32 s5, s31;
	s11 =	sadd.s32 s6, s31  }
.LBB2_1:
0xe: {  	[tilespmem:s3], [sflag:$0x1] =	stream.linear.gather [hbm4b:s8+s3], $0x50, $0x38;
	[tilespmem:$0xF200] =	vst v63  }
0xf: {  	_ = 	snop  }
0x10: {  	[tilespmem:s14], [sflag:$0x2] =	stream.linear.gather [hbm4b:s9+s3], $0x50, $0x38;
	[tilespmem:$0xF200] =	vst v63  }
0x11: {  	_ =	swait.ge [sflag:s15], $0x50  }
0x12: {  	[sflag:s15] =	ssyncset.done $0x0  }
0x13: {  	[sflag:s15] =	ssyncadd.s32 $0xFFFFFFB0  }
0x14: {  	_ =	swait.ge [sflag:s16], $0x50  }
0x15: {  	[sflag:s16] =	ssyncset.done $0x0  }
0x16: {  	[sflag:s16] =	ssyncadd.s32 $0xFFFFFFB0  }
0x17: {  	[tilespmem:s18], [sflag:$0x3] =	stream.indirect.gather [hbm4b:s2+s17], $0x80, s3, s17, $0xb8;
	[tilespmem:$0xF200] =	vst v63  }
0x18: {  	_ = 	snop  }
0x19: {  	[tilespmem:s19], [sflag:$0x4] =	stream.indirect.gather [hbm4b:s2+s17], $0x80, s14, s17, $0xb8;
	[tilespmem:$0xF200] =	vst v63  }
0x1a: {  	_ = 	snop  }
0x1b: {  	[tilespmem:s20], [sflag:$0x1] =	stream.linear.gather [hbm4b:s10+s3], $0x50, $0x38;
	[tilespmem:$0xF200] =	vst v63  }
0x1c: {  	p0 =	por $0x0, $0x0;
	s26 =	simm.s32 $0x0  }
0x1d: {  	[tilespmem:s21], [sflag:$0x2] =	stream.linear.gather [hbm4b:s11+s3], $0x50, $0x38;
	[tilespmem:$0xF200] =	vst v63  }
.LBB2_2:
0x1e: {  	p1 =	seq.s32 s26, $0x7C  }
0x1f: {  	s0 =	simm.s32 @!p1 $0x1  }
0x20: {  	_ =	swait.ge @!p1 [sflag:s0], $0x50  }
0x21: {  	s28 =	sand.u32 $0x1, s26;
	[sflag:s0] =	ssyncset.done @!p1 $0x0  }
0x22: {  	s1 =	sxor.u32 @!p1 $0x1, s28;
	[sflag:s0] =	ssyncadd.s32 @!p1 $0xFFFFFFB0;
	s0 =	simm.s32 @!p1 $0x2  }
0x23: {  	s29 =	smul.u32 @!p1 $0x2800, s1;
	_ =	swait.ge @!p1 [sflag:s0], $0x50  }
0x24: {  	s30 =	simm.s32 @!p1 $0x50;
	[sflag:s0] =	ssyncset.done @!p1 $0x0  }
0x25: {  	s1 =	sshll.u32 @!p1 s1, $0x7;
	[sflag:s0] =	ssyncadd.s32 @!p1 $0xFFFFFFB0;
	s0 =	sor.u32 @!p1 $0x200, s29  }
0x26: {  	[tilespmem:s0], [sflag:$0x3] =	stream.indirect.gather @!p1 [hbm4b:s2+s30], $0x80, s1, s30, $0xb8;
	[tilespmem:$0xF200] =	vst v63  }
0x27: {  	s0 =	sor.u32 @!p1 $0x100, s1;
	s1 =	sadd.s32 @!p1 $0x5200, s29  }
0x28: {  	[tilespmem:s1], [sflag:$0x4] =	stream.indirect.gather @!p1 [hbm4b:s2+s30], $0x80, s0, s30, $0xb8;
	[tilespmem:$0xF200] =	vst v63  }
0x29: {  	p1 =	sgt.u32 s26, $0x7A;
	_ =	swait.ge [sflag:s22], $0x2800  }
0x2a: {  	s0 =	smul.u32 @!p1 $0x50, s26;
	[sflag:s22] =	ssyncset.done $0x0  }
0x2b: {  	[sflag:s22] =	ssyncadd.s32 $0xFFFFD800  }
0x2c: {  	s0 =	sadd.s32 @!p1 s0, s12;
	_ =	swait.ge [sflag:s23], $0x2800  }
0x2d: {  	s1 =	sshll.u32 @!p1 s28, $0x7;
	s0 =	sshrl.u32 @!p1 s0, $0x3;
	[sflag:s23] =	ssyncset.done $0x0  }
0x2e: {  	s30 =	simm.s32 @!p1 $0x0;
	s29 =	sadd.s32 @!p1 s5, s0;
	[sflag:s23] =	ssyncadd.s32 $0xFFFFD800  }
0x2f: {  	[tilespmem:s1], [sflag:$0x1] =	stream.linear.gather @!p1 [hbm4b:s29+s30], $0x50, $0x38;
	[tilespmem:$0xF200] =	vst v63  }
0x30: {  	s0 =	sadd.s32 @!p1 s6, s0;
	s1 =	sor.u32 @!p1 $0x100, s1  }
0x31: {  	[tilespmem:s1], [sflag:$0x2] =	stream.linear.gather @!p1 [hbm4b:s0+s30], $0x50, $0x38;
	[tilespmem:$0xF200] =	vst v63  }
0x32: {  	s0 =	simm.s32 $0x1  }
0x33: {  	p2 =	seq.s32 @!p1 s26, $0x0;
	s0 =	simm.s32 @!p0 $0x0  }
0x34: {  	p1 =	por p1, !p2;
	s0 =	smul.u32 $0xA000, s0  }
0x35: {  	_ =	swait.ge @p1 [sflag:s24], $0x2800  }
0x36: {  	[sflag:s24] =	ssyncset.done @p1 $0x0;
	s0 =	sshrl.u32 s0, $0x2  }
0x37: {  	[sflag:s24] =	ssyncadd.s32 @p1 $0xFFFFD800;
	s1 =	sor.u32 $0x400, s0  }
0x38: {  	s30 =	sadd.s32 $0x5440, s0;
	v0 =	vld [tilespmem:s1+$0x180]  }
0x39: {  	v1 =	vld [tilespmem:s30+$0x180]  }
0x3a: {  	v2 =	vld [tilespmem:s30+$0xFFFFFE00]  }
0x3b: {  	v3 =	vld [tilespmem:s1+$0xFFFFFE80]  }
0x3c: {  	v4 =	vld [tilespmem:s30+$0xFFFFFE80]  }
0x3d: {  	v5 =	vld [tilespmem:s1+$0xFFFFFF00]  }
0x3e: {  	v6 =	vld [tilespmem:s30+$0xFFFFFF00]  }
0x3f: {  	v7 =	vld [tilespmem:s30+$0xFFFFFF80]  }
0x40: {  	v9 =	vld [tilespmem:s1+$0x0]  }
0x41: {  	v10 =	vld [tilespmem:s30+$0x0]  }
0x42: {  	v11 =	vld [tilespmem:s1+$0x80]  }
0x43: {  	v12 =	vld [tilespmem:s30+$0x80];
	v0 =	vadd.f32 v1, v0  }
0x44: {  	s29 =	sadd.s32 $0xA400, s0;
	v1 =	vld [tilespmem:s1+$0xFFFFFF80]  }
0x45: {  	v3 =	vadd.f32 v4, v3;
	v4 =	vld [tilespmem:s1+$0xFFFFFE00];
	[tilespmem:s29+$0x180] =	vst v0  }
0x46: {  	v0 =	vld [tilespmem:s1+$0x190]  }
0x47: {  	v8 =	vld [tilespmem:s30+$0x190]  }
0x48: {  	v13 =	vld [tilespmem:s1+$0x100];
	[tilespmem:s29+$0xFFFFFE80] =	vst v3;
	v3 =	vadd.f32 v6, v5  }
0x49: {  	v6 =	vld [tilespmem:s1+$0xFFFFFE90]  }
0x4a: {  	[tilespmem:s29+$0xFFFFFF00] =	vst v3;
	v3 =	vld [tilespmem:s30+$0xFFFFFE90];
	v1 =	vadd.f32 v7, v1  }
0x4b: {  	v2 =	vadd.f32 v2, v4;
	v4 =	vld [tilespmem:s1+$0xFFFFFF10]  }
0x4c: {  	[tilespmem:s29+$0xFFFFFF80] =	vst v1;
	v1 =	vld [tilespmem:s30+$0xFFFFFF10];
	v0 =	vadd.f32 v8, v0  }
0x4d: {  	[tilespmem:s29+$0xFFFFFE00] =	vst v2;
	v2 =	vld [tilespmem:s1+$0xFFFFFF90]  }
0x4e: {  	v55 =	vld [tilespmem:s30+$0xFFFFFF90];
	[tilespmem:s29+$0x190] =	vst v0  }
0x4f: {  	v3 =	vadd.f32 v3, v6;
	v0 =	vld [tilespmem:s1+$0x1A0]  }
0x50: {  	v5 =	vld [tilespmem:s30+$0x1A0]  }
0x51: {  	v8 =	vld [tilespmem:s30+$0x100];
	[tilespmem:s29+$0xFFFFFE90] =	vst v3;
	v1 =	vadd.f32 v1, v4  }
0x52: {  	v4 =	vld [tilespmem:s1+$0xFFFFFEA0]  }
0x53: {  	[tilespmem:s29+$0xFFFFFF10] =	vst v1;
	v1 =	vadd.f32 v55, v2;
	v2 =	vld [tilespmem:s30+$0xFFFFFEA0]  }
0x54: {  	v7 =	vld [tilespmem:s30+$0xFFFFFE10]  }
0x55: {  	v58 =	vld [tilespmem:s1+$0xFFFFFF20];
	v0 =	vadd.f32 v5, v0  }
0x56: {  	v5 =	vld [tilespmem:s1+$0xFFFFFE10];
	[tilespmem:s29+$0xFFFFFF90] =	vst v1  }
0x57: {  	v59 =	vld [tilespmem:s1+$0xFFFFFFA0];
	[tilespmem:s29+$0x1A0] =	vst v0;
	v0 =	vadd.f32 v10, v9  }
0x58: {  	v53 =	vld [tilespmem:s1+$0x1B0];
	v2 =	vadd.f32 v2, v4  }
0x59: {  	v54 =	vld [tilespmem:s30+$0x1B0];
	[tilespmem:s29+$0x0] =	vst v0;
	v0 =	vadd.f32 v12, v11  }
0x5a: {  	v56 =	vld [tilespmem:s1+$0x10];
	[tilespmem:s29+$0xFFFFFEA0] =	vst v2  }
0x5b: {  	[tilespmem:s29+$0x80] =	vst v0;
	v0 =	vadd.f32 v8, v13;
	v8 =	vld [tilespmem:s30+$0x10]  }
0x5c: {  	v61 =	vld [tilespmem:s1+$0xFFFFFEB0]  }
0x5d: {  	v57 =	vld [tilespmem:s1+$0x90]  }
0x5e: {  	[tilespmem:s29+$0x100] =	vst v0;
	v0 =	vadd.f32 v7, v5;
	v5 =	vld [tilespmem:s30+$0x90]  }
0x5f: {  	v7 =	vld [tilespmem:s1+$0x110]  }
0x60: {  	[tilespmem:s29+$0xFFFFFE10] =	vst v0;
	v0 =	vld [tilespmem:s30+$0x110]  }
0x61: {  	v6 =	vld [tilespmem:s1+$0xFFFFFE20]  }
0x62: {  	v3 =	vld [tilespmem:s30+$0xFFFFFE20];
	v1 =	vadd.f32 v8, v56  }
0x63: {  	v8 =	vld [tilespmem:s30+$0xFFFFFF20]  }
0x64: {  	[tilespmem:s29+$0x10] =	vst v1;
	v1 =	vadd.f32 v5, v57;
	v5 =	vld [tilespmem:s30+$0xFFFFFFA0]  }
0x65: {  	v60 =	vld [tilespmem:s1+$0x20]  }
0x66: {  	[tilespmem:s29+$0x90] =	vst v1;
	v0 =	vadd.f32 v0, v7;
	v1 =	vld [tilespmem:s30+$0x20]  }
0x67: {  	v7 =	vld [tilespmem:s1+$0xA0]  }
0x68: {  	v3 =	vadd.f32 v3, v6;
	[tilespmem:s29+$0x110] =	vst v0;
	v0 =	vld [tilespmem:s30+$0xA0]  }
0x69: {  	v2 =	vadd.f32 v8, v58;
	v6 =	vld [tilespmem:s1+$0x120]  }
0x6a: {  	[tilespmem:s29+$0xFFFFFE20] =	vst v3;
	v3 =	vld [tilespmem:s30+$0x120]  }
0x6b: {  	[tilespmem:s29+$0xFFFFFF20] =	vst v2;
	v2 =	vadd.f32 v5, v59;
	v5 =	vld [tilespmem:s30+$0xFFFFFEB0]  }
0x6c: {  	v4 =	vld [tilespmem:s1+$0xFFFFFE30]  }
0x6d: {  	v8 =	vld [tilespmem:s30+$0xFFFFFE30]  }
0x6e: {  	v62 =	vld [tilespmem:s1+$0xFFFFFF30]  }
0x6f: {  	[tilespmem:s29+$0xFFFFFFA0] =	vst v2;
	v1 =	vadd.f32 v1, v60;
	v2 =	vld [tilespmem:s30+$0xFFFFFF30]  }
0x70: {  	v9 =	vadd.f32 v54, v53;
	v63 =	vld [tilespmem:s1+$0xFFFFFFB0]  }
0x71: {  	[tilespmem:s29+$0x20] =	vst v1;
	v1 =	vadd.f32 v0, v7;
	v7 =	vld [tilespmem:s30+$0xFFFFFFB0]  }
0x72: {  	[tilespmem:s29+$0x1B0] =	vst v9;
	v6 =	vadd.f32 v3, v6;
	v0 =	vld [tilespmem:s1+$0x30]  }
0x73: {  	v3 =	vld [tilespmem:s30+$0x30];
	[tilespmem:s29+$0xA0] =	vst v1;
	v4 =	vadd.f32 v8, v4  }
0x74: {  	[tilespmem:s29+$0x120] =	vst v6;
	v1 =	vld [tilespmem:s1+$0xB0];
	v6 =	vadd.f32 v2, v62  }
0x75: {  	v5 =	vadd.f32 v5, v61;
	[tilespmem:s29+$0xFFFFFE30] =	vst v4;
	v4 =	vld [tilespmem:s30+$0xB0]  }
0x76: {  	v2 =	vld [tilespmem:s1+$0x130];
	[tilespmem:s29+$0xFFFFFF30] =	vst v6;
	v6 =	vadd.f32 v7, v63  }
0x77: {  	s31 =	sadd.s32 $0x1, s26;
	s0 =	simm.s32 $0x0;
	[tilespmem:s29+$0xFFFFFEB0] =	vst v5;
	v5 =	vld [tilespmem:s30+$0x130];
	s1 =	sadd.s32 $0x400, s1  }
.LBB2_3:
0x78: {  	v7 =	vld [tilespmem:s1+$0x180];
	[tilespmem:s29+$0xFFFFFFB0] =	vst v6;
	v0 =	vadd.f32 v3, v0;
	s30 =	sadd.s32 $0x400, s30  }
0x79: {  	v3 =	vld [tilespmem:s30+$0x180]  }
0x7a: {  	v6 =	vld [tilespmem:s30+$0xFFFFFE00];
	[tilespmem:s29+$0x30] =	vst v0;
	v0 =	vadd.f32 v4, v1  }
0x7b: {  	v1 =	vld [tilespmem:s1+$0xFFFFFE80]  }
0x7c: {  	s0 =	sadd.s32 $0x8, s0;
	v4 =	vld [tilespmem:s30+$0xFFFFFE80];
	[tilespmem:s29+$0xB0] =	vst v0;
	v0 =	vadd.f32 v5, v2  }
0x7d: {  	p1 =	slt.u32 s0, $0x48;
	v2 =	vld [tilespmem:s1+$0xFFFFFF00]  }
0x7e: {  	v5 =	vld [tilespmem:s30+$0xFFFFFF00];
	v3 =	vadd.f32 v3, v7;
	[tilespmem:s29+$0x130] =	vst v0  }
0x7f: {  	s29 =	sadd.s32 $0x400, s29;
	v0 =	vld [tilespmem:s1+$0xFFFFFF80]  }
0x80: {  	v7 =	vld [tilespmem:s30+$0xFFFFFF80];
	[tilespmem:s29+$0x180] =	vst v3  }
0x81: {  	v1 =	vadd.f32 v4, v1;
	v3 =	vld [tilespmem:s1+$0x190]  }
0x82: {  	v4 =	vld [tilespmem:s30+$0x190]  }
0x83: {  	[tilespmem:s29+$0xFFFFFE80] =	vst v1;
	v1 =	vadd.f32 v5, v2;
	v2 =	vld [tilespmem:s1+$0x0]  }
0x84: {  	v5 =	vld [tilespmem:s30+$0x0]  }
0x85: {  	[tilespmem:s29+$0xFFFFFF00] =	vst v1;
	v0 =	vadd.f32 v7, v0;
	v1 =	vld [tilespmem:s1+$0x80]  }
0x86: {  	v7 =	vld [tilespmem:s30+$0x80]  }
0x87: {  	[tilespmem:s29+$0xFFFFFF80] =	vst v0;
	v0 =	vld [tilespmem:s1+$0x100];
	v3 =	vadd.f32 v4, v3  }
0x88: {  	v4 =	vld [tilespmem:s30+$0x100]  }
0x89: {  	v8 =	vld [tilespmem:s1+$0xFFFFFE00];
	v2 =	vadd.f32 v5, v2;
	[tilespmem:s29+$0x190] =	vst v3  }
0x8a: {  	v3 =	vld [tilespmem:s1+$0x1A0]  }
0x8b: {  	[tilespmem:s29+$0x0] =	vst v2;
	v1 =	vadd.f32 v7, v1;
	v2 =	vld [tilespmem:s30+$0x1A0]  }
0x8c: {  	v5 =	vld [tilespmem:s1+$0xFFFFFE90]  }
0x8d: {  	v7 =	vld [tilespmem:s30+$0xFFFFFE90];
	[tilespmem:s29+$0x80] =	vst v1;
	v0 =	vadd.f32 v4, v0  }
0x8e: {  	v1 =	vadd.f32 v6, v8;
	v4 =	vld [tilespmem:s1+$0xFFFFFF10]  }
0x8f: {  	v6 =	vld [tilespmem:s30+$0xFFFFFF10];
	[tilespmem:s29+$0x100] =	vst v0  }
0x90: {  	[tilespmem:s29+$0xFFFFFE00] =	vst v1;
	v0 =	vld [tilespmem:s1+$0xFFFFFF90];
	v1 =	vadd.f32 v2, v3  }
0x91: {  	v2 =	vld [tilespmem:s1+$0xFFFFFE10]  }
0x92: {  	v3 =	vld [tilespmem:s30+$0xFFFFFE10];
	v5 =	vadd.f32 v7, v5;
	[tilespmem:s29+$0x1A0] =	vst v1  }
0x93: {  	v1 =	vld [tilespmem:s1+$0x1B0]  }
0x94: {  	[tilespmem:s29+$0xFFFFFE90] =	vst v5;
	v4 =	vadd.f32 v6, v4;
	v5 =	vld [tilespmem:s30+$0x1B0]  }
0x95: {  	v6 =	vld [tilespmem:s30+$0xFFFFFF90]  }
0x96: {  	[tilespmem:s29+$0xFFFFFF10] =	vst v4;
	v4 =	vld [tilespmem:s1+$0x10]  }
0x97: {  	v2 =	vadd.f32 v3, v2;
	v3 =	vld [tilespmem:s30+$0x10]  }
0x98: {  	v7 =	vld [tilespmem:s1+$0x90]  }
0x99: {  	[tilespmem:s29+$0xFFFFFE10] =	vst v2;
	v2 =	vld [tilespmem:s30+$0x90];
	v1 =	vadd.f32 v5, v1  }
0x9a: {  	v0 =	vadd.f32 v6, v0;
	v5 =	vld [tilespmem:s1+$0x110]  }
0x9b: {  	v6 =	vld [tilespmem:s30+$0x110];
	[tilespmem:s29+$0x1B0] =	vst v1  }
0x9c: {  	v1 =	vld [tilespmem:s1+$0xFFFFFE20];
	[tilespmem:s29+$0xFFFFFF90] =	vst v0;
	v0 =	vadd.f32 v3, v4  }
0x9d: {  	v3 =	vld [tilespmem:s30+$0xFFFFFE20]  }
0x9e: {  	v4 =	vld [tilespmem:s1+$0xFFFFFEA0];
	[tilespmem:s29+$0x10] =	vst v0;
	v0 =	vadd.f32 v2, v7  }
0x9f: {  	v2 =	vld [tilespmem:s30+$0xFFFFFEA0]  }
0xa0: {  	v7 =	vld [tilespmem:s1+$0xFFFFFF20];
	[tilespmem:s29+$0x90] =	vst v0;
	v0 =	vadd.f32 v6, v5  }
0xa1: {  	v5 =	vld [tilespmem:s30+$0xFFFFFF20]  }
0xa2: {  	v1 =	vadd.f32 v3, v1;
	v3 =	vld [tilespmem:s1+$0xFFFFFFA0];
	[tilespmem:s29+$0x110] =	vst v0  }
0xa3: {  	v0 =	vld [tilespmem:s30+$0xFFFFFFA0]  }
0xa4: {  	[tilespmem:s29+$0xFFFFFE20] =	vst v1;
	v1 =	vadd.f32 v2, v4;
	v2 =	vld [tilespmem:s1+$0x20]  }
0xa5: {  	v4 =	vld [tilespmem:s30+$0x20]  }
0xa6: {  	[tilespmem:s29+$0xFFFFFEA0] =	vst v1;
	v1 =	vadd.f32 v5, v7;
	v5 =	vld [tilespmem:s1+$0xA0]  }
0xa7: {  	v6 =	vld [tilespmem:s30+$0xA0]  }
0xa8: {  	[tilespmem:s29+$0xFFFFFF20] =	vst v1;
	v0 =	vadd.f32 v0, v3;
	v1 =	vld [tilespmem:s1+$0x120]  }
0xa9: {  	v3 =	vld [tilespmem:s30+$0x120]  }
0xaa: {  	v7 =	vld [tilespmem:s1+$0xFFFFFE30];
	[tilespmem:s29+$0xFFFFFFA0] =	vst v0;
	v0 =	vadd.f32 v4, v2  }
0xab: {  	v2 =	vld [tilespmem:s30+$0xFFFFFE30]  }
0xac: {  	v4 =	vld [tilespmem:s1+$0xFFFFFEB0];
	[tilespmem:s29+$0x20] =	vst v0;
	v0 =	vadd.f32 v6, v5  }
0xad: {  	v5 =	vld [tilespmem:s30+$0xFFFFFEB0]  }
0xae: {  	v6 =	vld [tilespmem:s1+$0xFFFFFF30];
	[tilespmem:s29+$0xA0] =	vst v0;
	v0 =	vadd.f32 v3, v1  }
0xaf: {  	v1 =	vld [tilespmem:s30+$0xFFFFFF30]  }
0xb0: {  	v2 =	vadd.f32 v2, v7;
	v7 =	vld [tilespmem:s1+$0xFFFFFFB0];
	[tilespmem:s29+$0x120] =	vst v0  }
0xb1: {  	v8 =	vld [tilespmem:s30+$0xFFFFFFB0]  }
0xb2: {  	[tilespmem:s29+$0xFFFFFE30] =	vst v2;
	v2 =	vadd.f32 v5, v4;
	v0 =	vld [tilespmem:s1+$0x30]  }
.Ltmp0:
0xb3: {  	v3 =	vld [tilespmem:s30+$0x30];
	(pc) =	sbr.rel @p1 .LBB2_3-.Ltmp0, $4  }
0xb4: {  	[tilespmem:s29+$0xFFFFFEB0] =	vst v2;
	v2 =	vadd.f32 v1, v6;
	v1 =	vld [tilespmem:s1+$0xB0]  }
0xb5: {  	v4 =	vld [tilespmem:s30+$0xB0]  }
0xb6: {  	[tilespmem:s29+$0xFFFFFF30] =	vst v2;
	v6 =	vadd.f32 v8, v7;
	v2 =	vld [tilespmem:s1+$0x130]  }
0xb7: {  	s1 =	sadd.s32 $0x400, s1;
	v5 =	vld [tilespmem:s30+$0x130]  }
0xb8: {  	_ = 	snop  }
0xb9: {  	s0 =	smul.u32 $0x50, s26  }
0xba: {  	v0 =	vadd.f32 v3, v0;
	s1 =	smul.u32 $0xA000, s28;
	p1 =	sne.s32 s31, $0x7D  }
.Ltmp1:
0xbb: {  	[tilespmem:s29+$0xFFFFFFB0] =	vst v6;
	v1 =	vadd.f32 v4, v1;
	(pc) =	sbr.rel @p1 .LBB2_2-.Ltmp1, $4  }
0xbc: {  	[tilespmem:s29+$0x30] =	vst v0;
	s0 =	sadd.s32 s4, s0;
	v63 =	vadd.f32 v5, v2  }
0xbd: {  	p0 =	por !p0, !p0;
	s1 =	sshrl.u32 s1, $0x2;
	s0 =	sshll.u32 s0, $0x4;
	[tilespmem:s29+$0xB0] =	vst v1  }
0xbe: {  	s26 =	smov.u32 s31;
	s1 =	sadd.s32 $0xA200, s1;
	s0 =	sadd.s32 s7, s0;
	[tilespmem:s29+$0x130] =	vst v63  }
0xbf: {  	[hbm4b:s0+s3] =	stream.linear.scatter [tilespmem:s1], [sflag:$0x5], $0x2800, $0x38;
	[tilespmem:$0xF200] =	vst v63  }
0xc0: {  	s25 =	sadd.s32 $0x1, s25  }
0xc1: {  	p0 =	sne.s32 s25, s13  }
.Ltmp2:
0xc2: {  	_ = 	snop;
	(pc) =	sbr.rel @p0 .LBB2_1-.Ltmp2, $4  }
0xc3: {  	_ = 	snop  }
0xc4: {  	_ =	swait.ge [sflag:s24], $0x2800  }
0xc5: {  	[sflag:s24] =	ssyncset.done $0x0  }
0xc6: {  	[sflag:s24] =	ssyncadd.s32 $0xFFFFD800  }
0xc7: {  	_ =	sfence.sel $0x180000  }
0xc8: {  	[bflag:$0x0] =	sbarrier.arrive $0xFFFF  }
0xc9: {  	_ =	strace $0x90000047  }
0xca: {  	s0 =	stileid.u32;
	[bflag:$0x2] =	sbarrier.arrive $0xFFFF  }
0xcb: {  	p0 =	sne.s32 s0, $0x0;
	s0 =	rddreg [dreg:$0x2]  }
0xcc: {  	s0 =	sadd.s32 @!p0 $0x100000, s0  }
0xcd: {  	[sflag:s0] =	ssyncadd.tile.s32 @!p0 $0x1;
	_ =	shalt  }
.Lfunc_end2:
_tile_overlayer_lowered:
.L_overlay_start_2:
0xce: {  	(tag) =	ssettag $0x2  }
0xcf: {  	s0 =	rddreg [dreg:$0x0];
	s2 =	stileid.u32  }
0xd0: {  	s1 =	rddreg [dreg:$0x1];
	p0 =	sne.s32 s2, $0x0  }
0xd1: {  	s3 =	rddreg [dreg:$0x2];
	[bflag:$0x3] =	sbarrier.arrive $0xFFFF;
	s2 =	simm.s32 @!p0 $0x1C06  }
0xd2: {  	[timem:s3], [sflag:s2] =	dma.local @!p0 [hbm:s0], s1  }
0xd3: {  	s0 =	simm.s32 @!p0 $0x6  }
0xd4: {  	_ =	swait.ge @!p0 [sflag:s0], s1  }
0xd5: {  	s1 =	ssub.s32 @!p0 $0x0, s1;
	[sflag:s0] =	ssyncset.done @!p0 $0x0  }
0xd6: {  	[sflag:s0] =	ssyncadd.s32 @!p0 s1  }
0xd7: {  	[bflag:$0x3] =	sbarrier.arrive $0xFFFF  }
0xd8: {  	_ =	shalt  }

</sc_bundles>
